<compile_context>
chip_gen: v7x
topology: tpu7x:2x2x1
jax: 0.10.2.dev20260603
libtpu: 0.0.44.dev20260713+nightly
codegen_flags: <defaults>
</compile_context>

<pallas_src>
import functools

import jax
import jax.numpy as jnp
from jax import lax
from jax.experimental import pallas as pl
from jax.experimental.pallas import tpu as pltpu
from jax.experimental.pallas import tpu_sc as plsc

N = 10000
E = 320000
DH = 128
DFF = 256
L = 7
NT = 40
EPS = 1e-7
LN_EPS = 1e-5

RB = 1000
GRID = N // RB

NS = 16
CH = 80
EPT = E // NS
NCHUNK = EPT // CH
NP = 10112
RPT = NP // NS



def _ln(z, g, b):
    mu = jnp.mean(z, axis=-1, keepdims=True)
    zc = z - mu
    var = jnp.mean(zc * zc, axis=-1, keepdims=True)
    return zc * lax.rsqrt(var + LN_EPS) * g + b


def _enc_body(x_ref, We_ref, be_ref, g_ref, qmax_ref):
    i = pl.program_id(0)
    h = jnp.dot(x_ref[...], We_ref[...], preferred_element_type=jnp.float32)
    h = h + be_ref[...]
    g_ref[...] = h
    cur = jnp.max(jax.nn.relu(h), axis=0, keepdims=True)

    @pl.when(i == 0)
    def _():
        qmax_ref[...] = cur

    @pl.when(i > 0)
    def _():
        qmax_ref[...] = jnp.maximum(qmax_ref[...], cur)


def _emit_body(g_ref, qmax_ref, v_ref):
    g = jax.nn.relu(g_ref[...])
    q = g + EPS
    p = jnp.exp(g - qmax_ref[...])
    v_ref[0] = q * p
    v_ref[1] = p


def _mlp_body(res, num_ref, den_ref, g_ref, h_ref, W1_ref, b1_ref, g1_ref,
              be1_ref, W2_ref, b2_ref, Gn_ref, Bn_ref,
              h_out, gn_out, qmax_ref):
    i = pl.program_id(0)
    m = num_ref[...] / (den_ref[...] + 1e-16)
    z = g_ref[...] + m
    t = jnp.dot(z, W1_ref[...], preferred_element_type=jnp.float32)
    t = jax.nn.relu(_ln(t + b1_ref[...], g1_ref[...], be1_ref[...]))
    u = jnp.dot(t, W2_ref[...], preferred_element_type=jnp.float32)
    u = u + b2_ref[...]
    hn = u + h_ref[...] if res else u
    h_out[...] = hn
    gn = jax.nn.relu(_ln(hn, Gn_ref[...], Bn_ref[...]))
    gn_out[...] = gn
    cur = jnp.max(gn, axis=0, keepdims=True)

    @pl.when(i == 0)
    def _():
        qmax_ref[...] = cur

    @pl.when(i > 0)
    def _():
        qmax_ref[...] = jnp.maximum(qmax_ref[...], cur)


def _head_body(g_ref, Wp_ref, bp_ref, o_ref):
    s = jnp.dot(g_ref[...], Wp_ref[...], preferred_element_type=jnp.float32)
    s = s + bp_ref[...]
    mx = jnp.max(s, axis=-1, keepdims=True)
    e = jnp.exp(s - mx)
    lse = jnp.log(jnp.sum(e, axis=-1, keepdims=True)) + mx
    o_ref[...] = s - lse


_ROW = lambda i: (i, 0)
_CONST = lambda i: (0, 0)


def _encoder(x, We, be):
    return pl.pallas_call(
        _enc_body,
        grid=(GRID,),
        in_specs=[pl.BlockSpec((RB, DH), _ROW),
                  pl.BlockSpec((DH, DH), _CONST),
                  pl.BlockSpec((1, DH), _CONST)],
        out_specs=[pl.BlockSpec((RB, DH), _ROW),
                   pl.BlockSpec((1, DH), _CONST)],
        out_shape=[jax.ShapeDtypeStruct((N, DH), jnp.float32),
                   jax.ShapeDtypeStruct((1, DH), jnp.float32)],
    )(x, We, be.reshape(1, DH))


def _emit(g, qmax):
    return pl.pallas_call(
        _emit_body,
        grid=(GRID,),
        in_specs=[pl.BlockSpec((RB, DH), _ROW),
                  pl.BlockSpec((1, DH), _CONST)],
        out_specs=pl.BlockSpec((2, RB, DH), lambda i: (0, i, 0)),
        out_shape=jax.ShapeDtypeStruct((2, N, DH), jnp.float32),
    )(g, qmax)


def _mlp(res, num, den, g, h_prev, W1, b1, g1, be1, W2, b2, Gn, Bn):
    return pl.pallas_call(
        functools.partial(_mlp_body, res),
        grid=(GRID,),
        in_specs=[pl.BlockSpec((RB, DH), _ROW),
                  pl.BlockSpec((RB, DH), _ROW),
                  pl.BlockSpec((RB, DH), _ROW),
                  pl.BlockSpec((RB, DH), _ROW),
                  pl.BlockSpec((DH, DFF), _CONST),
                  pl.BlockSpec((1, DFF), _CONST),
                  pl.BlockSpec((1, DFF), _CONST),
                  pl.BlockSpec((1, DFF), _CONST),
                  pl.BlockSpec((DFF, DH), _CONST),
                  pl.BlockSpec((1, DH), _CONST),
                  pl.BlockSpec((1, DH), _CONST),
                  pl.BlockSpec((1, DH), _CONST)],
        out_specs=[pl.BlockSpec((RB, DH), _ROW),
                   pl.BlockSpec((RB, DH), _ROW),
                   pl.BlockSpec((1, DH), _CONST)],
        out_shape=[jax.ShapeDtypeStruct((N, DH), jnp.float32),
                   jax.ShapeDtypeStruct((N, DH), jnp.float32),
                   jax.ShapeDtypeStruct((1, DH), jnp.float32)],
    )(num, den, g, h_prev, W1, b1.reshape(1, DFF), g1.reshape(1, DFF),
      be1.reshape(1, DFF), W2, b2.reshape(1, DH), Gn.reshape(1, DH),
      Bn.reshape(1, DH))


def _head(g, Wp, bp):
    return pl.pallas_call(
        _head_body,
        grid=(GRID,),
        in_specs=[pl.BlockSpec((RB, DH), _ROW),
                  pl.BlockSpec((DH, NT), _CONST),
                  pl.BlockSpec((1, NT), _CONST)],
        out_specs=pl.BlockSpec((RB, NT), _ROW),
        out_shape=jax.ShapeDtypeStruct((N, NT), jnp.float32),
    )(g, Wp, bp.reshape(1, NT))



def _spmm_body(src2_hbm, dst_hbm, tab_hbm, zer_hbm, out_hbm,
               sidx, didx, rows, accum, sem_g):
    core = lax.axis_index("c")
    sub = lax.axis_index("s")
    base_n = sub * RPT
    pltpu.sync_copy(zer_hbm, accum.at[pl.ds(base_n, RPT)])
    plsc.subcore_barrier()

    off0 = core * E + sub * EPT
    doff0 = sub * EPT

    def chunk(j, carry):
        pltpu.sync_copy(src2_hbm.at[pl.ds(off0 + j * CH, CH)], sidx)
        pltpu.sync_copy(dst_hbm.at[pl.ds(doff0 + j * CH, CH)], didx)
        pltpu.async_copy(tab_hbm.at[sidx], rows, sem_g).wait()
        pltpu.sync_copy(rows, accum.at[didx], add=True)
        return carry

    lax.fori_loop(0, NCHUNK, chunk, 0)
    plsc.subcore_barrier()
    pltpu.sync_copy(accum.at[pl.ds(base_n, RPT)],
                    out_hbm.at[pl.ds(core * NP + base_n, RPT)])


@functools.lru_cache(maxsize=None)
def _get_spmm():
    mesh = plsc.VectorSubcoreMesh(core_axis_name="c", subcore_axis_name="s")
    return pl.kernel(
        _spmm_body,
        mesh=mesh,
        out_type=jax.ShapeDtypeStruct((2 * NP, DH), jnp.float32),
        scratch_types=[
            pltpu.VMEM((CH,), jnp.int32),
            pltpu.VMEM((CH,), jnp.int32),
            pltpu.VMEM((CH, DH), jnp.float32),
            pltpu.VMEM_SHARED((NP, DH), jnp.float32),
            pltpu.SemaphoreType.DMA,
        ],
    )


def _sparse_agg(src, dst, v):
    src2 = jnp.concatenate([src, src + N]).astype(jnp.int32)
    zer = jnp.zeros((RPT, DH), jnp.float32)
    y = _get_spmm()(src2, dst.astype(jnp.int32), v.reshape(2 * N, DH), zer)
    return y[0:N], y[NP:NP + N]



def kernel(x, edge_index, We, be, Wm1, bm1, g1, be1, Wm2, bm2, Gn, Bn, Wp, bp):
    src = edge_index[0]
    dst = edge_index[1]
    g, qmax = _encoder(x, We, be)
    h = g
    for l in range(L):
        v = _emit(g, qmax)
        num, den = _sparse_agg(src, dst, v)
        h, g, qmax = _mlp(l > 0, num, den, g, h, Wm1[l], bm1[l], g1[l],
                          be1[l], Wm2[l], bm2[l], Gn[l], Bn[l])
    return _head(g, Wp, bp)

# --- scband reference (transcript-rebuilt; emitter-appended) ---
"""Pipeline reference for scband-deeper-gcn-33483565039621 (READ-ONLY COPY).

The authoritative reference and input builder live on the scoring server;
editing this copy changes nothing except your own understanding.
"""

import jax, jax.numpy as jnp
import numpy as np

N = 10000
E = 320000
D_IN = 128
D_H = 128
D_FF = 256
L = 7
N_TASKS = 40
EPS = 1e-7


def setup_inputs(seed: int = 0):
    key = jax.random.key(seed)
    ks = jax.random.split(key, 8)
    x = jax.random.normal(ks[0], (N, D_IN), dtype=jnp.float32)
    edge_index = jax.random.randint(ks[1], (2, E), 0, N)
    We = jax.random.normal(ks[2], (D_IN, D_H), dtype=jnp.float32) * 0.05
    be = jnp.zeros((D_H,), dtype=jnp.float32)
    Wm1 = jax.random.normal(ks[3], (L, D_H, D_FF), dtype=jnp.float32) * 0.05
    bm1 = jnp.zeros((L, D_FF), dtype=jnp.float32)
    g1 = jnp.ones((L, D_FF), dtype=jnp.float32)
    be1 = jnp.zeros((L, D_FF), dtype=jnp.float32)
    Wm2 = jax.random.normal(ks[4], (L, D_FF, D_H), dtype=jnp.float32) * 0.05
    bm2 = jnp.zeros((L, D_H), dtype=jnp.float32)
    Gn = jnp.ones((L, D_H), dtype=jnp.float32)
    Bn = jnp.zeros((L, D_H), dtype=jnp.float32)
    Wp = jax.random.normal(ks[5], (D_H, N_TASKS), dtype=jnp.float32) * 0.05
    bp = jnp.zeros((N_TASKS,), dtype=jnp.float32)
    return dict(x=x, edge_index=edge_index, We=We, be=be, Wm1=Wm1, bm1=bm1, g1=g1, be1=be1, Wm2=Wm2, bm2=bm2, Gn=Gn, Bn=Bn, Wp=Wp, bp=bp)


def _layer_norm(h, g, b):
    mu = jnp.mean(h, axis=-1, keepdims=True)
    var = jnp.var(h, axis=-1, keepdims=True)
    return (h - mu) / jnp.sqrt(var + 1e-5) * g + b


def _scatter_softmax(vals, index, num_segments):
    vmax = jax.ops.segment_max(vals, index, num_segments=num_segments)
    vmax = jnp.where(jnp.isfinite(vmax), vmax, 0.0)
    ex = jnp.exp(vals - vmax[index])
    denom = jax.ops.segment_sum(ex, index, num_segments=num_segments)
    return ex / (denom[index] + 1e-16)


def _genconv(h, src, dst, Wm1, bm1, g1, be1, Wm2, bm2):
    # message: relu(x_j) + eps  (no edge_attr)
    msg = jax.nn.relu(h[src]) + EPS
    # softmax aggregation with t=1.0 (learn_t=False)
    w = _scatter_softmax(msg * 1.0, dst, N)
    m = jax.ops.segment_sum(msg * w, dst, num_segments=N)
    # msg_norm=False -> h = x + m, then MLP: Lin -> LN -> ReLU -> Lin (last_lin)
    z = h + m
    z = z @ Wm1 + bm1
    z = _layer_norm(z, g1, be1)
    z = jax.nn.relu(z)
    z = z @ Wm2 + bm2
    return z


def reference(x, edge_index, We, be, Wm1, bm1, g1, be1, Wm2, bm2, Gn, Bn, Wp, bp):
    src = edge_index[0]
    dst = edge_index[1]
    # node feature encoder
    h = x @ We + be
    # block == 'res+' : LN -> ReLU -> GraphConv -> Res (dropout identity at eval)
    h = _genconv(h, src, dst, Wm1[0], bm1[0], g1[0], be1[0], Wm2[0], bm2[0])
    for l in range(1, L):
        h1 = _layer_norm(h, Gn[l - 1], Bn[l - 1])
        h2 = jax.nn.relu(h1)
        h = _genconv(h2, src, dst, Wm1[l], bm1[l], g1[l], be1[l], Wm2[l], bm2[l]) + h
    h = jax.nn.relu(_layer_norm(h, Gn[L - 1], Bn[L - 1]))
    h = h @ Wp + bp
    return jax.nn.log_softmax(h, axis=-1)

if __name__ == "__main__":
    import jax
    _d = setup_inputs()
    print(jax.jit(kernel)(*tuple(_d.values())))

</pallas_src>

<mosaic_0001>
#map = affine_map<(d0, d1) -> (0)>
#map1 = affine_map<(d0, d1) -> (0, 0)>
module attributes {stable_mosaic.version = 14 : i64} {
  func.func @_spmm_body(%arg0: i32, %arg1: i32, %arg2: memref<640000xi32, #tpu.memory_space<hbm>>, %arg3: memref<320000xi32, #tpu.memory_space<hbm>>, %arg4: memref<20000x128xf32, #tpu.memory_space<hbm>>, %arg5: memref<632x128xf32, #tpu.memory_space<hbm>>, %arg6: memref<20224x128xf32, #tpu.memory_space<hbm>>, %arg7: memref<80xi32, #tpu.memory_space<vmem>>, %arg8: memref<80xi32, #tpu.memory_space<vmem>>, %arg9: memref<80x128xf32, #tpu.memory_space<vmem>>, %arg10: memref<10112x128xf32, #tpu.memory_space<vmem_shared>>, %arg11: memref<!tpu.dma_semaphore, #tpu.memory_space<semaphore_mem>>) attributes {dimension_semantics = [#tpu.dimension_semantics<core_parallel>, #tpu.dimension_semantics<subcore_parallel>], iteration_bounds = array<i64: 2, 16>, scalar_prefetch = 0 : i64, scratch_operands = 5 : i64, tpu.core_type = #tpu.core_type<sc_vector_subcore>, window_params = [{transform_indices = #map}, {transform_indices = #map}, {transform_indices = #map1}, {transform_indices = #map1}, {transform_indices = #map1}]} {
    %mul3A = arith.constant 632 : i32
    %mul3A_0 = arith.muli %arg1, %mul3A : i32
    "tpu.region"() ({
      %run_scoped3A = tpu.sem_alloc : memref<!tpu.dma_semaphore, #tpu.memory_space<semaphore_mem>>
      %dma_start3A = arith.constant 0 : i32
      %dma_start3A_16 = tpu.memref_slice %arg10[%mul3A_0, %dma_start3A] : memref<10112x128xf32, #tpu.memory_space<vmem_shared>> -> memref<632x128xf32, #tpu.memory_space<vmem_shared>>
      tpu.enqueue_dma source(%arg5 : memref<632x128xf32, #tpu.memory_space<hbm>>) target(%dma_start3A_16 : memref<632x128xf32, #tpu.memory_space<vmem_shared>>) target_semaphore(%run_scoped3A : memref<!tpu.dma_semaphore, #tpu.memory_space<semaphore_mem>>)
      %dma_wait3A = arith.constant 0 : i32
      %dma_wait3A_17 = tpu.memref_slice %arg10[%mul3A_0, %dma_wait3A] : memref<10112x128xf32, #tpu.memory_space<vmem_shared>> -> memref<632x128xf32, #tpu.memory_space<vmem_shared>>
      tpu.wait_dma2 semaphore(%run_scoped3A : memref<!tpu.dma_semaphore, #tpu.memory_space<semaphore_mem>>) src(%arg5 : memref<632x128xf32, #tpu.memory_space<hbm>>) dst(%dma_wait3A_17 : memref<632x128xf32, #tpu.memory_space<vmem_shared>>)
      tpu.yield
    }) : () -> ()
    %barrier3A = arith.constant 0 : index
    tpu.barrier barrier_id(%barrier3A)
    %mul3A_1 = arith.constant 320000 : i32
    %mul3A_2 = arith.muli %arg0, %mul3A_1 : i32
    %mul3A_3 = arith.constant 20000 : i32
    %mul3A_4 = arith.muli %arg1, %mul3A_3 : i32
    %add3A = arith.addi %mul3A_2, %mul3A_4 : i32
    %mul3A_5 = arith.constant 20000 : i32
    %mul3A_6 = arith.muli %arg1, %mul3A_5 : i32
    %scan3A = arith.constant 0 : i32
    %scan3A_7 = arith.constant 0 : i32
    %scan3A_8 = arith.constant 250 : i32
    %scan3A_9 = arith.addi %scan3A_7, %scan3A_8 : i32
    %scan3A_10 = arith.constant 1 : i32
    scf.for %scan3A_16 = %scan3A_7 to %scan3A_9 step %scan3A_10  : i32 {
      %mul3A_17 = arith.constant 80 : i32
      %mul3A_18 = arith.muli %scan3A_16, %mul3A_17 : i32
      %add3A_19 = arith.addi %add3A, %mul3A_18 : i32
      "tpu.region"() ({
        %run_scoped3A = tpu.sem_alloc : memref<!tpu.dma_semaphore, #tpu.memory_space<semaphore_mem>>
        %dma_start3A_27 = tpu.memref_slice %arg2[%add3A_19] : memref<640000xi32, #tpu.memory_space<hbm>> -> memref<80xi32, #tpu.memory_space<hbm>>
        %dma_start3A_28 = tpu.memref_slice %arg2[%add3A_19] : memref<640000xi32, #tpu.memory_space<hbm>> -> memref<80xi32, #tpu.memory_space<hbm>>
        tpu.enqueue_dma source(%dma_start3A_28 : memref<80xi32, #tpu.memory_space<hbm>>) target(%arg7 : memref<80xi32, #tpu.memory_space<vmem>>) target_semaphore(%run_scoped3A : memref<!tpu.dma_semaphore, #tpu.memory_space<semaphore_mem>>)
        %dma_wait3A_29 = tpu.memref_slice %arg2[%add3A_19] : memref<640000xi32, #tpu.memory_space<hbm>> -> memref<80xi32, #tpu.memory_space<hbm>>
        %dma_wait3A_30 = tpu.memref_slice %arg2[%add3A_19] : memref<640000xi32, #tpu.memory_space<hbm>> -> memref<80xi32, #tpu.memory_space<hbm>>
        tpu.wait_dma2 semaphore(%run_scoped3A : memref<!tpu.dma_semaphore, #tpu.memory_space<semaphore_mem>>) src(%dma_wait3A_30 : memref<80xi32, #tpu.memory_space<hbm>>) dst(%arg7 : memref<80xi32, #tpu.memory_space<vmem>>)
        tpu.yield
      }) : () -> ()
      %mul3A_20 = arith.constant 80 : i32
      %mul3A_21 = arith.muli %scan3A_16, %mul3A_20 : i32
      %add3A_22 = arith.addi %mul3A_6, %mul3A_21 : i32
      "tpu.region"() ({
        %run_scoped3A = tpu.sem_alloc : memref<!tpu.dma_semaphore, #tpu.memory_space<semaphore_mem>>
        %dma_start3A_27 = tpu.memref_slice %arg3[%add3A_22] : memref<320000xi32, #tpu.memory_space<hbm>> -> memref<80xi32, #tpu.memory_space<hbm>>
        %dma_start3A_28 = tpu.memref_slice %arg3[%add3A_22] : memref<320000xi32, #tpu.memory_space<hbm>> -> memref<80xi32, #tpu.memory_space<hbm>>
        tpu.enqueue_dma source(%dma_start3A_28 : memref<80xi32, #tpu.memory_space<hbm>>) target(%arg8 : memref<80xi32, #tpu.memory_space<vmem>>) target_semaphore(%run_scoped3A : memref<!tpu.dma_semaphore, #tpu.memory_space<semaphore_mem>>)
        %dma_wait3A_29 = tpu.memref_slice %arg3[%add3A_22] : memref<320000xi32, #tpu.memory_space<hbm>> -> memref<80xi32, #tpu.memory_space<hbm>>
        %dma_wait3A_30 = tpu.memref_slice %arg3[%add3A_22] : memref<320000xi32, #tpu.memory_space<hbm>> -> memref<80xi32, #tpu.memory_space<hbm>>
        tpu.wait_dma2 semaphore(%run_scoped3A : memref<!tpu.dma_semaphore, #tpu.memory_space<semaphore_mem>>) src(%dma_wait3A_30 : memref<80xi32, #tpu.memory_space<hbm>>) dst(%arg8 : memref<80xi32, #tpu.memory_space<vmem>>)
        tpu.yield
      }) : () -> ()
      %dma_start3A = arith.constant 0 : i32
      %dma_start3A_23 = arith.constant 0 : i32
      %dma_start3A_24 = tpu.memref_slice %arg4[%dma_start3A, %dma_start3A_23] : memref<20000x128xf32, #tpu.memory_space<hbm>> -> memref<20000x128xf32, #tpu.memory_space<hbm>>
      tpu.enqueue_indirect_dma source(%dma_start3A_24 : memref<20000x128xf32, #tpu.memory_space<hbm>>) target(%arg9 : memref<80x128xf32, #tpu.memory_space<vmem>>) offsets(%arg7 : memref<80xi32, #tpu.memory_space<vmem>>) semaphore(%arg11 : memref<!tpu.dma_semaphore, #tpu.memory_space<semaphore_mem>>)
      %dma_wait3A = arith.constant 0 : i32
      %dma_wait3A_25 = arith.constant 0 : i32
      %dma_wait3A_26 = tpu.memref_slice %arg4[%dma_wait3A, %dma_wait3A_25] : memref<20000x128xf32, #tpu.memory_space<hbm>> -> memref<20000x128xf32, #tpu.memory_space<hbm>>
      tpu.wait_indirect_dma semaphore(%arg11 : memref<!tpu.dma_semaphore, #tpu.memory_space<semaphore_mem>>) src(%dma_wait3A_26 : memref<20000x128xf32, #tpu.memory_space<hbm>>) dst(%arg9 : memref<80x128xf32, #tpu.memory_space<vmem>>)
      "tpu.region"() ({
        %run_scoped3A = tpu.sem_alloc : memref<!tpu.dma_semaphore, #tpu.memory_space<semaphore_mem>>
        %dma_start3A_27 = arith.constant 0 : i32
        %dma_start3A_28 = arith.constant 0 : i32
        %dma_start3A_29 = tpu.memref_slice %arg10[%dma_start3A_27, %dma_start3A_28] : memref<10112x128xf32, #tpu.memory_space<vmem_shared>> -> memref<10112x128xf32, #tpu.memory_space<vmem_shared>>
        tpu.enqueue_indirect_dma source(%arg9 : memref<80x128xf32, #tpu.memory_space<vmem>>) target(%dma_start3A_29 : memref<10112x128xf32, #tpu.memory_space<vmem_shared>>) offsets(%arg8 : memref<80xi32, #tpu.memory_space<vmem>>) semaphore(%run_scoped3A : memref<!tpu.dma_semaphore, #tpu.memory_space<semaphore_mem>>) {add = true}
        %dma_wait3A_30 = arith.constant 0 : i32
        %dma_wait3A_31 = arith.constant 0 : i32
        %dma_wait3A_32 = tpu.memref_slice %arg10[%dma_wait3A_30, %dma_wait3A_31] : memref<10112x128xf32, #tpu.memory_space<vmem_shared>> -> memref<10112x128xf32, #tpu.memory_space<vmem_shared>>
        tpu.wait_indirect_dma semaphore(%run_scoped3A : memref<!tpu.dma_semaphore, #tpu.memory_space<semaphore_mem>>) src(%arg9 : memref<80x128xf32, #tpu.memory_space<vmem>>) dst(%dma_wait3A_32 : memref<10112x128xf32, #tpu.memory_space<vmem_shared>>)
        tpu.yield
      }) : () -> ()
    }
    %scan3A_11 = arith.constant 250 : i32
    %barrier3A_12 = arith.constant 0 : index
    tpu.barrier barrier_id(%barrier3A_12)
    %mul3A_13 = arith.constant 10112 : i32
    %mul3A_14 = arith.muli %arg0, %mul3A_13 : i32
    %add3A_15 = arith.addi %mul3A_14, %mul3A_0 : i32
    "tpu.region"() ({
      %run_scoped3A = tpu.sem_alloc : memref<!tpu.dma_semaphore, #tpu.memory_space<semaphore_mem>>
      %dma_start3A = arith.constant 0 : i32
      %dma_start3A_16 = tpu.memref_slice %arg6[%add3A_15, %dma_start3A] : memref<20224x128xf32, #tpu.memory_space<hbm>> -> memref<632x128xf32, #tpu.memory_space<hbm>>
      %dma_start3A_17 = arith.constant 0 : i32
      %dma_start3A_18 = tpu.memref_slice %arg10[%mul3A_0, %dma_start3A_17] : memref<10112x128xf32, #tpu.memory_space<vmem_shared>> -> memref<632x128xf32, #tpu.memory_space<vmem_shared>>
      tpu.enqueue_dma source(%dma_start3A_18 : memref<632x128xf32, #tpu.memory_space<vmem_shared>>) target(%dma_start3A_16 : memref<632x128xf32, #tpu.memory_space<hbm>>) target_semaphore(%run_scoped3A : memref<!tpu.dma_semaphore, #tpu.memory_space<semaphore_mem>>)
      %dma_wait3A = arith.constant 0 : i32
      %dma_wait3A_19 = tpu.memref_slice %arg6[%add3A_15, %dma_wait3A] : memref<20224x128xf32, #tpu.memory_space<hbm>> -> memref<632x128xf32, #tpu.memory_space<hbm>>
      %dma_wait3A_20 = arith.constant 0 : i32
      %dma_wait3A_21 = tpu.memref_slice %arg10[%mul3A_0, %dma_wait3A_20] : memref<10112x128xf32, #tpu.memory_space<vmem_shared>> -> memref<632x128xf32, #tpu.memory_space<vmem_shared>>
      tpu.wait_dma2 semaphore(%run_scoped3A : memref<!tpu.dma_semaphore, #tpu.memory_space<semaphore_mem>>) src(%dma_wait3A_21 : memref<632x128xf32, #tpu.memory_space<vmem_shared>>) dst(%dma_wait3A_19 : memref<632x128xf32, #tpu.memory_space<hbm>>)
      tpu.yield
    }) : () -> ()
    return
  }
}

#map = affine_map<(d0, d1) -> (0)>
#map1 = affine_map<(d0, d1) -> (0, 0)>
module attributes {stable_mosaic.version = 14 : i64} {
  func.func @_spmm_body(%arg0: i32, %arg1: i32, %arg2: memref<640000xi32, #tpu.memory_space<hbm>>, %arg3: memref<320000xi32, #tpu.memory_space<hbm>>, %arg4: memref<20000x128xf32, #tpu.memory_space<hbm>>, %arg5: memref<632x128xf32, #tpu.memory_space<hbm>>, %arg6: memref<20224x128xf32, #tpu.memory_space<hbm>>, %arg7: memref<80xi32, #tpu.memory_space<vmem>>, %arg8: memref<80xi32, #tpu.memory_space<vmem>>, %arg9: memref<80x128xf32, #tpu.memory_space<vmem>>, %arg10: memref<10112x128xf32, #tpu.memory_space<vmem_shared>>, %arg11: memref<!tpu.dma_semaphore, #tpu.memory_space<semaphore_mem>>) attributes {dimension_semantics = [#tpu.dimension_semantics<core_parallel>, #tpu.dimension_semantics<subcore_parallel>], iteration_bounds = array<i64: 2, 16>, scalar_prefetch = 0 : i64, scratch_operands = 5 : i64, tpu.core_type = #tpu.core_type<sc_vector_subcore>, window_params = [{transform_indices = #map}, {transform_indices = #map}, {transform_indices = #map1}, {transform_indices = #map1}, {transform_indices = #map1}]} {
    %mul3A = arith.constant 632 : i32
    %mul3A_0 = arith.muli %arg1, %mul3A : i32
    "tpu.region"() ({
      %run_scoped3A = tpu.sem_alloc : memref<!tpu.dma_semaphore, #tpu.memory_space<semaphore_mem>>
      %dma_start3A = arith.constant 0 : i32
      %dma_start3A_16 = tpu.memref_slice %arg10[%mul3A_0, %dma_start3A] : memref<10112x128xf32, #tpu.memory_space<vmem_shared>> -> memref<632x128xf32, #tpu.memory_space<vmem_shared>>
      tpu.enqueue_dma source(%arg5 : memref<632x128xf32, #tpu.memory_space<hbm>>) target(%dma_start3A_16 : memref<632x128xf32, #tpu.memory_space<vmem_shared>>) target_semaphore(%run_scoped3A : memref<!tpu.dma_semaphore, #tpu.memory_space<semaphore_mem>>)
      %dma_wait3A = arith.constant 0 : i32
      %dma_wait3A_17 = tpu.memref_slice %arg10[%mul3A_0, %dma_wait3A] : memref<10112x128xf32, #tpu.memory_space<vmem_shared>> -> memref<632x128xf32, #tpu.memory_space<vmem_shared>>
      tpu.wait_dma2 semaphore(%run_scoped3A : memref<!tpu.dma_semaphore, #tpu.memory_space<semaphore_mem>>) src(%arg5 : memref<632x128xf32, #tpu.memory_space<hbm>>) dst(%dma_wait3A_17 : memref<632x128xf32, #tpu.memory_space<vmem_shared>>)
      tpu.yield
    }) : () -> ()
    %barrier3A = arith.constant 0 : index
    tpu.barrier barrier_id(%barrier3A)
    %mul3A_1 = arith.constant 320000 : i32
    %mul3A_2 = arith.muli %arg0, %mul3A_1 : i32
    %mul3A_3 = arith.constant 20000 : i32
    %mul3A_4 = arith.muli %arg1, %mul3A_3 : i32
    %add3A = arith.addi %mul3A_2, %mul3A_4 : i32
    %mul3A_5 = arith.constant 20000 : i32
    %mul3A_6 = arith.muli %arg1, %mul3A_5 : i32
    %scan3A = arith.constant 0 : i32
    %scan3A_7 = arith.constant 0 : i32
    %scan3A_8 = arith.constant 250 : i32
    %scan3A_9 = arith.addi %scan3A_7, %scan3A_8 : i32
    %scan3A_10 = arith.constant 1 : i32
    scf.for %scan3A_16 = %scan3A_7 to %scan3A_9 step %scan3A_10  : i32 {
      %mul3A_17 = arith.constant 80 : i32
      %mul3A_18 = arith.muli %scan3A_16, %mul3A_17 : i32
      %add3A_19 = arith.addi %add3A, %mul3A_18 : i32
      "tpu.region"() ({
        %run_scoped3A = tpu.sem_alloc : memref<!tpu.dma_semaphore, #tpu.memory_space<semaphore_mem>>
        %dma_start3A_27 = tpu.memref_slice %arg2[%add3A_19] : memref<640000xi32, #tpu.memory_space<hbm>> -> memref<80xi32, #tpu.memory_space<hbm>>
        %dma_start3A_28 = tpu.memref_slice %arg2[%add3A_19] : memref<640000xi32, #tpu.memory_space<hbm>> -> memref<80xi32, #tpu.memory_space<hbm>>
        tpu.enqueue_dma source(%dma_start3A_28 : memref<80xi32, #tpu.memory_space<hbm>>) target(%arg7 : memref<80xi32, #tpu.memory_space<vmem>>) target_semaphore(%run_scoped3A : memref<!tpu.dma_semaphore, #tpu.memory_space<semaphore_mem>>)
        %dma_wait3A_29 = tpu.memref_slice %arg2[%add3A_19] : memref<640000xi32, #tpu.memory_space<hbm>> -> memref<80xi32, #tpu.memory_space<hbm>>
        %dma_wait3A_30 = tpu.memref_slice %arg2[%add3A_19] : memref<640000xi32, #tpu.memory_space<hbm>> -> memref<80xi32, #tpu.memory_space<hbm>>
        tpu.wait_dma2 semaphore(%run_scoped3A : memref<!tpu.dma_semaphore, #tpu.memory_space<semaphore_mem>>) src(%dma_wait3A_30 : memref<80xi32, #tpu.memory_space<hbm>>) dst(%arg7 : memref<80xi32, #tpu.memory_space<vmem>>)
        tpu.yield
      }) : () -> ()
      %mul3A_20 = arith.constant 80 : i32
      %mul3A_21 = arith.muli %scan3A_16, %mul3A_20 : i32
      %add3A_22 = arith.addi %mul3A_6, %mul3A_21 : i32
      "tpu.region"() ({
        %run_scoped3A = tpu.sem_alloc : memref<!tpu.dma_semaphore, #tpu.memory_space<semaphore_mem>>
        %dma_start3A_27 = tpu.memref_slice %arg3[%add3A_22] : memref<320000xi32, #tpu.memory_space<hbm>> -> memref<80xi32, #tpu.memory_space<hbm>>
        %dma_start3A_28 = tpu.memref_slice %arg3[%add3A_22] : memref<320000xi32, #tpu.memory_space<hbm>> -> memref<80xi32, #tpu.memory_space<hbm>>
        tpu.enqueue_dma source(%dma_start3A_28 : memref<80xi32, #tpu.memory_space<hbm>>) target(%arg8 : memref<80xi32, #tpu.memory_space<vmem>>) target_semaphore(%run_scoped3A : memref<!tpu.dma_semaphore, #tpu.memory_space<semaphore_mem>>)
        %dma_wait3A_29 = tpu.memref_slice %arg3[%add3A_22] : memref<320000xi32, #tpu.memory_space<hbm>> -> memref<80xi32, #tpu.memory_space<hbm>>
        %dma_wait3A_30 = tpu.memref_slice %arg3[%add3A_22] : memref<320000xi32, #tpu.memory_space<hbm>> -> memref<80xi32, #tpu.memory_space<hbm>>
        tpu.wait_dma2 semaphore(%run_scoped3A : memref<!tpu.dma_semaphore, #tpu.memory_space<semaphore_mem>>) src(%dma_wait3A_30 : memref<80xi32, #tpu.memory_space<hbm>>) dst(%arg8 : memref<80xi32, #tpu.memory_space<vmem>>)
        tpu.yield
      }) : () -> ()
      %dma_start3A = arith.constant 0 : i32
      %dma_start3A_23 = arith.constant 0 : i32
      %dma_start3A_24 = tpu.memref_slice %arg4[%dma_start3A, %dma_start3A_23] : memref<20000x128xf32, #tpu.memory_space<hbm>> -> memref<20000x128xf32, #tpu.memory_space<hbm>>
      tpu.enqueue_indirect_dma source(%dma_start3A_24 : memref<20000x128xf32, #tpu.memory_space<hbm>>) target(%arg9 : memref<80x128xf32, #tpu.memory_space<vmem>>) offsets(%arg7 : memref<80xi32, #tpu.memory_space<vmem>>) semaphore(%arg11 : memref<!tpu.dma_semaphore, #tpu.memory_space<semaphore_mem>>)
      %dma_wait3A = arith.constant 0 : i32
      %dma_wait3A_25 = arith.constant 0 : i32
      %dma_wait3A_26 = tpu.memref_slice %arg4[%dma_wait3A, %dma_wait3A_25] : memref<20000x128xf32, #tpu.memory_space<hbm>> -> memref<20000x128xf32, #tpu.memory_space<hbm>>
      tpu.wait_indirect_dma semaphore(%arg11 : memref<!tpu.dma_semaphore, #tpu.memory_space<semaphore_mem>>) src(%dma_wait3A_26 : memref<20000x128xf32, #tpu.memory_space<hbm>>) dst(%arg9 : memref<80x128xf32, #tpu.memory_space<vmem>>)
      "tpu.region"() ({
        %run_scoped3A = tpu.sem_alloc : memref<!tpu.dma_semaphore, #tpu.memory_space<semaphore_mem>>
        %dma_start3A_27 = arith.constant 0 : i32
        %dma_start3A_28 = arith.constant 0 : i32
        %dma_start3A_29 = tpu.memref_slice %arg10[%dma_start3A_27, %dma_start3A_28] : memref<10112x128xf32, #tpu.memory_space<vmem_shared>> -> memref<10112x128xf32, #tpu.memory_space<vmem_shared>>
        tpu.enqueue_indirect_dma source(%arg9 : memref<80x128xf32, #tpu.memory_space<vmem>>) target(%dma_start3A_29 : memref<10112x128xf32, #tpu.memory_space<vmem_shared>>) offsets(%arg8 : memref<80xi32, #tpu.memory_space<vmem>>) semaphore(%run_scoped3A : memref<!tpu.dma_semaphore, #tpu.memory_space<semaphore_mem>>) {add = true}
        %dma_wait3A_30 = arith.constant 0 : i32
        %dma_wait3A_31 = arith.constant 0 : i32
        %dma_wait3A_32 = tpu.memref_slice %arg10[%dma_wait3A_30, %dma_wait3A_31] : memref<10112x128xf32, #tpu.memory_space<vmem_shared>> -> memref<10112x128xf32, #tpu.memory_space<vmem_shared>>
        tpu.wait_indirect_dma semaphore(%run_scoped3A : memref<!tpu.dma_semaphore, #tpu.memory_space<semaphore_mem>>) src(%arg9 : memref<80x128xf32, #tpu.memory_space<vmem>>) dst(%dma_wait3A_32 : memref<10112x128xf32, #tpu.memory_space<vmem_shared>>)
        tpu.yield
      }) : () -> ()
    }
    %scan3A_11 = arith.constant 250 : i32
    %barrier3A_12 = arith.constant 0 : index
    tpu.barrier barrier_id(%barrier3A_12)
    %mul3A_13 = arith.constant 10112 : i32
    %mul3A_14 = arith.muli %arg0, %mul3A_13 : i32
    %add3A_15 = arith.addi %mul3A_14, %mul3A_0 : i32
    "tpu.region"() ({
      %run_scoped3A = tpu.sem_alloc : memref<!tpu.dma_semaphore, #tpu.memory_space<semaphore_mem>>
      %dma_start3A = arith.constant 0 : i32
      %dma_start3A_16 = tpu.memref_slice %arg6[%add3A_15, %dma_start3A] : memref<20224x128xf32, #tpu.memory_space<hbm>> -> memref<632x128xf32, #tpu.memory_space<hbm>>
      %dma_start3A_17 = arith.constant 0 : i32
      %dma_start3A_18 = tpu.memref_slice %arg10[%mul3A_0, %dma_start3A_17] : memref<10112x128xf32, #tpu.memory_space<vmem_shared>> -> memref<632x128xf32, #tpu.memory_space<vmem_shared>>
      tpu.enqueue_dma source(%dma_start3A_18 : memref<632x128xf32, #tpu.memory_space<vmem_shared>>) target(%dma_start3A_16 : memref<632x128xf32, #tpu.memory_space<hbm>>) target_semaphore(%run_scoped3A : memref<!tpu.dma_semaphore, #tpu.memory_space<semaphore_mem>>)
      %dma_wait3A = arith.constant 0 : i32
      %dma_wait3A_19 = tpu.memref_slice %arg6[%add3A_15, %dma_wait3A] : memref<20224x128xf32, #tpu.memory_space<hbm>> -> memref<632x128xf32, #tpu.memory_space<hbm>>
      %dma_wait3A_20 = arith.constant 0 : i32
      %dma_wait3A_21 = tpu.memref_slice %arg10[%mul3A_0, %dma_wait3A_20] : memref<10112x128xf32, #tpu.memory_space<vmem_shared>> -> memref<632x128xf32, #tpu.memory_space<vmem_shared>>
      tpu.wait_dma2 semaphore(%run_scoped3A : memref<!tpu.dma_semaphore, #tpu.memory_space<semaphore_mem>>) src(%dma_wait3A_21 : memref<632x128xf32, #tpu.memory_space<vmem_shared>>) dst(%dma_wait3A_19 : memref<632x128xf32, #tpu.memory_space<hbm>>)
      tpu.yield
    }) : () -> ()
    return
  }
}

#map = affine_map<(d0, d1) -> (0)>
#map1 = affine_map<(d0, d1) -> (0, 0)>
module attributes {stable_mosaic.version = 14 : i64} {
  func.func @_spmm_body(%arg0: i32, %arg1: i32, %arg2: memref<640000xi32, #tpu.memory_space<hbm>>, %arg3: memref<320000xi32, #tpu.memory_space<hbm>>, %arg4: memref<20000x128xf32, #tpu.memory_space<hbm>>, %arg5: memref<632x128xf32, #tpu.memory_space<hbm>>, %arg6: memref<20224x128xf32, #tpu.memory_space<hbm>>, %arg7: memref<80xi32, #tpu.memory_space<vmem>>, %arg8: memref<80xi32, #tpu.memory_space<vmem>>, %arg9: memref<80x128xf32, #tpu.memory_space<vmem>>, %arg10: memref<10112x128xf32, #tpu.memory_space<vmem_shared>>, %arg11: memref<!tpu.dma_semaphore, #tpu.memory_space<semaphore_mem>>) attributes {dimension_semantics = [#tpu.dimension_semantics<core_parallel>, #tpu.dimension_semantics<subcore_parallel>], iteration_bounds = array<i64: 2, 16>, scalar_prefetch = 0 : i64, scratch_operands = 5 : i64, tpu.core_type = #tpu.core_type<sc_vector_subcore>, window_params = [{transform_indices = #map}, {transform_indices = #map}, {transform_indices = #map1}, {transform_indices = #map1}, {transform_indices = #map1}]} {
    %mul3A = arith.constant 632 : i32
    %mul3A_0 = arith.muli %arg1, %mul3A : i32
    "tpu.region"() ({
      %run_scoped3A = tpu.sem_alloc : memref<!tpu.dma_semaphore, #tpu.memory_space<semaphore_mem>>
      %dma_start3A = arith.constant 0 : i32
      %dma_start3A_16 = tpu.memref_slice %arg10[%mul3A_0, %dma_start3A] : memref<10112x128xf32, #tpu.memory_space<vmem_shared>> -> memref<632x128xf32, #tpu.memory_space<vmem_shared>>
      tpu.enqueue_dma source(%arg5 : memref<632x128xf32, #tpu.memory_space<hbm>>) target(%dma_start3A_16 : memref<632x128xf32, #tpu.memory_space<vmem_shared>>) target_semaphore(%run_scoped3A : memref<!tpu.dma_semaphore, #tpu.memory_space<semaphore_mem>>)
      %dma_wait3A = arith.constant 0 : i32
      %dma_wait3A_17 = tpu.memref_slice %arg10[%mul3A_0, %dma_wait3A] : memref<10112x128xf32, #tpu.memory_space<vmem_shared>> -> memref<632x128xf32, #tpu.memory_space<vmem_shared>>
      tpu.wait_dma2 semaphore(%run_scoped3A : memref<!tpu.dma_semaphore, #tpu.memory_space<semaphore_mem>>) src(%arg5 : memref<632x128xf32, #tpu.memory_space<hbm>>) dst(%dma_wait3A_17 : memref<632x128xf32, #tpu.memory_space<vmem_shared>>)
      tpu.yield
    }) : () -> ()
    %barrier3A = arith.constant 0 : index
    tpu.barrier barrier_id(%barrier3A)
    %mul3A_1 = arith.constant 320000 : i32
    %mul3A_2 = arith.muli %arg0, %mul3A_1 : i32
    %mul3A_3 = arith.constant 20000 : i32
    %mul3A_4 = arith.muli %arg1, %mul3A_3 : i32
    %add3A = arith.addi %mul3A_2, %mul3A_4 : i32
    %mul3A_5 = arith.constant 20000 : i32
    %mul3A_6 = arith.muli %arg1, %mul3A_5 : i32
    %scan3A = arith.constant 0 : i32
    %scan3A_7 = arith.constant 0 : i32
    %scan3A_8 = arith.constant 250 : i32
    %scan3A_9 = arith.addi %scan3A_7, %scan3A_8 : i32
    %scan3A_10 = arith.constant 1 : i32
    scf.for %scan3A_16 = %scan3A_7 to %scan3A_9 step %scan3A_10  : i32 {
      %mul3A_17 = arith.constant 80 : i32
      %mul3A_18 = arith.muli %scan3A_16, %mul3A_17 : i32
      %add3A_19 = arith.addi %add3A, %mul3A_18 : i32
      "tpu.region"() ({
        %run_scoped3A = tpu.sem_alloc : memref<!tpu.dma_semaphore, #tpu.memory_space<semaphore_mem>>
        %dma_start3A_27 = tpu.memref_slice %arg2[%add3A_19] : memref<640000xi32, #tpu.memory_space<hbm>> -> memref<80xi32, #tpu.memory_space<hbm>>
        %dma_start3A_28 = tpu.memref_slice %arg2[%add3A_19] : memref<640000xi32, #tpu.memory_space<hbm>> -> memref<80xi32, #tpu.memory_space<hbm>>
        tpu.enqueue_dma source(%dma_start3A_28 : memref<80xi32, #tpu.memory_space<hbm>>) target(%arg7 : memref<80xi32, #tpu.memory_space<vmem>>) target_semaphore(%run_scoped3A : memref<!tpu.dma_semaphore, #tpu.memory_space<semaphore_mem>>)
        %dma_wait3A_29 = tpu.memref_slice %arg2[%add3A_19] : memref<640000xi32, #tpu.memory_space<hbm>> -> memref<80xi32, #tpu.memory_space<hbm>>
        %dma_wait3A_30 = tpu.memref_slice %arg2[%add3A_19] : memref<640000xi32, #tpu.memory_space<hbm>> -> memref<80xi32, #tpu.memory_space<hbm>>
        tpu.wait_dma2 semaphore(%run_scoped3A : memref<!tpu.dma_semaphore, #tpu.memory_space<semaphore_mem>>) src(%dma_wait3A_30 : memref<80xi32, #tpu.memory_space<hbm>>) dst(%arg7 : memref<80xi32, #tpu.memory_space<vmem>>)
        tpu.yield
      }) : () -> ()
      %mul3A_20 = arith.constant 80 : i32
      %mul3A_21 = arith.muli %scan3A_16, %mul3A_20 : i32
      %add3A_22 = arith.addi %mul3A_6, %mul3A_21 : i32
      "tpu.region"() ({
        %run_scoped3A = tpu.sem_alloc : memref<!tpu.dma_semaphore, #tpu.memory_space<semaphore_mem>>
        %dma_start3A_27 = tpu.memref_slice %arg3[%add3A_22] : memref<320000xi32, #tpu.memory_space<hbm>> -> memref<80xi32, #tpu.memory_space<hbm>>
        %dma_start3A_28 = tpu.memref_slice %arg3[%add3A_22] : memref<320000xi32, #tpu.memory_space<hbm>> -> memref<80xi32, #tpu.memory_space<hbm>>
        tpu.enqueue_dma source(%dma_start3A_28 : memref<80xi32, #tpu.memory_space<hbm>>) target(%arg8 : memref<80xi32, #tpu.memory_space<vmem>>) target_semaphore(%run_scoped3A : memref<!tpu.dma_semaphore, #tpu.memory_space<semaphore_mem>>)
        %dma_wait3A_29 = tpu.memref_slice %arg3[%add3A_22] : memref<320000xi32, #tpu.memory_space<hbm>> -> memref<80xi32, #tpu.memory_space<hbm>>
        %dma_wait3A_30 = tpu.memref_slice %arg3[%add3A_22] : memref<320000xi32, #tpu.memory_space<hbm>> -> memref<80xi32, #tpu.memory_space<hbm>>
        tpu.wait_dma2 semaphore(%run_scoped3A : memref<!tpu.dma_semaphore, #tpu.memory_space<semaphore_mem>>) src(%dma_wait3A_30 : memref<80xi32, #tpu.memory_space<hbm>>) dst(%arg8 : memref<80xi32, #tpu.memory_space<vmem>>)
        tpu.yield
      }) : () -> ()
      %dma_start3A = arith.constant 0 : i32
      %dma_start3A_23 = arith.constant 0 : i32
      %dma_start3A_24 = tpu.memref_slice %arg4[%dma_start3A, %dma_start3A_23] : memref<20000x128xf32, #tpu.memory_space<hbm>> -> memref<20000x128xf32, #tpu.memory_space<hbm>>
      tpu.enqueue_indirect_dma source(%dma_start3A_24 : memref<20000x128xf32, #tpu.memory_space<hbm>>) target(%arg9 : memref<80x128xf32, #tpu.memory_space<vmem>>) offsets(%arg7 : memref<80xi32, #tpu.memory_space<vmem>>) semaphore(%arg11 : memref<!tpu.dma_semaphore, #tpu.memory_space<semaphore_mem>>)
      %dma_wait3A = arith.constant 0 : i32
      %dma_wait3A_25 = arith.constant 0 : i32
      %dma_wait3A_26 = tpu.memref_slice %arg4[%dma_wait3A, %dma_wait3A_25] : memref<20000x128xf32, #tpu.memory_space<hbm>> -> memref<20000x128xf32, #tpu.memory_space<hbm>>
      tpu.wait_indirect_dma semaphore(%arg11 : memref<!tpu.dma_semaphore, #tpu.memory_space<semaphore_mem>>) src(%dma_wait3A_26 : memref<20000x128xf32, #tpu.memory_space<hbm>>) dst(%arg9 : memref<80x128xf32, #tpu.memory_space<vmem>>)
      "tpu.region"() ({
        %run_scoped3A = tpu.sem_alloc : memref<!tpu.dma_semaphore, #tpu.memory_space<semaphore_mem>>
        %dma_start3A_27 = arith.constant 0 : i32
        %dma_start3A_28 = arith.constant 0 : i32
        %dma_start3A_29 = tpu.memref_slice %arg10[%dma_start3A_27, %dma_start3A_28] : memref<10112x128xf32, #tpu.memory_space<vmem_shared>> -> memref<10112x128xf32, #tpu.memory_space<vmem_shared>>
        tpu.enqueue_indirect_dma source(%arg9 : memref<80x128xf32, #tpu.memory_space<vmem>>) target(%dma_start3A_29 : memref<10112x128xf32, #tpu.memory_space<vmem_shared>>) offsets(%arg8 : memref<80xi32, #tpu.memory_space<vmem>>) semaphore(%run_scoped3A : memref<!tpu.dma_semaphore, #tpu.memory_space<semaphore_mem>>) {add = true}
        %dma_wait3A_30 = arith.constant 0 : i32
        %dma_wait3A_31 = arith.constant 0 : i32
        %dma_wait3A_32 = tpu.memref_slice %arg10[%dma_wait3A_30, %dma_wait3A_31] : memref<10112x128xf32, #tpu.memory_space<vmem_shared>> -> memref<10112x128xf32, #tpu.memory_space<vmem_shared>>
        tpu.wait_indirect_dma semaphore(%run_scoped3A : memref<!tpu.dma_semaphore, #tpu.memory_space<semaphore_mem>>) src(%arg9 : memref<80x128xf32, #tpu.memory_space<vmem>>) dst(%dma_wait3A_32 : memref<10112x128xf32, #tpu.memory_space<vmem_shared>>)
        tpu.yield
      }) : () -> ()
    }
    %scan3A_11 = arith.constant 250 : i32
    %barrier3A_12 = arith.constant 0 : index
    tpu.barrier barrier_id(%barrier3A_12)
    %mul3A_13 = arith.constant 10112 : i32
    %mul3A_14 = arith.muli %arg0, %mul3A_13 : i32
    %add3A_15 = arith.addi %mul3A_14, %mul3A_0 : i32
    "tpu.region"() ({
      %run_scoped3A = tpu.sem_alloc : memref<!tpu.dma_semaphore, #tpu.memory_space<semaphore_mem>>
      %dma_start3A = arith.constant 0 : i32
      %dma_start3A_16 = tpu.memref_slice %arg6[%add3A_15, %dma_start3A] : memref<20224x128xf32, #tpu.memory_space<hbm>> -> memref<632x128xf32, #tpu.memory_space<hbm>>
      %dma_start3A_17 = arith.constant 0 : i32
      %dma_start3A_18 = tpu.memref_slice %arg10[%mul3A_0, %dma_start3A_17] : memref<10112x128xf32, #tpu.memory_space<vmem_shared>> -> memref<632x128xf32, #tpu.memory_space<vmem_shared>>
      tpu.enqueue_dma source(%dma_start3A_18 : memref<632x128xf32, #tpu.memory_space<vmem_shared>>) target(%dma_start3A_16 : memref<632x128xf32, #tpu.memory_space<hbm>>) target_semaphore(%run_scoped3A : memref<!tpu.dma_semaphore, #tpu.memory_space<semaphore_mem>>)
      %dma_wait3A = arith.constant 0 : i32
      %dma_wait3A_19 = tpu.memref_slice %arg6[%add3A_15, %dma_wait3A] : memref<20224x128xf32, #tpu.memory_space<hbm>> -> memref<632x128xf32, #tpu.memory_space<hbm>>
      %dma_wait3A_20 = arith.constant 0 : i32
      %dma_wait3A_21 = tpu.memref_slice %arg10[%mul3A_0, %dma_wait3A_20] : memref<10112x128xf32, #tpu.memory_space<vmem_shared>> -> memref<632x128xf32, #tpu.memory_space<vmem_shared>>
      tpu.wait_dma2 semaphore(%run_scoped3A : memref<!tpu.dma_semaphore, #tpu.memory_space<semaphore_mem>>) src(%dma_wait3A_21 : memref<632x128xf32, #tpu.memory_space<vmem_shared>>) dst(%dma_wait3A_19 : memref<632x128xf32, #tpu.memory_space<hbm>>)
      tpu.yield
    }) : () -> ()
    return
  }
}

#map = affine_map<(d0, d1) -> (0)>
#map1 = affine_map<(d0, d1) -> (0, 0)>
module attributes {stable_mosaic.version = 14 : i64} {
  func.func @_spmm_body(%arg0: i32, %arg1: i32, %arg2: memref<640000xi32, #tpu.memory_space<hbm>>, %arg3: memref<320000xi32, #tpu.memory_space<hbm>>, %arg4: memref<20000x128xf32, #tpu.memory_space<hbm>>, %arg5: memref<632x128xf32, #tpu.memory_space<hbm>>, %arg6: memref<20224x128xf32, #tpu.memory_space<hbm>>, %arg7: memref<80xi32, #tpu.memory_space<vmem>>, %arg8: memref<80xi32, #tpu.memory_space<vmem>>, %arg9: memref<80x128xf32, #tpu.memory_space<vmem>>, %arg10: memref<10112x128xf32, #tpu.memory_space<vmem_shared>>, %arg11: memref<!tpu.dma_semaphore, #tpu.memory_space<semaphore_mem>>) attributes {dimension_semantics = [#tpu.dimension_semantics<core_parallel>, #tpu.dimension_semantics<subcore_parallel>], iteration_bounds = array<i64: 2, 16>, scalar_prefetch = 0 : i64, scratch_operands = 5 : i64, tpu.core_type = #tpu.core_type<sc_vector_subcore>, window_params = [{transform_indices = #map}, {transform_indices = #map}, {transform_indices = #map1}, {transform_indices = #map1}, {transform_indices = #map1}]} {
    %mul3A = arith.constant 632 : i32
    %mul3A_0 = arith.muli %arg1, %mul3A : i32
    "tpu.region"() ({
      %run_scoped3A = tpu.sem_alloc : memref<!tpu.dma_semaphore, #tpu.memory_space<semaphore_mem>>
      %dma_start3A = arith.constant 0 : i32
      %dma_start3A_16 = tpu.memref_slice %arg10[%mul3A_0, %dma_start3A] : memref<10112x128xf32, #tpu.memory_space<vmem_shared>> -> memref<632x128xf32, #tpu.memory_space<vmem_shared>>
      tpu.enqueue_dma source(%arg5 : memref<632x128xf32, #tpu.memory_space<hbm>>) target(%dma_start3A_16 : memref<632x128xf32, #tpu.memory_space<vmem_shared>>) target_semaphore(%run_scoped3A : memref<!tpu.dma_semaphore, #tpu.memory_space<semaphore_mem>>)
      %dma_wait3A = arith.constant 0 : i32
      %dma_wait3A_17 = tpu.memref_slice %arg10[%mul3A_0, %dma_wait3A] : memref<10112x128xf32, #tpu.memory_space<vmem_shared>> -> memref<632x128xf32, #tpu.memory_space<vmem_shared>>
      tpu.wait_dma2 semaphore(%run_scoped3A : memref<!tpu.dma_semaphore, #tpu.memory_space<semaphore_mem>>) src(%arg5 : memref<632x128xf32, #tpu.memory_space<hbm>>) dst(%dma_wait3A_17 : memref<632x128xf32, #tpu.memory_space<vmem_shared>>)
      tpu.yield
    }) : () -> ()
    %barrier3A = arith.constant 0 : index
    tpu.barrier barrier_id(%barrier3A)
    %mul3A_1 = arith.constant 320000 : i32
    %mul3A_2 = arith.muli %arg0, %mul3A_1 : i32
    %mul3A_3 = arith.constant 20000 : i32
    %mul3A_4 = arith.muli %arg1, %mul3A_3 : i32
    %add3A = arith.addi %mul3A_2, %mul3A_4 : i32
    %mul3A_5 = arith.constant 20000 : i32
    %mul3A_6 = arith.muli %arg1, %mul3A_5 : i32
    %scan3A = arith.constant 0 : i32
    %scan3A_7 = arith.constant 0 : i32
    %scan3A_8 = arith.constant 250 : i32
    %scan3A_9 = arith.addi %scan3A_7, %scan3A_8 : i32
    %scan3A_10 = arith.constant 1 : i32
    scf.for %scan3A_16 = %scan3A_7 to %scan3A_9 step %scan3A_10  : i32 {
      %mul3A_17 = arith.constant 80 : i32
      %mul3A_18 = arith.muli %scan3A_16, %mul3A_17 : i32
      %add3A_19 = arith.addi %add3A, %mul3A_18 : i32
      "tpu.region"() ({
        %run_scoped3A = tpu.sem_alloc : memref<!tpu.dma_semaphore, #tpu.memory_space<semaphore_mem>>
        %dma_start3A_27 = tpu.memref_slice %arg2[%add3A_19] : memref<640000xi32, #tpu.memory_space<hbm>> -> memref<80xi32, #tpu.memory_space<hbm>>
        %dma_start3A_28 = tpu.memref_slice %arg2[%add3A_19] : memref<640000xi32, #tpu.memory_space<hbm>> -> memref<80xi32, #tpu.memory_space<hbm>>
        tpu.enqueue_dma source(%dma_start3A_28 : memref<80xi32, #tpu.memory_space<hbm>>) target(%arg7 : memref<80xi32, #tpu.memory_space<vmem>>) target_semaphore(%run_scoped3A : memref<!tpu.dma_semaphore, #tpu.memory_space<semaphore_mem>>)
        %dma_wait3A_29 = tpu.memref_slice %arg2[%add3A_19] : memref<640000xi32, #tpu.memory_space<hbm>> -> memref<80xi32, #tpu.memory_space<hbm>>
        %dma_wait3A_30 = tpu.memref_slice %arg2[%add3A_19] : memref<640000xi32, #tpu.memory_space<hbm>> -> memref<80xi32, #tpu.memory_space<hbm>>
        tpu.wait_dma2 semaphore(%run_scoped3A : memref<!tpu.dma_semaphore, #tpu.memory_space<semaphore_mem>>) src(%dma_wait3A_30 : memref<80xi32, #tpu.memory_space<hbm>>) dst(%arg7 : memref<80xi32, #tpu.memory_space<vmem>>)
        tpu.yield
      }) : () -> ()
      %mul3A_20 = arith.constant 80 : i32
      %mul3A_21 = arith.muli %scan3A_16, %mul3A_20 : i32
      %add3A_22 = arith.addi %mul3A_6, %mul3A_21 : i32
      "tpu.region"() ({
        %run_scoped3A = tpu.sem_alloc : memref<!tpu.dma_semaphore, #tpu.memory_space<semaphore_mem>>
        %dma_start3A_27 = tpu.memref_slice %arg3[%add3A_22] : memref<320000xi32, #tpu.memory_space<hbm>> -> memref<80xi32, #tpu.memory_space<hbm>>
        %dma_start3A_28 = tpu.memref_slice %arg3[%add3A_22] : memref<320000xi32, #tpu.memory_space<hbm>> -> memref<80xi32, #tpu.memory_space<hbm>>
        tpu.enqueue_dma source(%dma_start3A_28 : memref<80xi32, #tpu.memory_space<hbm>>) target(%arg8 : memref<80xi32, #tpu.memory_space<vmem>>) target_semaphore(%run_scoped3A : memref<!tpu.dma_semaphore, #tpu.memory_space<semaphore_mem>>)
        %dma_wait3A_29 = tpu.memref_slice %arg3[%add3A_22] : memref<320000xi32, #tpu.memory_space<hbm>> -> memref<80xi32, #tpu.memory_space<hbm>>
        %dma_wait3A_30 = tpu.memref_slice %arg3[%add3A_22] : memref<320000xi32, #tpu.memory_space<hbm>> -> memref<80xi32, #tpu.memory_space<hbm>>
        tpu.wait_dma2 semaphore(%run_scoped3A : memref<!tpu.dma_semaphore, #tpu.memory_space<semaphore_mem>>) src(%dma_wait3A_30 : memref<80xi32, #tpu.memory_space<hbm>>) dst(%arg8 : memref<80xi32, #tpu.memory_space<vmem>>)
        tpu.yield
      }) : () -> ()
      %dma_start3A = arith.constant 0 : i32
      %dma_start3A_23 = arith.constant 0 : i32
      %dma_start3A_24 = tpu.memref_slice %arg4[%dma_start3A, %dma_start3A_23] : memref<20000x128xf32, #tpu.memory_space<hbm>> -> memref<20000x128xf32, #tpu.memory_space<hbm>>
      tpu.enqueue_indirect_dma source(%dma_start3A_24 : memref<20000x128xf32, #tpu.memory_space<hbm>>) target(%arg9 : memref<80x128xf32, #tpu.memory_space<vmem>>) offsets(%arg7 : memref<80xi32, #tpu.memory_space<vmem>>) semaphore(%arg11 : memref<!tpu.dma_semaphore, #tpu.memory_space<semaphore_mem>>)
      %dma_wait3A = arith.constant 0 : i32
      %dma_wait3A_25 = arith.constant 0 : i32
      %dma_wait3A_26 = tpu.memref_slice %arg4[%dma_wait3A, %dma_wait3A_25] : memref<20000x128xf32, #tpu.memory_space<hbm>> -> memref<20000x128xf32, #tpu.memory_space<hbm>>
      tpu.wait_indirect_dma semaphore(%arg11 : memref<!tpu.dma_semaphore, #tpu.memory_space<semaphore_mem>>) src(%dma_wait3A_26 : memref<20000x128xf32, #tpu.memory_space<hbm>>) dst(%arg9 : memref<80x128xf32, #tpu.memory_space<vmem>>)
      "tpu.region"() ({
        %run_scoped3A = tpu.sem_alloc : memref<!tpu.dma_semaphore, #tpu.memory_space<semaphore_mem>>
        %dma_start3A_27 = arith.constant 0 : i32
        %dma_start3A_28 = arith.constant 0 : i32
        %dma_start3A_29 = tpu.memref_slice %arg10[%dma_start3A_27, %dma_start3A_28] : memref<10112x128xf32, #tpu.memory_space<vmem_shared>> -> memref<10112x128xf32, #tpu.memory_space<vmem_shared>>
        tpu.enqueue_indirect_dma source(%arg9 : memref<80x128xf32, #tpu.memory_space<vmem>>) target(%dma_start3A_29 : memref<10112x128xf32, #tpu.memory_space<vmem_shared>>) offsets(%arg8 : memref<80xi32, #tpu.memory_space<vmem>>) semaphore(%run_scoped3A : memref<!tpu.dma_semaphore, #tpu.memory_space<semaphore_mem>>) {add = true}
        %dma_wait3A_30 = arith.constant 0 : i32
        %dma_wait3A_31 = arith.constant 0 : i32
        %dma_wait3A_32 = tpu.memref_slice %arg10[%dma_wait3A_30, %dma_wait3A_31] : memref<10112x128xf32, #tpu.memory_space<vmem_shared>> -> memref<10112x128xf32, #tpu.memory_space<vmem_shared>>
        tpu.wait_indirect_dma semaphore(%run_scoped3A : memref<!tpu.dma_semaphore, #tpu.memory_space<semaphore_mem>>) src(%arg9 : memref<80x128xf32, #tpu.memory_space<vmem>>) dst(%dma_wait3A_32 : memref<10112x128xf32, #tpu.memory_space<vmem_shared>>)
        tpu.yield
      }) : () -> ()
    }
    %scan3A_11 = arith.constant 250 : i32
    %barrier3A_12 = arith.constant 0 : index
    tpu.barrier barrier_id(%barrier3A_12)
    %mul3A_13 = arith.constant 10112 : i32
    %mul3A_14 = arith.muli %arg0, %mul3A_13 : i32
    %add3A_15 = arith.addi %mul3A_14, %mul3A_0 : i32
    "tpu.region"() ({
      %run_scoped3A = tpu.sem_alloc : memref<!tpu.dma_semaphore, #tpu.memory_space<semaphore_mem>>
      %dma_start3A = arith.constant 0 : i32
      %dma_start3A_16 = tpu.memref_slice %arg6[%add3A_15, %dma_start3A] : memref<20224x128xf32, #tpu.memory_space<hbm>> -> memref<632x128xf32, #tpu.memory_space<hbm>>
      %dma_start3A_17 = arith.constant 0 : i32
      %dma_start3A_18 = tpu.memref_slice %arg10[%mul3A_0, %dma_start3A_17] : memref<10112x128xf32, #tpu.memory_space<vmem_shared>> -> memref<632x128xf32, #tpu.memory_space<vmem_shared>>
      tpu.enqueue_dma source(%dma_start3A_18 : memref<632x128xf32, #tpu.memory_space<vmem_shared>>) target(%dma_start3A_16 : memref<632x128xf32, #tpu.memory_space<hbm>>) target_semaphore(%run_scoped3A : memref<!tpu.dma_semaphore, #tpu.memory_space<semaphore_mem>>)
      %dma_wait3A = arith.constant 0 : i32
      %dma_wait3A_19 = tpu.memref_slice %arg6[%add3A_15, %dma_wait3A] : memref<20224x128xf32, #tpu.memory_space<hbm>> -> memref<632x128xf32, #tpu.memory_space<hbm>>
      %dma_wait3A_20 = arith.constant 0 : i32
      %dma_wait3A_21 = tpu.memref_slice %arg10[%mul3A_0, %dma_wait3A_20] : memref<10112x128xf32, #tpu.memory_space<vmem_shared>> -> memref<632x128xf32, #tpu.memory_space<vmem_shared>>
      tpu.wait_dma2 semaphore(%run_scoped3A : memref<!tpu.dma_semaphore, #tpu.memory_space<semaphore_mem>>) src(%dma_wait3A_21 : memref<632x128xf32, #tpu.memory_space<vmem_shared>>) dst(%dma_wait3A_19 : memref<632x128xf32, #tpu.memory_space<hbm>>)
      tpu.yield
    }) : () -> ()
    return
  }
}

#map = affine_map<(d0, d1) -> (0)>
#map1 = affine_map<(d0, d1) -> (0, 0)>
module attributes {stable_mosaic.version = 14 : i64} {
  func.func @_spmm_body(%arg0: i32, %arg1: i32, %arg2: memref<640000xi32, #tpu.memory_space<hbm>>, %arg3: memref<320000xi32, #tpu.memory_space<hbm>>, %arg4: memref<20000x128xf32, #tpu.memory_space<hbm>>, %arg5: memref<632x128xf32, #tpu.memory_space<hbm>>, %arg6: memref<20224x128xf32, #tpu.memory_space<hbm>>, %arg7: memref<80xi32, #tpu.memory_space<vmem>>, %arg8: memref<80xi32, #tpu.memory_space<vmem>>, %arg9: memref<80x128xf32, #tpu.memory_space<vmem>>, %arg10: memref<10112x128xf32, #tpu.memory_space<vmem_shared>>, %arg11: memref<!tpu.dma_semaphore, #tpu.memory_space<semaphore_mem>>) attributes {dimension_semantics = [#tpu.dimension_semantics<core_parallel>, #tpu.dimension_semantics<subcore_parallel>], iteration_bounds = array<i64: 2, 16>, scalar_prefetch = 0 : i64, scratch_operands = 5 : i64, tpu.core_type = #tpu.core_type<sc_vector_subcore>, window_params = [{transform_indices = #map}, {transform_indices = #map}, {transform_indices = #map1}, {transform_indices = #map1}, {transform_indices = #map1}]} {
    %mul3A = arith.constant 632 : i32
    %mul3A_0 = arith.muli %arg1, %mul3A : i32
    "tpu.region"() ({
      %run_scoped3A = tpu.sem_alloc : memref<!tpu.dma_semaphore, #tpu.memory_space<semaphore_mem>>
      %dma_start3A = arith.constant 0 : i32
      %dma_start3A_16 = tpu.memref_slice %arg10[%mul3A_0, %dma_start3A] : memref<10112x128xf32, #tpu.memory_space<vmem_shared>> -> memref<632x128xf32, #tpu.memory_space<vmem_shared>>
      tpu.enqueue_dma source(%arg5 : memref<632x128xf32, #tpu.memory_space<hbm>>) target(%dma_start3A_16 : memref<632x128xf32, #tpu.memory_space<vmem_shared>>) target_semaphore(%run_scoped3A : memref<!tpu.dma_semaphore, #tpu.memory_space<semaphore_mem>>)
      %dma_wait3A = arith.constant 0 : i32
      %dma_wait3A_17 = tpu.memref_slice %arg10[%mul3A_0, %dma_wait3A] : memref<10112x128xf32, #tpu.memory_space<vmem_shared>> -> memref<632x128xf32, #tpu.memory_space<vmem_shared>>
      tpu.wait_dma2 semaphore(%run_scoped3A : memref<!tpu.dma_semaphore, #tpu.memory_space<semaphore_mem>>) src(%arg5 : memref<632x128xf32, #tpu.memory_space<hbm>>) dst(%dma_wait3A_17 : memref<632x128xf32, #tpu.memory_space<vmem_shared>>)
      tpu.yield
    }) : () -> ()
    %barrier3A = arith.constant 0 : index
    tpu.barrier barrier_id(%barrier3A)
    %mul3A_1 = arith.constant 320000 : i32
    %mul3A_2 = arith.muli %arg0, %mul3A_1 : i32
    %mul3A_3 = arith.constant 20000 : i32
    %mul3A_4 = arith.muli %arg1, %mul3A_3 : i32
    %add3A = arith.addi %mul3A_2, %mul3A_4 : i32
    %mul3A_5 = arith.constant 20000 : i32
    %mul3A_6 = arith.muli %arg1, %mul3A_5 : i32
    %scan3A = arith.constant 0 : i32
    %scan3A_7 = arith.constant 0 : i32
    %scan3A_8 = arith.constant 250 : i32
    %scan3A_9 = arith.addi %scan3A_7, %scan3A_8 : i32
    %scan3A_10 = arith.constant 1 : i32
    scf.for %scan3A_16 = %scan3A_7 to %scan3A_9 step %scan3A_10  : i32 {
      %mul3A_17 = arith.constant 80 : i32
      %mul3A_18 = arith.muli %scan3A_16, %mul3A_17 : i32
      %add3A_19 = arith.addi %add3A, %mul3A_18 : i32
      "tpu.region"() ({
        %run_scoped3A = tpu.sem_alloc : memref<!tpu.dma_semaphore, #tpu.memory_space<semaphore_mem>>
        %dma_start3A_27 = tpu.memref_slice %arg2[%add3A_19] : memref<640000xi32, #tpu.memory_space<hbm>> -> memref<80xi32, #tpu.memory_space<hbm>>
        %dma_start3A_28 = tpu.memref_slice %arg2[%add3A_19] : memref<640000xi32, #tpu.memory_space<hbm>> -> memref<80xi32, #tpu.memory_space<hbm>>
        tpu.enqueue_dma source(%dma_start3A_28 : memref<80xi32, #tpu.memory_space<hbm>>) target(%arg7 : memref<80xi32, #tpu.memory_space<vmem>>) target_semaphore(%run_scoped3A : memref<!tpu.dma_semaphore, #tpu.memory_space<semaphore_mem>>)
        %dma_wait3A_29 = tpu.memref_slice %arg2[%add3A_19] : memref<640000xi32, #tpu.memory_space<hbm>> -> memref<80xi32, #tpu.memory_space<hbm>>
        %dma_wait3A_30 = tpu.memref_slice %arg2[%add3A_19] : memref<640000xi32, #tpu.memory_space<hbm>> -> memref<80xi32, #tpu.memory_space<hbm>>
        tpu.wait_dma2 semaphore(%run_scoped3A : memref<!tpu.dma_semaphore, #tpu.memory_space<semaphore_mem>>) src(%dma_wait3A_30 : memref<80xi32, #tpu.memory_space<hbm>>) dst(%arg7 : memref<80xi32, #tpu.memory_space<vmem>>)
        tpu.yield
      }) : () -> ()
      %mul3A_20 = arith.constant 80 : i32
      %mul3A_21 = arith.muli %scan3A_16, %mul3A_20 : i32
      %add3A_22 = arith.addi %mul3A_6, %mul3A_21 : i32
      "tpu.region"() ({
        %run_scoped3A = tpu.sem_alloc : memref<!tpu.dma_semaphore, #tpu.memory_space<semaphore_mem>>
        %dma_start3A_27 = tpu.memref_slice %arg3[%add3A_22] : memref<320000xi32, #tpu.memory_space<hbm>> -> memref<80xi32, #tpu.memory_space<hbm>>
        %dma_start3A_28 = tpu.memref_slice %arg3[%add3A_22] : memref<320000xi32, #tpu.memory_space<hbm>> -> memref<80xi32, #tpu.memory_space<hbm>>
        tpu.enqueue_dma source(%dma_start3A_28 : memref<80xi32, #tpu.memory_space<hbm>>) target(%arg8 : memref<80xi32, #tpu.memory_space<vmem>>) target_semaphore(%run_scoped3A : memref<!tpu.dma_semaphore, #tpu.memory_space<semaphore_mem>>)
        %dma_wait3A_29 = tpu.memref_slice %arg3[%add3A_22] : memref<320000xi32, #tpu.memory_space<hbm>> -> memref<80xi32, #tpu.memory_space<hbm>>
        %dma_wait3A_30 = tpu.memref_slice %arg3[%add3A_22] : memref<320000xi32, #tpu.memory_space<hbm>> -> memref<80xi32, #tpu.memory_space<hbm>>
        tpu.wait_dma2 semaphore(%run_scoped3A : memref<!tpu.dma_semaphore, #tpu.memory_space<semaphore_mem>>) src(%dma_wait3A_30 : memref<80xi32, #tpu.memory_space<hbm>>) dst(%arg8 : memref<80xi32, #tpu.memory_space<vmem>>)
        tpu.yield
      }) : () -> ()
      %dma_start3A = arith.constant 0 : i32
      %dma_start3A_23 = arith.constant 0 : i32
      %dma_start3A_24 = tpu.memref_slice %arg4[%dma_start3A, %dma_start3A_23] : memref<20000x128xf32, #tpu.memory_space<hbm>> -> memref<20000x128xf32, #tpu.memory_space<hbm>>
      tpu.enqueue_indirect_dma source(%dma_start3A_24 : memref<20000x128xf32, #tpu.memory_space<hbm>>) target(%arg9 : memref<80x128xf32, #tpu.memory_space<vmem>>) offsets(%arg7 : memref<80xi32, #tpu.memory_space<vmem>>) semaphore(%arg11 : memref<!tpu.dma_semaphore, #tpu.memory_space<semaphore_mem>>)
      %dma_wait3A = arith.constant 0 : i32
      %dma_wait3A_25 = arith.constant 0 : i32
      %dma_wait3A_26 = tpu.memref_slice %arg4[%dma_wait3A, %dma_wait3A_25] : memref<20000x128xf32, #tpu.memory_space<hbm>> -> memref<20000x128xf32, #tpu.memory_space<hbm>>
      tpu.wait_indirect_dma semaphore(%arg11 : memref<!tpu.dma_semaphore, #tpu.memory_space<semaphore_mem>>) src(%dma_wait3A_26 : memref<20000x128xf32, #tpu.memory_space<hbm>>) dst(%arg9 : memref<80x128xf32, #tpu.memory_space<vmem>>)
      "tpu.region"() ({
        %run_scoped3A = tpu.sem_alloc : memref<!tpu.dma_semaphore, #tpu.memory_space<semaphore_mem>>
        %dma_start3A_27 = arith.constant 0 : i32
        %dma_start3A_28 = arith.constant 0 : i32
        %dma_start3A_29 = tpu.memref_slice %arg10[%dma_start3A_27, %dma_start3A_28] : memref<10112x128xf32, #tpu.memory_space<vmem_shared>> -> memref<10112x128xf32, #tpu.memory_space<vmem_shared>>
        tpu.enqueue_indirect_dma source(%arg9 : memref<80x128xf32, #tpu.memory_space<vmem>>) target(%dma_start3A_29 : memref<10112x128xf32, #tpu.memory_space<vmem_shared>>) offsets(%arg8 : memref<80xi32, #tpu.memory_space<vmem>>) semaphore(%run_scoped3A : memref<!tpu.dma_semaphore, #tpu.memory_space<semaphore_mem>>) {add = true}
        %dma_wait3A_30 = arith.constant 0 : i32
        %dma_wait3A_31 = arith.constant 0 : i32
        %dma_wait3A_32 = tpu.memref_slice %arg10[%dma_wait3A_30, %dma_wait3A_31] : memref<10112x128xf32, #tpu.memory_space<vmem_shared>> -> memref<10112x128xf32, #tpu.memory_space<vmem_shared>>
        tpu.wait_indirect_dma semaphore(%run_scoped3A : memref<!tpu.dma_semaphore, #tpu.memory_space<semaphore_mem>>) src(%arg9 : memref<80x128xf32, #tpu.memory_space<vmem>>) dst(%dma_wait3A_32 : memref<10112x128xf32, #tpu.memory_space<vmem_shared>>)
        tpu.yield
      }) : () -> ()
    }
    %scan3A_11 = arith.constant 250 : i32
    %barrier3A_12 = arith.constant 0 : index
    tpu.barrier barrier_id(%barrier3A_12)
    %mul3A_13 = arith.constant 10112 : i32
    %mul3A_14 = arith.muli %arg0, %mul3A_13 : i32
    %add3A_15 = arith.addi %mul3A_14, %mul3A_0 : i32
    "tpu.region"() ({
      %run_scoped3A = tpu.sem_alloc : memref<!tpu.dma_semaphore, #tpu.memory_space<semaphore_mem>>
      %dma_start3A = arith.constant 0 : i32
      %dma_start3A_16 = tpu.memref_slice %arg6[%add3A_15, %dma_start3A] : memref<20224x128xf32, #tpu.memory_space<hbm>> -> memref<632x128xf32, #tpu.memory_space<hbm>>
      %dma_start3A_17 = arith.constant 0 : i32
      %dma_start3A_18 = tpu.memref_slice %arg10[%mul3A_0, %dma_start3A_17] : memref<10112x128xf32, #tpu.memory_space<vmem_shared>> -> memref<632x128xf32, #tpu.memory_space<vmem_shared>>
      tpu.enqueue_dma source(%dma_start3A_18 : memref<632x128xf32, #tpu.memory_space<vmem_shared>>) target(%dma_start3A_16 : memref<632x128xf32, #tpu.memory_space<hbm>>) target_semaphore(%run_scoped3A : memref<!tpu.dma_semaphore, #tpu.memory_space<semaphore_mem>>)
      %dma_wait3A = arith.constant 0 : i32
      %dma_wait3A_19 = tpu.memref_slice %arg6[%add3A_15, %dma_wait3A] : memref<20224x128xf32, #tpu.memory_space<hbm>> -> memref<632x128xf32, #tpu.memory_space<hbm>>
      %dma_wait3A_20 = arith.constant 0 : i32
      %dma_wait3A_21 = tpu.memref_slice %arg10[%mul3A_0, %dma_wait3A_20] : memref<10112x128xf32, #tpu.memory_space<vmem_shared>> -> memref<632x128xf32, #tpu.memory_space<vmem_shared>>
      tpu.wait_dma2 semaphore(%run_scoped3A : memref<!tpu.dma_semaphore, #tpu.memory_space<semaphore_mem>>) src(%dma_wait3A_21 : memref<632x128xf32, #tpu.memory_space<vmem_shared>>) dst(%dma_wait3A_19 : memref<632x128xf32, #tpu.memory_space<hbm>>)
      tpu.yield
    }) : () -> ()
    return
  }
}

#map = affine_map<(d0, d1) -> (0)>
#map1 = affine_map<(d0, d1) -> (0, 0)>
module attributes {stable_mosaic.version = 14 : i64} {
  func.func @_spmm_body(%arg0: i32, %arg1: i32, %arg2: memref<640000xi32, #tpu.memory_space<hbm>>, %arg3: memref<320000xi32, #tpu.memory_space<hbm>>, %arg4: memref<20000x128xf32, #tpu.memory_space<hbm>>, %arg5: memref<632x128xf32, #tpu.memory_space<hbm>>, %arg6: memref<20224x128xf32, #tpu.memory_space<hbm>>, %arg7: memref<80xi32, #tpu.memory_space<vmem>>, %arg8: memref<80xi32, #tpu.memory_space<vmem>>, %arg9: memref<80x128xf32, #tpu.memory_space<vmem>>, %arg10: memref<10112x128xf32, #tpu.memory_space<vmem_shared>>, %arg11: memref<!tpu.dma_semaphore, #tpu.memory_space<semaphore_mem>>) attributes {dimension_semantics = [#tpu.dimension_semantics<core_parallel>, #tpu.dimension_semantics<subcore_parallel>], iteration_bounds = array<i64: 2, 16>, scalar_prefetch = 0 : i64, scratch_operands = 5 : i64, tpu.core_type = #tpu.core_type<sc_vector_subcore>, window_params = [{transform_indices = #map}, {transform_indices = #map}, {transform_indices = #map1}, {transform_indices = #map1}, {transform_indices = #map1}]} {
    %mul3A = arith.constant 632 : i32
    %mul3A_0 = arith.muli %arg1, %mul3A : i32
    "tpu.region"() ({
      %run_scoped3A = tpu.sem_alloc : memref<!tpu.dma_semaphore, #tpu.memory_space<semaphore_mem>>
      %dma_start3A = arith.constant 0 : i32
      %dma_start3A_16 = tpu.memref_slice %arg10[%mul3A_0, %dma_start3A] : memref<10112x128xf32, #tpu.memory_space<vmem_shared>> -> memref<632x128xf32, #tpu.memory_space<vmem_shared>>
      tpu.enqueue_dma source(%arg5 : memref<632x128xf32, #tpu.memory_space<hbm>>) target(%dma_start3A_16 : memref<632x128xf32, #tpu.memory_space<vmem_shared>>) target_semaphore(%run_scoped3A : memref<!tpu.dma_semaphore, #tpu.memory_space<semaphore_mem>>)
      %dma_wait3A = arith.constant 0 : i32
      %dma_wait3A_17 = tpu.memref_slice %arg10[%mul3A_0, %dma_wait3A] : memref<10112x128xf32, #tpu.memory_space<vmem_shared>> -> memref<632x128xf32, #tpu.memory_space<vmem_shared>>
      tpu.wait_dma2 semaphore(%run_scoped3A : memref<!tpu.dma_semaphore, #tpu.memory_space<semaphore_mem>>) src(%arg5 : memref<632x128xf32, #tpu.memory_space<hbm>>) dst(%dma_wait3A_17 : memref<632x128xf32, #tpu.memory_space<vmem_shared>>)
      tpu.yield
    }) : () -> ()
    %barrier3A = arith.constant 0 : index
    tpu.barrier barrier_id(%barrier3A)
    %mul3A_1 = arith.constant 320000 : i32
    %mul3A_2 = arith.muli %arg0, %mul3A_1 : i32
    %mul3A_3 = arith.constant 20000 : i32
    %mul3A_4 = arith.muli %arg1, %mul3A_3 : i32
    %add3A = arith.addi %mul3A_2, %mul3A_4 : i32
    %mul3A_5 = arith.constant 20000 : i32
    %mul3A_6 = arith.muli %arg1, %mul3A_5 : i32
    %scan3A = arith.constant 0 : i32
    %scan3A_7 = arith.constant 0 : i32
    %scan3A_8 = arith.constant 250 : i32
    %scan3A_9 = arith.addi %scan3A_7, %scan3A_8 : i32
    %scan3A_10 = arith.constant 1 : i32
    scf.for %scan3A_16 = %scan3A_7 to %scan3A_9 step %scan3A_10  : i32 {
      %mul3A_17 = arith.constant 80 : i32
      %mul3A_18 = arith.muli %scan3A_16, %mul3A_17 : i32
      %add3A_19 = arith.addi %add3A, %mul3A_18 : i32
      "tpu.region"() ({
        %run_scoped3A = tpu.sem_alloc : memref<!tpu.dma_semaphore, #tpu.memory_space<semaphore_mem>>
        %dma_start3A_27 = tpu.memref_slice %arg2[%add3A_19] : memref<640000xi32, #tpu.memory_space<hbm>> -> memref<80xi32, #tpu.memory_space<hbm>>
        %dma_start3A_28 = tpu.memref_slice %arg2[%add3A_19] : memref<640000xi32, #tpu.memory_space<hbm>> -> memref<80xi32, #tpu.memory_space<hbm>>
        tpu.enqueue_dma source(%dma_start3A_28 : memref<80xi32, #tpu.memory_space<hbm>>) target(%arg7 : memref<80xi32, #tpu.memory_space<vmem>>) target_semaphore(%run_scoped3A : memref<!tpu.dma_semaphore, #tpu.memory_space<semaphore_mem>>)
        %dma_wait3A_29 = tpu.memref_slice %arg2[%add3A_19] : memref<640000xi32, #tpu.memory_space<hbm>> -> memref<80xi32, #tpu.memory_space<hbm>>
        %dma_wait3A_30 = tpu.memref_slice %arg2[%add3A_19] : memref<640000xi32, #tpu.memory_space<hbm>> -> memref<80xi32, #tpu.memory_space<hbm>>
        tpu.wait_dma2 semaphore(%run_scoped3A : memref<!tpu.dma_semaphore, #tpu.memory_space<semaphore_mem>>) src(%dma_wait3A_30 : memref<80xi32, #tpu.memory_space<hbm>>) dst(%arg7 : memref<80xi32, #tpu.memory_space<vmem>>)
        tpu.yield
      }) : () -> ()
      %mul3A_20 = arith.constant 80 : i32
      %mul3A_21 = arith.muli %scan3A_16, %mul3A_20 : i32
      %add3A_22 = arith.addi %mul3A_6, %mul3A_21 : i32
      "tpu.region"() ({
        %run_scoped3A = tpu.sem_alloc : memref<!tpu.dma_semaphore, #tpu.memory_space<semaphore_mem>>
        %dma_start3A_27 = tpu.memref_slice %arg3[%add3A_22] : memref<320000xi32, #tpu.memory_space<hbm>> -> memref<80xi32, #tpu.memory_space<hbm>>
        %dma_start3A_28 = tpu.memref_slice %arg3[%add3A_22] : memref<320000xi32, #tpu.memory_space<hbm>> -> memref<80xi32, #tpu.memory_space<hbm>>
        tpu.enqueue_dma source(%dma_start3A_28 : memref<80xi32, #tpu.memory_space<hbm>>) target(%arg8 : memref<80xi32, #tpu.memory_space<vmem>>) target_semaphore(%run_scoped3A : memref<!tpu.dma_semaphore, #tpu.memory_space<semaphore_mem>>)
        %dma_wait3A_29 = tpu.memref_slice %arg3[%add3A_22] : memref<320000xi32, #tpu.memory_space<hbm>> -> memref<80xi32, #tpu.memory_space<hbm>>
        %dma_wait3A_30 = tpu.memref_slice %arg3[%add3A_22] : memref<320000xi32, #tpu.memory_space<hbm>> -> memref<80xi32, #tpu.memory_space<hbm>>
        tpu.wait_dma2 semaphore(%run_scoped3A : memref<!tpu.dma_semaphore, #tpu.memory_space<semaphore_mem>>) src(%dma_wait3A_30 : memref<80xi32, #tpu.memory_space<hbm>>) dst(%arg8 : memref<80xi32, #tpu.memory_space<vmem>>)
        tpu.yield
      }) : () -> ()
      %dma_start3A = arith.constant 0 : i32
      %dma_start3A_23 = arith.constant 0 : i32
      %dma_start3A_24 = tpu.memref_slice %arg4[%dma_start3A, %dma_start3A_23] : memref<20000x128xf32, #tpu.memory_space<hbm>> -> memref<20000x128xf32, #tpu.memory_space<hbm>>
      tpu.enqueue_indirect_dma source(%dma_start3A_24 : memref<20000x128xf32, #tpu.memory_space<hbm>>) target(%arg9 : memref<80x128xf32, #tpu.memory_space<vmem>>) offsets(%arg7 : memref<80xi32, #tpu.memory_space<vmem>>) semaphore(%arg11 : memref<!tpu.dma_semaphore, #tpu.memory_space<semaphore_mem>>)
      %dma_wait3A = arith.constant 0 : i32
      %dma_wait3A_25 = arith.constant 0 : i32
      %dma_wait3A_26 = tpu.memref_slice %arg4[%dma_wait3A, %dma_wait3A_25] : memref<20000x128xf32, #tpu.memory_space<hbm>> -> memref<20000x128xf32, #tpu.memory_space<hbm>>
      tpu.wait_indirect_dma semaphore(%arg11 : memref<!tpu.dma_semaphore, #tpu.memory_space<semaphore_mem>>) src(%dma_wait3A_26 : memref<20000x128xf32, #tpu.memory_space<hbm>>) dst(%arg9 : memref<80x128xf32, #tpu.memory_space<vmem>>)
      "tpu.region"() ({
        %run_scoped3A = tpu.sem_alloc : memref<!tpu.dma_semaphore, #tpu.memory_space<semaphore_mem>>
        %dma_start3A_27 = arith.constant 0 : i32
        %dma_start3A_28 = arith.constant 0 : i32
        %dma_start3A_29 = tpu.memref_slice %arg10[%dma_start3A_27, %dma_start3A_28] : memref<10112x128xf32, #tpu.memory_space<vmem_shared>> -> memref<10112x128xf32, #tpu.memory_space<vmem_shared>>
        tpu.enqueue_indirect_dma source(%arg9 : memref<80x128xf32, #tpu.memory_space<vmem>>) target(%dma_start3A_29 : memref<10112x128xf32, #tpu.memory_space<vmem_shared>>) offsets(%arg8 : memref<80xi32, #tpu.memory_space<vmem>>) semaphore(%run_scoped3A : memref<!tpu.dma_semaphore, #tpu.memory_space<semaphore_mem>>) {add = true}
        %dma_wait3A_30 = arith.constant 0 : i32
        %dma_wait3A_31 = arith.constant 0 : i32
        %dma_wait3A_32 = tpu.memref_slice %arg10[%dma_wait3A_30, %dma_wait3A_31] : memref<10112x128xf32, #tpu.memory_space<vmem_shared>> -> memref<10112x128xf32, #tpu.memory_space<vmem_shared>>
        tpu.wait_indirect_dma semaphore(%run_scoped3A : memref<!tpu.dma_semaphore, #tpu.memory_space<semaphore_mem>>) src(%arg9 : memref<80x128xf32, #tpu.memory_space<vmem>>) dst(%dma_wait3A_32 : memref<10112x128xf32, #tpu.memory_space<vmem_shared>>)
        tpu.yield
      }) : () -> ()
    }
    %scan3A_11 = arith.constant 250 : i32
    %barrier3A_12 = arith.constant 0 : index
    tpu.barrier barrier_id(%barrier3A_12)
    %mul3A_13 = arith.constant 10112 : i32
    %mul3A_14 = arith.muli %arg0, %mul3A_13 : i32
    %add3A_15 = arith.addi %mul3A_14, %mul3A_0 : i32
    "tpu.region"() ({
      %run_scoped3A = tpu.sem_alloc : memref<!tpu.dma_semaphore, #tpu.memory_space<semaphore_mem>>
      %dma_start3A = arith.constant 0 : i32
      %dma_start3A_16 = tpu.memref_slice %arg6[%add3A_15, %dma_start3A] : memref<20224x128xf32, #tpu.memory_space<hbm>> -> memref<632x128xf32, #tpu.memory_space<hbm>>
      %dma_start3A_17 = arith.constant 0 : i32
      %dma_start3A_18 = tpu.memref_slice %arg10[%mul3A_0, %dma_start3A_17] : memref<10112x128xf32, #tpu.memory_space<vmem_shared>> -> memref<632x128xf32, #tpu.memory_space<vmem_shared>>
      tpu.enqueue_dma source(%dma_start3A_18 : memref<632x128xf32, #tpu.memory_space<vmem_shared>>) target(%dma_start3A_16 : memref<632x128xf32, #tpu.memory_space<hbm>>) target_semaphore(%run_scoped3A : memref<!tpu.dma_semaphore, #tpu.memory_space<semaphore_mem>>)
      %dma_wait3A = arith.constant 0 : i32
      %dma_wait3A_19 = tpu.memref_slice %arg6[%add3A_15, %dma_wait3A] : memref<20224x128xf32, #tpu.memory_space<hbm>> -> memref<632x128xf32, #tpu.memory_space<hbm>>
      %dma_wait3A_20 = arith.constant 0 : i32
      %dma_wait3A_21 = tpu.memref_slice %arg10[%mul3A_0, %dma_wait3A_20] : memref<10112x128xf32, #tpu.memory_space<vmem_shared>> -> memref<632x128xf32, #tpu.memory_space<vmem_shared>>
      tpu.wait_dma2 semaphore(%run_scoped3A : memref<!tpu.dma_semaphore, #tpu.memory_space<semaphore_mem>>) src(%dma_wait3A_21 : memref<632x128xf32, #tpu.memory_space<vmem_shared>>) dst(%dma_wait3A_19 : memref<632x128xf32, #tpu.memory_space<hbm>>)
      tpu.yield
    }) : () -> ()
    return
  }
}

#map = affine_map<(d0, d1) -> (0)>
#map1 = affine_map<(d0, d1) -> (0, 0)>
module attributes {stable_mosaic.version = 14 : i64} {
  func.func @_spmm_body(%arg0: i32, %arg1: i32, %arg2: memref<640000xi32, #tpu.memory_space<hbm>>, %arg3: memref<320000xi32, #tpu.memory_space<hbm>>, %arg4: memref<20000x128xf32, #tpu.memory_space<hbm>>, %arg5: memref<632x128xf32, #tpu.memory_space<hbm>>, %arg6: memref<20224x128xf32, #tpu.memory_space<hbm>>, %arg7: memref<80xi32, #tpu.memory_space<vmem>>, %arg8: memref<80xi32, #tpu.memory_space<vmem>>, %arg9: memref<80x128xf32, #tpu.memory_space<vmem>>, %arg10: memref<10112x128xf32, #tpu.memory_space<vmem_shared>>, %arg11: memref<!tpu.dma_semaphore, #tpu.memory_space<semaphore_mem>>) attributes {dimension_semantics = [#tpu.dimension_semantics<core_parallel>, #tpu.dimension_semantics<subcore_parallel>], iteration_bounds = array<i64: 2, 16>, scalar_prefetch = 0 : i64, scratch_operands = 5 : i64, tpu.core_type = #tpu.core_type<sc_vector_subcore>, window_params = [{transform_indices = #map}, {transform_indices = #map}, {transform_indices = #map1}, {transform_indices = #map1}, {transform_indices = #map1}]} {
    %mul3A = arith.constant 632 : i32
    %mul3A_0 = arith.muli %arg1, %mul3A : i32
    "tpu.region"() ({
      %run_scoped3A = tpu.sem_alloc : memref<!tpu.dma_semaphore, #tpu.memory_space<semaphore_mem>>
      %dma_start3A = arith.constant 0 : i32
      %dma_start3A_16 = tpu.memref_slice %arg10[%mul3A_0, %dma_start3A] : memref<10112x128xf32, #tpu.memory_space<vmem_shared>> -> memref<632x128xf32, #tpu.memory_space<vmem_shared>>
      tpu.enqueue_dma source(%arg5 : memref<632x128xf32, #tpu.memory_space<hbm>>) target(%dma_start3A_16 : memref<632x128xf32, #tpu.memory_space<vmem_shared>>) target_semaphore(%run_scoped3A : memref<!tpu.dma_semaphore, #tpu.memory_space<semaphore_mem>>)
      %dma_wait3A = arith.constant 0 : i32
      %dma_wait3A_17 = tpu.memref_slice %arg10[%mul3A_0, %dma_wait3A] : memref<10112x128xf32, #tpu.memory_space<vmem_shared>> -> memref<632x128xf32, #tpu.memory_space<vmem_shared>>
      tpu.wait_dma2 semaphore(%run_scoped3A : memref<!tpu.dma_semaphore, #tpu.memory_space<semaphore_mem>>) src(%arg5 : memref<632x128xf32, #tpu.memory_space<hbm>>) dst(%dma_wait3A_17 : memref<632x128xf32, #tpu.memory_space<vmem_shared>>)
      tpu.yield
    }) : () -> ()
    %barrier3A = arith.constant 0 : index
    tpu.barrier barrier_id(%barrier3A)
    %mul3A_1 = arith.constant 320000 : i32
    %mul3A_2 = arith.muli %arg0, %mul3A_1 : i32
    %mul3A_3 = arith.constant 20000 : i32
    %mul3A_4 = arith.muli %arg1, %mul3A_3 : i32
    %add3A = arith.addi %mul3A_2, %mul3A_4 : i32
    %mul3A_5 = arith.constant 20000 : i32
    %mul3A_6 = arith.muli %arg1, %mul3A_5 : i32
    %scan3A = arith.constant 0 : i32
    %scan3A_7 = arith.constant 0 : i32
    %scan3A_8 = arith.constant 250 : i32
    %scan3A_9 = arith.addi %scan3A_7, %scan3A_8 : i32
    %scan3A_10 = arith.constant 1 : i32
    scf.for %scan3A_16 = %scan3A_7 to %scan3A_9 step %scan3A_10  : i32 {
      %mul3A_17 = arith.constant 80 : i32
      %mul3A_18 = arith.muli %scan3A_16, %mul3A_17 : i32
      %add3A_19 = arith.addi %add3A, %mul3A_18 : i32
      "tpu.region"() ({
        %run_scoped3A = tpu.sem_alloc : memref<!tpu.dma_semaphore, #tpu.memory_space<semaphore_mem>>
        %dma_start3A_27 = tpu.memref_slice %arg2[%add3A_19] : memref<640000xi32, #tpu.memory_space<hbm>> -> memref<80xi32, #tpu.memory_space<hbm>>
        %dma_start3A_28 = tpu.memref_slice %arg2[%add3A_19] : memref<640000xi32, #tpu.memory_space<hbm>> -> memref<80xi32, #tpu.memory_space<hbm>>
        tpu.enqueue_dma source(%dma_start3A_28 : memref<80xi32, #tpu.memory_space<hbm>>) target(%arg7 : memref<80xi32, #tpu.memory_space<vmem>>) target_semaphore(%run_scoped3A : memref<!tpu.dma_semaphore, #tpu.memory_space<semaphore_mem>>)
        %dma_wait3A_29 = tpu.memref_slice %arg2[%add3A_19] : memref<640000xi32, #tpu.memory_space<hbm>> -> memref<80xi32, #tpu.memory_space<hbm>>
        %dma_wait3A_30 = tpu.memref_slice %arg2[%add3A_19] : memref<640000xi32, #tpu.memory_space<hbm>> -> memref<80xi32, #tpu.memory_space<hbm>>
        tpu.wait_dma2 semaphore(%run_scoped3A : memref<!tpu.dma_semaphore, #tpu.memory_space<semaphore_mem>>) src(%dma_wait3A_30 : memref<80xi32, #tpu.memory_space<hbm>>) dst(%arg7 : memref<80xi32, #tpu.memory_space<vmem>>)
        tpu.yield
      }) : () -> ()
      %mul3A_20 = arith.constant 80 : i32
      %mul3A_21 = arith.muli %scan3A_16, %mul3A_20 : i32
      %add3A_22 = arith.addi %mul3A_6, %mul3A_21 : i32
      "tpu.region"() ({
        %run_scoped3A = tpu.sem_alloc : memref<!tpu.dma_semaphore, #tpu.memory_space<semaphore_mem>>
        %dma_start3A_27 = tpu.memref_slice %arg3[%add3A_22] : memref<320000xi32, #tpu.memory_space<hbm>> -> memref<80xi32, #tpu.memory_space<hbm>>
        %dma_start3A_28 = tpu.memref_slice %arg3[%add3A_22] : memref<320000xi32, #tpu.memory_space<hbm>> -> memref<80xi32, #tpu.memory_space<hbm>>
        tpu.enqueue_dma source(%dma_start3A_28 : memref<80xi32, #tpu.memory_space<hbm>>) target(%arg8 : memref<80xi32, #tpu.memory_space<vmem>>) target_semaphore(%run_scoped3A : memref<!tpu.dma_semaphore, #tpu.memory_space<semaphore_mem>>)
        %dma_wait3A_29 = tpu.memref_slice %arg3[%add3A_22] : memref<320000xi32, #tpu.memory_space<hbm>> -> memref<80xi32, #tpu.memory_space<hbm>>
        %dma_wait3A_30 = tpu.memref_slice %arg3[%add3A_22] : memref<320000xi32, #tpu.memory_space<hbm>> -> memref<80xi32, #tpu.memory_space<hbm>>
        tpu.wait_dma2 semaphore(%run_scoped3A : memref<!tpu.dma_semaphore, #tpu.memory_space<semaphore_mem>>) src(%dma_wait3A_30 : memref<80xi32, #tpu.memory_space<hbm>>) dst(%arg8 : memref<80xi32, #tpu.memory_space<vmem>>)
        tpu.yield
      }) : () -> ()
      %dma_start3A = arith.constant 0 : i32
      %dma_start3A_23 = arith.constant 0 : i32
      %dma_start3A_24 = tpu.memref_slice %arg4[%dma_start3A, %dma_start3A_23] : memref<20000x128xf32, #tpu.memory_space<hbm>> -> memref<20000x128xf32, #tpu.memory_space<hbm>>
      tpu.enqueue_indirect_dma source(%dma_start3A_24 : memref<20000x128xf32, #tpu.memory_space<hbm>>) target(%arg9 : memref<80x128xf32, #tpu.memory_space<vmem>>) offsets(%arg7 : memref<80xi32, #tpu.memory_space<vmem>>) semaphore(%arg11 : memref<!tpu.dma_semaphore, #tpu.memory_space<semaphore_mem>>)
      %dma_wait3A = arith.constant 0 : i32
      %dma_wait3A_25 = arith.constant 0 : i32
      %dma_wait3A_26 = tpu.memref_slice %arg4[%dma_wait3A, %dma_wait3A_25] : memref<20000x128xf32, #tpu.memory_space<hbm>> -> memref<20000x128xf32, #tpu.memory_space<hbm>>
      tpu.wait_indirect_dma semaphore(%arg11 : memref<!tpu.dma_semaphore, #tpu.memory_space<semaphore_mem>>) src(%dma_wait3A_26 : memref<20000x128xf32, #tpu.memory_space<hbm>>) dst(%arg9 : memref<80x128xf32, #tpu.memory_space<vmem>>)
      "tpu.region"() ({
        %run_scoped3A = tpu.sem_alloc : memref<!tpu.dma_semaphore, #tpu.memory_space<semaphore_mem>>
        %dma_start3A_27 = arith.constant 0 : i32
        %dma_start3A_28 = arith.constant 0 : i32
        %dma_start3A_29 = tpu.memref_slice %arg10[%dma_start3A_27, %dma_start3A_28] : memref<10112x128xf32, #tpu.memory_space<vmem_shared>> -> memref<10112x128xf32, #tpu.memory_space<vmem_shared>>
        tpu.enqueue_indirect_dma source(%arg9 : memref<80x128xf32, #tpu.memory_space<vmem>>) target(%dma_start3A_29 : memref<10112x128xf32, #tpu.memory_space<vmem_shared>>) offsets(%arg8 : memref<80xi32, #tpu.memory_space<vmem>>) semaphore(%run_scoped3A : memref<!tpu.dma_semaphore, #tpu.memory_space<semaphore_mem>>) {add = true}
        %dma_wait3A_30 = arith.constant 0 : i32
        %dma_wait3A_31 = arith.constant 0 : i32
        %dma_wait3A_32 = tpu.memref_slice %arg10[%dma_wait3A_30, %dma_wait3A_31] : memref<10112x128xf32, #tpu.memory_space<vmem_shared>> -> memref<10112x128xf32, #tpu.memory_space<vmem_shared>>
        tpu.wait_indirect_dma semaphore(%run_scoped3A : memref<!tpu.dma_semaphore, #tpu.memory_space<semaphore_mem>>) src(%arg9 : memref<80x128xf32, #tpu.memory_space<vmem>>) dst(%dma_wait3A_32 : memref<10112x128xf32, #tpu.memory_space<vmem_shared>>)
        tpu.yield
      }) : () -> ()
    }
    %scan3A_11 = arith.constant 250 : i32
    %barrier3A_12 = arith.constant 0 : index
    tpu.barrier barrier_id(%barrier3A_12)
    %mul3A_13 = arith.constant 10112 : i32
    %mul3A_14 = arith.muli %arg0, %mul3A_13 : i32
    %add3A_15 = arith.addi %mul3A_14, %mul3A_0 : i32
    "tpu.region"() ({
      %run_scoped3A = tpu.sem_alloc : memref<!tpu.dma_semaphore, #tpu.memory_space<semaphore_mem>>
      %dma_start3A = arith.constant 0 : i32
      %dma_start3A_16 = tpu.memref_slice %arg6[%add3A_15, %dma_start3A] : memref<20224x128xf32, #tpu.memory_space<hbm>> -> memref<632x128xf32, #tpu.memory_space<hbm>>
      %dma_start3A_17 = arith.constant 0 : i32
      %dma_start3A_18 = tpu.memref_slice %arg10[%mul3A_0, %dma_start3A_17] : memref<10112x128xf32, #tpu.memory_space<vmem_shared>> -> memref<632x128xf32, #tpu.memory_space<vmem_shared>>
      tpu.enqueue_dma source(%dma_start3A_18 : memref<632x128xf32, #tpu.memory_space<vmem_shared>>) target(%dma_start3A_16 : memref<632x128xf32, #tpu.memory_space<hbm>>) target_semaphore(%run_scoped3A : memref<!tpu.dma_semaphore, #tpu.memory_space<semaphore_mem>>)
      %dma_wait3A = arith.constant 0 : i32
      %dma_wait3A_19 = tpu.memref_slice %arg6[%add3A_15, %dma_wait3A] : memref<20224x128xf32, #tpu.memory_space<hbm>> -> memref<632x128xf32, #tpu.memory_space<hbm>>
      %dma_wait3A_20 = arith.constant 0 : i32
      %dma_wait3A_21 = tpu.memref_slice %arg10[%mul3A_0, %dma_wait3A_20] : memref<10112x128xf32, #tpu.memory_space<vmem_shared>> -> memref<632x128xf32, #tpu.memory_space<vmem_shared>>
      tpu.wait_dma2 semaphore(%run_scoped3A : memref<!tpu.dma_semaphore, #tpu.memory_space<semaphore_mem>>) src(%dma_wait3A_21 : memref<632x128xf32, #tpu.memory_space<vmem_shared>>) dst(%dma_wait3A_19 : memref<632x128xf32, #tpu.memory_space<hbm>>)
      tpu.yield
    }) : () -> ()
    return
  }
}

module attributes {stable_mosaic.version = 14 : i64} {
  func.func @_enc_body(%arg0: i32, %arg1: memref<1000x128xf32, #tpu.memory_space<vmem>>, %arg2: memref<128x128xf32, #tpu.memory_space<vmem>>, %arg3: memref<1x128xf32, #tpu.memory_space<vmem>>, %arg4: memref<1000x128xf32, #tpu.memory_space<vmem>>, %arg5: memref<1x128xf32, #tpu.memory_space<vmem>>) attributes {dimension_semantics = [#tpu.dimension_semantics<arbitrary>], iteration_bounds = array<i64: 10>, scalar_prefetch = 0 : i64, scratch_operands = 0 : i64, tpu.core_type = #tpu.core_type<tc>, window_params = [{transform_indices = @transform_0, window_bounds = array<i64: 1000, 128>}, {pipeline_mode = #tpu.pipeline_mode<synchronous>, transform_indices = @transform_1, window_bounds = array<i64: 128, 128>}, {pipeline_mode = #tpu.pipeline_mode<synchronous>, transform_indices = @transform_2, window_bounds = array<i64: 1, 128>}, {transform_indices = @transform_3, window_bounds = array<i64: 1000, 128>}, {pipeline_mode = #tpu.pipeline_mode<synchronous>, transform_indices = @transform_4, window_bounds = array<i64: 1, 128>}]} {
    %get3A = arith.constant 0 : index
    %get3A_0 = arith.constant 0 : index
    %get3A_1 = vector.load %arg1[%get3A, %get3A_0] : memref<1000x128xf32, #tpu.memory_space<vmem>>, vector<1000x128xf32>
    %get3A_2 = arith.constant 0 : index
    %get3A_3 = arith.constant 0 : index
    %get3A_4 = vector.load %arg2[%get3A_2, %get3A_3] : memref<128x128xf32, #tpu.memory_space<vmem>>, vector<128x128xf32>
    %dot_general3A = arith.constant dense<0.000000e+00> : vector<1000x128xf32>
    %dot_general3A_5 = tpu.matmul %get3A_1, %get3A_4, %dot_general3A {dimension_numbers = #tpu.dot_dimension_numbers<[1], [0], [0], [1], [0, 0, 1, 1], [], []>, transpose_lhs_hint = false} : vector<1000x128xf32>, vector<128x128xf32>, vector<1000x128xf32> -> vector<1000x128xf32>
    %get3A_6 = arith.constant 0 : index
    %get3A_7 = arith.constant 0 : index
    %get3A_8 = vector.load %arg3[%get3A_6, %get3A_7] : memref<1x128xf32, #tpu.memory_space<vmem>>, vector<1x128xf32>
    %add3A = vector.broadcast %get3A_8 : vector<1x128xf32> to vector<1000x128xf32>
    %add3A_9 = arith.addf %dot_general3A_5, %add3A : vector<1000x128xf32>
    %swap3A = arith.constant 0 : index
    %swap3A_10 = arith.constant 0 : index
    %swap3A_11 = vector.load %arg4[%swap3A, %swap3A_10] : memref<1000x128xf32, #tpu.memory_space<vmem>>, vector<1000x128xf32>
    tpu.vector_store %arg4[%swap3A, %swap3A_10], %add3A_9 {strides = array<i32>} : memref<1000x128xf32, #tpu.memory_space<vmem>>, vector<1000x128xf32>,
    %max3A = arith.constant 0.000000e+00 : f32
    %max3A_12 = vector.broadcast %max3A : f32 to vector<1000x128xf32>
    %max3A_13 = arith.maximumf %add3A_9, %max3A_12 : vector<1000x128xf32>
    %reduce_max3A = arith.constant dense<0xFF800000> : vector<128xf32>
    %reduce_max3A_14 = vector.multi_reduction <maximumf>, %max3A_13, %reduce_max3A [0] : vector<1000x128xf32> to vector<128xf32>
    %broadcast_in_dim3A = vector.shape_cast %reduce_max3A_14 : vector<128xf32> to vector<1x128xf32>
    %eq3A = arith.constant 0 : i32
    %eq3A_15 = arith.cmpi eq, %arg0, %eq3A : i32
    %convert_element_type3A = arith.extui %eq3A_15 : i1 to i32
    %cond3A = arith.constant 0 : i32
    %cond3A_16 = arith.cmpi ne, %convert_element_type3A, %cond3A : i32
    scf.if %cond3A_16 {
      %swap3A_21 = arith.constant 0 : index
      %swap3A_22 = arith.constant 0 : index
      %swap3A_23 = vector.load %arg5[%swap3A_21, %swap3A_22] : memref<1x128xf32, #tpu.memory_space<vmem>>, vector<1x128xf32>
      tpu.vector_store %arg5[%swap3A_21, %swap3A_22], %broadcast_in_dim3A {strides = array<i32>} : memref<1x128xf32, #tpu.memory_space<vmem>>, vector<1x128xf32>,
    } else {
    }
    %gt3A = arith.constant 0 : i32
    %gt3A_17 = arith.cmpi sgt, %arg0, %gt3A : i32
    %convert_element_type3A_18 = arith.extui %gt3A_17 : i1 to i32
    %cond3A_19 = arith.constant 0 : i32
    %cond3A_20 = arith.cmpi ne, %convert_element_type3A_18, %cond3A_19 : i32
    scf.if %cond3A_20 {
      %get3A_21 = arith.constant 0 : index
      %get3A_22 = arith.constant 0 : index
      %get3A_23 = vector.load %arg5[%get3A_21, %get3A_22] : memref<1x128xf32, #tpu.memory_space<vmem>>, vector<1x128xf32>
      %max3A_24 = arith.maximumf %get3A_23, %broadcast_in_dim3A : vector<1x128xf32>
      %swap3A_25 = arith.constant 0 : index
      %swap3A_26 = arith.constant 0 : index
      %swap3A_27 = vector.load %arg5[%swap3A_25, %swap3A_26] : memref<1x128xf32, #tpu.memory_space<vmem>>, vector<1x128xf32>
      tpu.vector_store %arg5[%swap3A_25, %swap3A_26], %max3A_24 {strides = array<i32>} : memref<1x128xf32, #tpu.memory_space<vmem>>, vector<1x128xf32>,
    } else {
    }
    return
  }
  func.func @transform_0(%arg0: i32) -> (i32, i32) {
    %c0_i32 = arith.constant 0 : i32
    %c0_i32_0 = arith.constant 0 : i32
    return %arg0, %c0_i32 : i32, i32
  }
  func.func @transform_1(%arg0: i32) -> (i32, i32) {
    %c0_i32 = arith.constant 0 : i32
    %c0_i32_0 = arith.constant 0 : i32
    %c0_i32_1 = arith.constant 0 : i32
    return %c0_i32, %c0_i32_0 : i32, i32
  }
  func.func @transform_2(%arg0: i32) -> (i32, i32) {
    %c0_i32 = arith.constant 0 : i32
    %c0_i32_0 = arith.constant 0 : i32
    %c0_i32_1 = arith.constant 0 : i32
    return %c0_i32, %c0_i32_0 : i32, i32
  }
  func.func @transform_3(%arg0: i32) -> (i32, i32) {
    %c0_i32 = arith.constant 0 : i32
    %c0_i32_0 = arith.constant 0 : i32
    return %arg0, %c0_i32 : i32, i32
  }
  func.func @transform_4(%arg0: i32) -> (i32, i32) {
    %c0_i32 = arith.constant 0 : i32
    %c0_i32_0 = arith.constant 0 : i32
    %c0_i32_1 = arith.constant 0 : i32
    return %c0_i32, %c0_i32_0 : i32, i32
  }
}

module attributes {stable_mosaic.version = 14 : i64} {
  func.func @_emit_body(%arg0: i32, %arg1: memref<1000x128xf32, #tpu.memory_space<vmem>>, %arg2: memref<1x128xf32, #tpu.memory_space<vmem>>, %arg3: memref<2x1000x128xf32, #tpu.memory_space<vmem>>) attributes {dimension_semantics = [#tpu.dimension_semantics<arbitrary>], iteration_bounds = array<i64: 10>, scalar_prefetch = 0 : i64, scratch_operands = 0 : i64, tpu.core_type = #tpu.core_type<tc>, window_params = [{transform_indices = @transform_0, window_bounds = array<i64: 1000, 128>}, {pipeline_mode = #tpu.pipeline_mode<synchronous>, transform_indices = @transform_1, window_bounds = array<i64: 1, 128>}, {transform_indices = @transform_2, window_bounds = array<i64: 2, 1000, 128>}]} {
    %get3A = arith.constant 0 : index
    %get3A_0 = arith.constant 0 : index
    %get3A_1 = vector.load %arg1[%get3A, %get3A_0] : memref<1000x128xf32, #tpu.memory_space<vmem>>, vector<1000x128xf32>
    %max3A = arith.constant 0.000000e+00 : f32
    %max3A_2 = vector.broadcast %max3A : f32 to vector<1000x128xf32>
    %max3A_3 = arith.maximumf %get3A_1, %max3A_2 : vector<1000x128xf32>
    %add3A = arith.constant 1.000000e-07 : f32
    %add3A_4 = vector.broadcast %add3A : f32 to vector<1000x128xf32>
    %add3A_5 = arith.addf %max3A_3, %add3A_4 : vector<1000x128xf32>
    %get3A_6 = arith.constant 0 : index
    %get3A_7 = arith.constant 0 : index
    %get3A_8 = vector.load %arg2[%get3A_6, %get3A_7] : memref<1x128xf32, #tpu.memory_space<vmem>>, vector<1x128xf32>
    %sub3A = vector.broadcast %get3A_8 : vector<1x128xf32> to vector<1000x128xf32>
    %sub3A_9 = arith.subf %max3A_3, %sub3A : vector<1000x128xf32>
    %exp3A = math.exp %sub3A_9 : vector<1000x128xf32>
    %mul3A = arith.mulf %add3A_5, %exp3A : vector<1000x128xf32>
    %swap3A = arith.constant 0 : index
    %swap3A_10 = arith.constant 0 : index
    %swap3A_11 = arith.constant 0 : index
    %swap3A_12 = vector.load %arg3[%swap3A, %swap3A_10, %swap3A_11] : memref<2x1000x128xf32, #tpu.memory_space<vmem>>, vector<1x1000x128xf32>
    %swap3A_13 = vector.shape_cast %swap3A_12 : vector<1x1000x128xf32> to vector<1000x128xf32>
    %swap3A_14 = vector.shape_cast %mul3A : vector<1000x128xf32> to vector<1x1000x128xf32>
    tpu.vector_store %arg3[%swap3A, %swap3A_10, %swap3A_11], %swap3A_14 {strides = array<i32>} : memref<2x1000x128xf32, #tpu.memory_space<vmem>>, vector<1x1000x128xf32>,
    %swap3A_15 = arith.constant 1 : index
    %swap3A_16 = arith.constant 0 : index
    %swap3A_17 = arith.constant 0 : index
    %swap3A_18 = vector.load %arg3[%swap3A_15, %swap3A_16, %swap3A_17] : memref<2x1000x128xf32, #tpu.memory_space<vmem>>, vector<1x1000x128xf32>
    %swap3A_19 = vector.shape_cast %swap3A_18 : vector<1x1000x128xf32> to vector<1000x128xf32>
    %swap3A_20 = vector.shape_cast %exp3A : vector<1000x128xf32> to vector<1x1000x128xf32>
    tpu.vector_store %arg3[%swap3A_15, %swap3A_16, %swap3A_17], %swap3A_20 {strides = array<i32>} : memref<2x1000x128xf32, #tpu.memory_space<vmem>>, vector<1x1000x128xf32>,
    return
  }
  func.func @transform_0(%arg0: i32) -> (i32, i32) {
    %c0_i32 = arith.constant 0 : i32
    %c0_i32_0 = arith.constant 0 : i32
    return %arg0, %c0_i32 : i32, i32
  }
  func.func @transform_1(%arg0: i32) -> (i32, i32) {
    %c0_i32 = arith.constant 0 : i32
    %c0_i32_0 = arith.constant 0 : i32
    %c0_i32_1 = arith.constant 0 : i32
    return %c0_i32, %c0_i32_0 : i32, i32
  }
  func.func @transform_2(%arg0: i32) -> (i32, i32, i32) {
    %c0_i32 = arith.constant 0 : i32
    %c0_i32_0 = arith.constant 0 : i32
    %c0_i32_1 = arith.constant 0 : i32
    return %c0_i32, %arg0, %c0_i32_0 : i32, i32, i32
  }
}

module attributes {stable_mosaic.version = 14 : i64} {
  func.func @_mlp_body(%arg0: i32, %arg1: memref<1000x128xf32, #tpu.memory_space<vmem>>, %arg2: memref<1000x128xf32, #tpu.memory_space<vmem>>, %arg3: memref<1000x128xf32, #tpu.memory_space<vmem>>, %arg4: memref<1000x128xf32, #tpu.memory_space<vmem>>, %arg5: memref<128x256xf32, #tpu.memory_space<vmem>>, %arg6: memref<1x256xf32, #tpu.memory_space<vmem>>, %arg7: memref<1x256xf32, #tpu.memory_space<vmem>>, %arg8: memref<1x256xf32, #tpu.memory_space<vmem>>, %arg9: memref<256x128xf32, #tpu.memory_space<vmem>>, %arg10: memref<1x128xf32, #tpu.memory_space<vmem>>, %arg11: memref<1x128xf32, #tpu.memory_space<vmem>>, %arg12: memref<1x128xf32, #tpu.memory_space<vmem>>, %arg13: memref<1000x128xf32, #tpu.memory_space<vmem>>, %arg14: memref<1000x128xf32, #tpu.memory_space<vmem>>, %arg15: memref<1x128xf32, #tpu.memory_space<vmem>>) attributes {dimension_semantics = [#tpu.dimension_semantics<arbitrary>], iteration_bounds = array<i64: 10>, scalar_prefetch = 0 : i64, scratch_operands = 0 : i64, tpu.core_type = #tpu.core_type<tc>, window_params = [{transform_indices = @transform_0, window_bounds = array<i64: 1000, 128>}, {transform_indices = @transform_1, window_bounds = array<i64: 1000, 128>}, {transform_indices = @transform_2, window_bounds = array<i64: 1000, 128>}, {transform_indices = @transform_3, window_bounds = array<i64: 1000, 128>}, {pipeline_mode = #tpu.pipeline_mode<synchronous>, transform_indices = @transform_4, window_bounds = array<i64: 128, 256>}, {pipeline_mode = #tpu.pipeline_mode<synchronous>, transform_indices = @transform_5, window_bounds = array<i64: 1, 256>}, {pipeline_mode = #tpu.pipeline_mode<synchronous>, transform_indices = @transform_6, window_bounds = array<i64: 1, 256>}, {pipeline_mode = #tpu.pipeline_mode<synchronous>, transform_indices = @transform_7, window_bounds = array<i64: 1, 256>}, {pipeline_mode = #tpu.pipeline_mode<synchronous>, transform_indices = @transform_8, window_bounds = array<i64: 256, 128>}, {pipeline_mode = #tpu.pipeline_mode<synchronous>, transform_indices = @transform_9, window_bounds = array<i64: 1, 128>}, {pipeline_mode = #tpu.pipeline_mode<synchronous>, transform_indices = @transform_10, window_bounds = array<i64: 1, 128>}, {pipeline_mode = #tpu.pipeline_mode<synchronous>, transform_indices = @transform_11, window_bounds = array<i64: 1, 128>}, {transform_indices = @transform_12, window_bounds = array<i64: 1000, 128>}, {transform_indices = @transform_13, window_bounds = array<i64: 1000, 128>}, {pipeline_mode = #tpu.pipeline_mode<synchronous>, transform_indices = @transform_14, window_bounds = array<i64: 1, 128>}]} {
    %get3A = arith.constant 0 : index
    %get3A_0 = arith.constant 0 : index
    %get3A_1 = vector.load %arg1[%get3A, %get3A_0] : memref<1000x128xf32, #tpu.memory_space<vmem>>, vector<1000x128xf32>
    %get3A_2 = arith.constant 0 : index
    %get3A_3 = arith.constant 0 : index
    %get3A_4 = vector.load %arg2[%get3A_2, %get3A_3] : memref<1000x128xf32, #tpu.memory_space<vmem>>, vector<1000x128xf32>
    %add3A = arith.constant 1.000000e-16 : f32
    %add3A_5 = vector.broadcast %add3A : f32 to vector<1000x128xf32>
    %add3A_6 = arith.addf %get3A_4, %add3A_5 : vector<1000x128xf32>
    %div3A = arith.divf %get3A_1, %add3A_6 : vector<1000x128xf32>
    %get3A_7 = arith.constant 0 : index
    %get3A_8 = arith.constant 0 : index
    %get3A_9 = vector.load %arg3[%get3A_7, %get3A_8] : memref<1000x128xf32, #tpu.memory_space<vmem>>, vector<1000x128xf32>
    %add3A_10 = arith.addf %get3A_9, %div3A : vector<1000x128xf32>
    %get3A_11 = arith.constant 0 : index
    %get3A_12 = arith.constant 0 : index
    %get3A_13 = vector.load %arg5[%get3A_11, %get3A_12] : memref<128x256xf32, #tpu.memory_space<vmem>>, vector<128x256xf32>
    %dot_general3A = arith.constant dense<0.000000e+00> : vector<1000x256xf32>
    %dot_general3A_14 = tpu.matmul %add3A_10, %get3A_13, %dot_general3A {dimension_numbers = #tpu.dot_dimension_numbers<[1], [0], [0], [1], [0, 0, 1, 1], [], []>, transpose_lhs_hint = false} : vector<1000x128xf32>, vector<128x256xf32>, vector<1000x256xf32> -> vector<1000x256xf32>
    %get3A_15 = arith.constant 0 : index
    %get3A_16 = arith.constant 0 : index
    %get3A_17 = vector.load %arg6[%get3A_15, %get3A_16] : memref<1x256xf32, #tpu.memory_space<vmem>>, vector<1x256xf32>
    %add3A_18 = vector.broadcast %get3A_17 : vector<1x256xf32> to vector<1000x256xf32>
    %add3A_19 = arith.addf %dot_general3A_14, %add3A_18 : vector<1000x256xf32>
    %get3A_20 = arith.constant 0 : index
    %get3A_21 = arith.constant 0 : index
    %get3A_22 = vector.load %arg7[%get3A_20, %get3A_21] : memref<1x256xf32, #tpu.memory_space<vmem>>, vector<1x256xf32>
    %get3A_23 = arith.constant 0 : index
    %get3A_24 = arith.constant 0 : index
    %get3A_25 = vector.load %arg8[%get3A_23, %get3A_24] : memref<1x256xf32, #tpu.memory_space<vmem>>, vector<1x256xf32>
    %reduce_sum3A = arith.constant dense<0.000000e+00> : vector<1000xf32>
    %reduce_sum3A_26 = vector.multi_reduction <add>, %add3A_19, %reduce_sum3A [1] : vector<1000x256xf32> to vector<1000xf32>
    %broadcast_in_dim3A = vector.shape_cast %reduce_sum3A_26 : vector<1000xf32> to vector<1000x1xf32>
    %div3A_27 = arith.constant 2.560000e+02 : f32
    %div3A_28 = vector.broadcast %div3A_27 : f32 to vector<1000x1xf32>
    %div3A_29 = arith.divf %broadcast_in_dim3A, %div3A_28 : vector<1000x1xf32>
    %sub3A = vector.broadcast %div3A_29 : vector<1000x1xf32> to vector<1000x256xf32>
    %sub3A_30 = arith.subf %add3A_19, %sub3A : vector<1000x256xf32>
    %mul3A = arith.mulf %sub3A_30, %sub3A_30 : vector<1000x256xf32>
    %reduce_sum3A_31 = arith.constant dense<0.000000e+00> : vector<1000xf32>
    %reduce_sum3A_32 = vector.multi_reduction <add>, %mul3A, %reduce_sum3A_31 [1] : vector<1000x256xf32> to vector<1000xf32>
    %broadcast_in_dim3A_33 = vector.shape_cast %reduce_sum3A_32 : vector<1000xf32> to vector<1000x1xf32>
    %div3A_34 = arith.constant 2.560000e+02 : f32
    %div3A_35 = vector.broadcast %div3A_34 : f32 to vector<1000x1xf32>
    %div3A_36 = arith.divf %broadcast_in_dim3A_33, %div3A_35 : vector<1000x1xf32>
    %add3A_37 = arith.constant 9.99999974E-6 : f32
    %add3A_38 = vector.broadcast %add3A_37 : f32 to vector<1000x1xf32>
    %add3A_39 = arith.addf %div3A_36, %add3A_38 : vector<1000x1xf32>
    %rsqrt3A = math.rsqrt %add3A_39 : vector<1000x1xf32>
    %mul3A_40 = vector.broadcast %rsqrt3A : vector<1000x1xf32> to vector<1000x256xf32>
    %mul3A_41 = arith.mulf %sub3A_30, %mul3A_40 : vector<1000x256xf32>
    %mul3A_42 = vector.broadcast %get3A_22 : vector<1x256xf32> to vector<1000x256xf32>
    %mul3A_43 = arith.mulf %mul3A_41, %mul3A_42 : vector<1000x256xf32>
    %add3A_44 = vector.broadcast %get3A_25 : vector<1x256xf32> to vector<1000x256xf32>
    %add3A_45 = arith.addf %mul3A_43, %add3A_44 : vector<1000x256xf32>
    %max3A = arith.constant 0.000000e+00 : f32
    %max3A_46 = vector.broadcast %max3A : f32 to vector<1000x256xf32>
    %max3A_47 = arith.maximumf %add3A_45, %max3A_46 : vector<1000x256xf32>
    %get3A_48 = arith.constant 0 : index
    %get3A_49 = arith.constant 0 : index
    %get3A_50 = vector.load %arg9[%get3A_48, %get3A_49] : memref<256x128xf32, #tpu.memory_space<vmem>>, vector<256x128xf32>
    %dot_general3A_51 = arith.constant dense<0.000000e+00> : vector<1000x128xf32>
    %dot_general3A_52 = tpu.matmul %max3A_47, %get3A_50, %dot_general3A_51 {dimension_numbers = #tpu.dot_dimension_numbers<[1], [0], [0], [1], [0, 0, 1, 1], [], []>, transpose_lhs_hint = false} : vector<1000x256xf32>, vector<256x128xf32>, vector<1000x128xf32> -> vector<1000x128xf32>
    %get3A_53 = arith.constant 0 : index
    %get3A_54 = arith.constant 0 : index
    %get3A_55 = vector.load %arg10[%get3A_53, %get3A_54] : memref<1x128xf32, #tpu.memory_space<vmem>>, vector<1x128xf32>
    %add3A_56 = vector.broadcast %get3A_55 : vector<1x128xf32> to vector<1000x128xf32>
    %add3A_57 = arith.addf %dot_general3A_52, %add3A_56 : vector<1000x128xf32>
    %swap3A = arith.constant 0 : index
    %swap3A_58 = arith.constant 0 : index
    %swap3A_59 = vector.load %arg13[%swap3A, %swap3A_58] : memref<1000x128xf32, #tpu.memory_space<vmem>>, vector<1000x128xf32>
    tpu.vector_store %arg13[%swap3A, %swap3A_58], %add3A_57 {strides = array<i32>} : memref<1000x128xf32, #tpu.memory_space<vmem>>, vector<1000x128xf32>,
    %get3A_60 = arith.constant 0 : index
    %get3A_61 = arith.constant 0 : index
    %get3A_62 = vector.load %arg11[%get3A_60, %get3A_61] : memref<1x128xf32, #tpu.memory_space<vmem>>, vector<1x128xf32>
    %get3A_63 = arith.constant 0 : index
    %get3A_64 = arith.constant 0 : index
    %get3A_65 = vector.load %arg12[%get3A_63, %get3A_64] : memref<1x128xf32, #tpu.memory_space<vmem>>, vector<1x128xf32>
    %reduce_sum3A_66 = arith.constant dense<0.000000e+00> : vector<1000xf32>
    %reduce_sum3A_67 = vector.multi_reduction <add>, %add3A_57, %reduce_sum3A_66 [1] : vector<1000x128xf32> to vector<1000xf32>
    %broadcast_in_dim3A_68 = vector.shape_cast %reduce_sum3A_67 : vector<1000xf32> to vector<1000x1xf32>
    %div3A_69 = arith.constant 1.280000e+02 : f32
    %div3A_70 = vector.broadcast %div3A_69 : f32 to vector<1000x1xf32>
    %div3A_71 = arith.divf %broadcast_in_dim3A_68, %div3A_70 : vector<1000x1xf32>
    %sub3A_72 = vector.broadcast %div3A_71 : vector<1000x1xf32> to vector<1000x128xf32>
    %sub3A_73 = arith.subf %add3A_57, %sub3A_72 : vector<1000x128xf32>
    %mul3A_74 = arith.mulf %sub3A_73, %sub3A_73 : vector<1000x128xf32>
    %reduce_sum3A_75 = arith.constant dense<0.000000e+00> : vector<1000xf32>
    %reduce_sum3A_76 = vector.multi_reduction <add>, %mul3A_74, %reduce_sum3A_75 [1] : vector<1000x128xf32> to vector<1000xf32>
    %broadcast_in_dim3A_77 = vector.shape_cast %reduce_sum3A_76 : vector<1000xf32> to vector<1000x1xf32>
    %div3A_78 = arith.constant 1.280000e+02 : f32
    %div3A_79 = vector.broadcast %div3A_78 : f32 to vector<1000x1xf32>
    %div3A_80 = arith.divf %broadcast_in_dim3A_77, %div3A_79 : vector<1000x1xf32>
    %add3A_81 = arith.constant 9.99999974E-6 : f32
    %add3A_82 = vector.broadcast %add3A_81 : f32 to vector<1000x1xf32>
    %add3A_83 = arith.addf %div3A_80, %add3A_82 : vector<1000x1xf32>
    %rsqrt3A_84 = math.rsqrt %add3A_83 : vector<1000x1xf32>
    %mul3A_85 = vector.broadcast %rsqrt3A_84 : vector<1000x1xf32> to vector<1000x128xf32>
    %mul3A_86 = arith.mulf %sub3A_73, %mul3A_85 : vector<1000x128xf32>
    %mul3A_87 = vector.broadcast %get3A_62 : vector<1x128xf32> to vector<1000x128xf32>
    %mul3A_88 = arith.mulf %mul3A_86, %mul3A_87 : vector<1000x128xf32>
    %add3A_89 = vector.broadcast %get3A_65 : vector<1x128xf32> to vector<1000x128xf32>
    %add3A_90 = arith.addf %mul3A_88, %add3A_89 : vector<1000x128xf32>
    %max3A_91 = arith.constant 0.000000e+00 : f32
    %max3A_92 = vector.broadcast %max3A_91 : f32 to vector<1000x128xf32>
    %max3A_93 = arith.maximumf %add3A_90, %max3A_92 : vector<1000x128xf32>
    %swap3A_94 = arith.constant 0 : index
    %swap3A_95 = arith.constant 0 : index
    %swap3A_96 = vector.load %arg14[%swap3A_94, %swap3A_95] : memref<1000x128xf32, #tpu.memory_space<vmem>>, vector<1000x128xf32>
    tpu.vector_store %arg14[%swap3A_94, %swap3A_95], %max3A_93 {strides = array<i32>} : memref<1000x128xf32, #tpu.memory_space<vmem>>, vector<1000x128xf32>,
    %reduce_max3A = arith.constant dense<0xFF800000> : vector<128xf32>
    %reduce_max3A_97 = vector.multi_reduction <maximumf>, %max3A_93, %reduce_max3A [0] : vector<1000x128xf32> to vector<128xf32>
    %broadcast_in_dim3A_98 = vector.shape_cast %reduce_max3A_97 : vector<128xf32> to vector<1x128xf32>
    %eq3A = arith.constant 0 : i32
    %eq3A_99 = arith.cmpi eq, %arg0, %eq3A : i32
    %convert_element_type3A = arith.extui %eq3A_99 : i1 to i32
    %cond3A = arith.constant 0 : i32
    %cond3A_100 = arith.cmpi ne, %convert_element_type3A, %cond3A : i32
    scf.if %cond3A_100 {
      %swap3A_105 = arith.constant 0 : index
      %swap3A_106 = arith.constant 0 : index
      %swap3A_107 = vector.load %arg15[%swap3A_105, %swap3A_106] : memref<1x128xf32, #tpu.memory_space<vmem>>, vector<1x128xf32>
      tpu.vector_store %arg15[%swap3A_105, %swap3A_106], %broadcast_in_dim3A_98 {strides = array<i32>} : memref<1x128xf32, #tpu.memory_space<vmem>>, vector<1x128xf32>,
    } else {
    }
    %gt3A = arith.constant 0 : i32
    %gt3A_101 = arith.cmpi sgt, %arg0, %gt3A : i32
    %convert_element_type3A_102 = arith.extui %gt3A_101 : i1 to i32
    %cond3A_103 = arith.constant 0 : i32
    %cond3A_104 = arith.cmpi ne, %convert_element_type3A_102, %cond3A_103 : i32
    scf.if %cond3A_104 {
      %get3A_105 = arith.constant 0 : index
      %get3A_106 = arith.constant 0 : index
      %get3A_107 = vector.load %arg15[%get3A_105, %get3A_106] : memref<1x128xf32, #tpu.memory_space<vmem>>, vector<1x128xf32>
      %max3A_108 = arith.maximumf %get3A_107, %broadcast_in_dim3A_98 : vector<1x128xf32>
      %swap3A_109 = arith.constant 0 : index
      %swap3A_110 = arith.constant 0 : index
      %swap3A_111 = vector.load %arg15[%swap3A_109, %swap3A_110] : memref<1x128xf32, #tpu.memory_space<vmem>>, vector<1x128xf32>
      tpu.vector_store %arg15[%swap3A_109, %swap3A_110], %max3A_108 {strides = array<i32>} : memref<1x128xf32, #tpu.memory_space<vmem>>, vector<1x128xf32>,
    } else {
    }
    return
  }
  func.func @transform_0(%arg0: i32) -> (i32, i32) {
    %c0_i32 = arith.constant 0 : i32
    %c0_i32_0 = arith.constant 0 : i32
    return %arg0, %c0_i32 : i32, i32
  }
  func.func @transform_1(%arg0: i32) -> (i32, i32) {
    %c0_i32 = arith.constant 0 : i32
    %c0_i32_0 = arith.constant 0 : i32
    return %arg0, %c0_i32 : i32, i32
  }
  func.func @transform_2(%arg0: i32) -> (i32, i32) {
    %c0_i32 = arith.constant 0 : i32
    %c0_i32_0 = arith.constant 0 : i32
    return %arg0, %c0_i32 : i32, i32
  }
  func.func @transform_3(%arg0: i32) -> (i32, i32) {
    %c0_i32 = arith.constant 0 : i32
    %c0_i32_0 = arith.constant 0 : i32
    return %arg0, %c0_i32 : i32, i32
  }
  func.func @transform_4(%arg0: i32) -> (i32, i32) {
    %c0_i32 = arith.constant 0 : i32
    %c0_i32_0 = arith.constant 0 : i32
    %c0_i32_1 = arith.constant 0 : i32
    return %c0_i32, %c0_i32_0 : i32, i32
  }
  func.func @transform_5(%arg0: i32) -> (i32, i32) {
    %c0_i32 = arith.constant 0 : i32
    %c0_i32_0 = arith.constant 0 : i32
    %c0_i32_1 = arith.constant 0 : i32
    return %c0_i32, %c0_i32_0 : i32, i32
  }
  func.func @transform_6(%arg0: i32) -> (i32, i32) {
    %c0_i32 = arith.constant 0 : i32
    %c0_i32_0 = arith.constant 0 : i32
    %c0_i32_1 = arith.constant 0 : i32
    return %c0_i32, %c0_i32_0 : i32, i32
  }
  func.func @transform_7(%arg0: i32) -> (i32, i32) {
    %c0_i32 = arith.constant 0 : i32
    %c0_i32_0 = arith.constant 0 : i32
    %c0_i32_1 = arith.constant 0 : i32
    return %c0_i32, %c0_i32_0 : i32, i32
  }
  func.func @transform_8(%arg0: i32) -> (i32, i32) {
    %c0_i32 = arith.constant 0 : i32
    %c0_i32_0 = arith.constant 0 : i32
    %c0_i32_1 = arith.constant 0 : i32
    return %c0_i32, %c0_i32_0 : i32, i32
  }
  func.func @transform_9(%arg0: i32) -> (i32, i32) {
    %c0_i32 = arith.constant 0 : i32
    %c0_i32_0 = arith.constant 0 : i32
    %c0_i32_1 = arith.constant 0 : i32
    return %c0_i32, %c0_i32_0 : i32, i32
  }
  func.func @transform_10(%arg0: i32) -> (i32, i32) {
    %c0_i32 = arith.constant 0 : i32
    %c0_i32_0 = arith.constant 0 : i32
    %c0_i32_1 = arith.constant 0 : i32
    return %c0_i32, %c0_i32_0 : i32, i32
  }
  func.func @transform_11(%arg0: i32) -> (i32, i32) {
    %c0_i32 = arith.constant 0 : i32
    %c0_i32_0 = arith.constant 0 : i32
    %c0_i32_1 = arith.constant 0 : i32
    return %c0_i32, %c0_i32_0 : i32, i32
  }
  func.func @transform_12(%arg0: i32) -> (i32, i32) {
    %c0_i32 = arith.constant 0 : i32
    %c0_i32_0 = arith.constant 0 : i32
    return %arg0, %c0_i32 : i32, i32
  }
  func.func @transform_13(%arg0: i32) -> (i32, i32) {
    %c0_i32 = arith.constant 0 : i32
    %c0_i32_0 = arith.constant 0 : i32
    return %arg0, %c0_i32 : i32, i32
  }
  func.func @transform_14(%arg0: i32) -> (i32, i32) {
    %c0_i32 = arith.constant 0 : i32
    %c0_i32_0 = arith.constant 0 : i32
    %c0_i32_1 = arith.constant 0 : i32
    return %c0_i32, %c0_i32_0 : i32, i32
  }
}

module attributes {stable_mosaic.version = 14 : i64} {
  func.func @_mlp_body(%arg0: i32, %arg1: memref<1000x128xf32, #tpu.memory_space<vmem>>, %arg2: memref<1000x128xf32, #tpu.memory_space<vmem>>, %arg3: memref<1000x128xf32, #tpu.memory_space<vmem>>, %arg4: memref<1000x128xf32, #tpu.memory_space<vmem>>, %arg5: memref<128x256xf32, #tpu.memory_space<vmem>>, %arg6: memref<1x256xf32, #tpu.memory_space<vmem>>, %arg7: memref<1x256xf32, #tpu.memory_space<vmem>>, %arg8: memref<1x256xf32, #tpu.memory_space<vmem>>, %arg9: memref<256x128xf32, #tpu.memory_space<vmem>>, %arg10: memref<1x128xf32, #tpu.memory_space<vmem>>, %arg11: memref<1x128xf32, #tpu.memory_space<vmem>>, %arg12: memref<1x128xf32, #tpu.memory_space<vmem>>, %arg13: memref<1000x128xf32, #tpu.memory_space<vmem>>, %arg14: memref<1000x128xf32, #tpu.memory_space<vmem>>, %arg15: memref<1x128xf32, #tpu.memory_space<vmem>>) attributes {dimension_semantics = [#tpu.dimension_semantics<arbitrary>], iteration_bounds = array<i64: 10>, scalar_prefetch = 0 : i64, scratch_operands = 0 : i64, tpu.core_type = #tpu.core_type<tc>, window_params = [{transform_indices = @transform_0, window_bounds = array<i64: 1000, 128>}, {transform_indices = @transform_1, window_bounds = array<i64: 1000, 128>}, {transform_indices = @transform_2, window_bounds = array<i64: 1000, 128>}, {transform_indices = @transform_3, window_bounds = array<i64: 1000, 128>}, {pipeline_mode = #tpu.pipeline_mode<synchronous>, transform_indices = @transform_4, window_bounds = array<i64: 128, 256>}, {pipeline_mode = #tpu.pipeline_mode<synchronous>, transform_indices = @transform_5, window_bounds = array<i64: 1, 256>}, {pipeline_mode = #tpu.pipeline_mode<synchronous>, transform_indices = @transform_6, window_bounds = array<i64: 1, 256>}, {pipeline_mode = #tpu.pipeline_mode<synchronous>, transform_indices = @transform_7, window_bounds = array<i64: 1, 256>}, {pipeline_mode = #tpu.pipeline_mode<synchronous>, transform_indices = @transform_8, window_bounds = array<i64: 256, 128>}, {pipeline_mode = #tpu.pipeline_mode<synchronous>, transform_indices = @transform_9, window_bounds = array<i64: 1, 128>}, {pipeline_mode = #tpu.pipeline_mode<synchronous>, transform_indices = @transform_10, window_bounds = array<i64: 1, 128>}, {pipeline_mode = #tpu.pipeline_mode<synchronous>, transform_indices = @transform_11, window_bounds = array<i64: 1, 128>}, {transform_indices = @transform_12, window_bounds = array<i64: 1000, 128>}, {transform_indices = @transform_13, window_bounds = array<i64: 1000, 128>}, {pipeline_mode = #tpu.pipeline_mode<synchronous>, transform_indices = @transform_14, window_bounds = array<i64: 1, 128>}]} {
    %get3A = arith.constant 0 : index
    %get3A_0 = arith.constant 0 : index
    %get3A_1 = vector.load %arg1[%get3A, %get3A_0] : memref<1000x128xf32, #tpu.memory_space<vmem>>, vector<1000x128xf32>
    %get3A_2 = arith.constant 0 : index
    %get3A_3 = arith.constant 0 : index
    %get3A_4 = vector.load %arg2[%get3A_2, %get3A_3] : memref<1000x128xf32, #tpu.memory_space<vmem>>, vector<1000x128xf32>
    %add3A = arith.constant 1.000000e-16 : f32
    %add3A_5 = vector.broadcast %add3A : f32 to vector<1000x128xf32>
    %add3A_6 = arith.addf %get3A_4, %add3A_5 : vector<1000x128xf32>
    %div3A = arith.divf %get3A_1, %add3A_6 : vector<1000x128xf32>
    %get3A_7 = arith.constant 0 : index
    %get3A_8 = arith.constant 0 : index
    %get3A_9 = vector.load %arg3[%get3A_7, %get3A_8] : memref<1000x128xf32, #tpu.memory_space<vmem>>, vector<1000x128xf32>
    %add3A_10 = arith.addf %get3A_9, %div3A : vector<1000x128xf32>
    %get3A_11 = arith.constant 0 : index
    %get3A_12 = arith.constant 0 : index
    %get3A_13 = vector.load %arg5[%get3A_11, %get3A_12] : memref<128x256xf32, #tpu.memory_space<vmem>>, vector<128x256xf32>
    %dot_general3A = arith.constant dense<0.000000e+00> : vector<1000x256xf32>
    %dot_general3A_14 = tpu.matmul %add3A_10, %get3A_13, %dot_general3A {dimension_numbers = #tpu.dot_dimension_numbers<[1], [0], [0], [1], [0, 0, 1, 1], [], []>, transpose_lhs_hint = false} : vector<1000x128xf32>, vector<128x256xf32>, vector<1000x256xf32> -> vector<1000x256xf32>
    %get3A_15 = arith.constant 0 : index
    %get3A_16 = arith.constant 0 : index
    %get3A_17 = vector.load %arg6[%get3A_15, %get3A_16] : memref<1x256xf32, #tpu.memory_space<vmem>>, vector<1x256xf32>
    %add3A_18 = vector.broadcast %get3A_17 : vector<1x256xf32> to vector<1000x256xf32>
    %add3A_19 = arith.addf %dot_general3A_14, %add3A_18 : vector<1000x256xf32>
    %get3A_20 = arith.constant 0 : index
    %get3A_21 = arith.constant 0 : index
    %get3A_22 = vector.load %arg7[%get3A_20, %get3A_21] : memref<1x256xf32, #tpu.memory_space<vmem>>, vector<1x256xf32>
    %get3A_23 = arith.constant 0 : index
    %get3A_24 = arith.constant 0 : index
    %get3A_25 = vector.load %arg8[%get3A_23, %get3A_24] : memref<1x256xf32, #tpu.memory_space<vmem>>, vector<1x256xf32>
    %reduce_sum3A = arith.constant dense<0.000000e+00> : vector<1000xf32>
    %reduce_sum3A_26 = vector.multi_reduction <add>, %add3A_19, %reduce_sum3A [1] : vector<1000x256xf32> to vector<1000xf32>
    %broadcast_in_dim3A = vector.shape_cast %reduce_sum3A_26 : vector<1000xf32> to vector<1000x1xf32>
    %div3A_27 = arith.constant 2.560000e+02 : f32
    %div3A_28 = vector.broadcast %div3A_27 : f32 to vector<1000x1xf32>
    %div3A_29 = arith.divf %broadcast_in_dim3A, %div3A_28 : vector<1000x1xf32>
    %sub3A = vector.broadcast %div3A_29 : vector<1000x1xf32> to vector<1000x256xf32>
    %sub3A_30 = arith.subf %add3A_19, %sub3A : vector<1000x256xf32>
    %mul3A = arith.mulf %sub3A_30, %sub3A_30 : vector<1000x256xf32>
    %reduce_sum3A_31 = arith.constant dense<0.000000e+00> : vector<1000xf32>
    %reduce_sum3A_32 = vector.multi_reduction <add>, %mul3A, %reduce_sum3A_31 [1] : vector<1000x256xf32> to vector<1000xf32>
    %broadcast_in_dim3A_33 = vector.shape_cast %reduce_sum3A_32 : vector<1000xf32> to vector<1000x1xf32>
    %div3A_34 = arith.constant 2.560000e+02 : f32
    %div3A_35 = vector.broadcast %div3A_34 : f32 to vector<1000x1xf32>
    %div3A_36 = arith.divf %broadcast_in_dim3A_33, %div3A_35 : vector<1000x1xf32>
    %add3A_37 = arith.constant 9.99999974E-6 : f32
    %add3A_38 = vector.broadcast %add3A_37 : f32 to vector<1000x1xf32>
    %add3A_39 = arith.addf %div3A_36, %add3A_38 : vector<1000x1xf32>
    %rsqrt3A = math.rsqrt %add3A_39 : vector<1000x1xf32>
    %mul3A_40 = vector.broadcast %rsqrt3A : vector<1000x1xf32> to vector<1000x256xf32>
    %mul3A_41 = arith.mulf %sub3A_30, %mul3A_40 : vector<1000x256xf32>
    %mul3A_42 = vector.broadcast %get3A_22 : vector<1x256xf32> to vector<1000x256xf32>
    %mul3A_43 = arith.mulf %mul3A_41, %mul3A_42 : vector<1000x256xf32>
    %add3A_44 = vector.broadcast %get3A_25 : vector<1x256xf32> to vector<1000x256xf32>
    %add3A_45 = arith.addf %mul3A_43, %add3A_44 : vector<1000x256xf32>
    %max3A = arith.constant 0.000000e+00 : f32
    %max3A_46 = vector.broadcast %max3A : f32 to vector<1000x256xf32>
    %max3A_47 = arith.maximumf %add3A_45, %max3A_46 : vector<1000x256xf32>
    %get3A_48 = arith.constant 0 : index
    %get3A_49 = arith.constant 0 : index
    %get3A_50 = vector.load %arg9[%get3A_48, %get3A_49] : memref<256x128xf32, #tpu.memory_space<vmem>>, vector<256x128xf32>
    %dot_general3A_51 = arith.constant dense<0.000000e+00> : vector<1000x128xf32>
    %dot_general3A_52 = tpu.matmul %max3A_47, %get3A_50, %dot_general3A_51 {dimension_numbers = #tpu.dot_dimension_numbers<[1], [0], [0], [1], [0, 0, 1, 1], [], []>, transpose_lhs_hint = false} : vector<1000x256xf32>, vector<256x128xf32>, vector<1000x128xf32> -> vector<1000x128xf32>
    %get3A_53 = arith.constant 0 : index
    %get3A_54 = arith.constant 0 : index
    %get3A_55 = vector.load %arg10[%get3A_53, %get3A_54] : memref<1x128xf32, #tpu.memory_space<vmem>>, vector<1x128xf32>
    %add3A_56 = vector.broadcast %get3A_55 : vector<1x128xf32> to vector<1000x128xf32>
    %add3A_57 = arith.addf %dot_general3A_52, %add3A_56 : vector<1000x128xf32>
    %get3A_58 = arith.constant 0 : index
    %get3A_59 = arith.constant 0 : index
    %get3A_60 = vector.load %arg4[%get3A_58, %get3A_59] : memref<1000x128xf32, #tpu.memory_space<vmem>>, vector<1000x128xf32>
    %add3A_61 = arith.addf %add3A_57, %get3A_60 : vector<1000x128xf32>
    %swap3A = arith.constant 0 : index
    %swap3A_62 = arith.constant 0 : index
    %swap3A_63 = vector.load %arg13[%swap3A, %swap3A_62] : memref<1000x128xf32, #tpu.memory_space<vmem>>, vector<1000x128xf32>
    tpu.vector_store %arg13[%swap3A, %swap3A_62], %add3A_61 {strides = array<i32>} : memref<1000x128xf32, #tpu.memory_space<vmem>>, vector<1000x128xf32>,
    %get3A_64 = arith.constant 0 : index
    %get3A_65 = arith.constant 0 : index
    %get3A_66 = vector.load %arg11[%get3A_64, %get3A_65] : memref<1x128xf32, #tpu.memory_space<vmem>>, vector<1x128xf32>
    %get3A_67 = arith.constant 0 : index
    %get3A_68 = arith.constant 0 : index
    %get3A_69 = vector.load %arg12[%get3A_67, %get3A_68] : memref<1x128xf32, #tpu.memory_space<vmem>>, vector<1x128xf32>
    %reduce_sum3A_70 = arith.constant dense<0.000000e+00> : vector<1000xf32>
    %reduce_sum3A_71 = vector.multi_reduction <add>, %add3A_61, %reduce_sum3A_70 [1] : vector<1000x128xf32> to vector<1000xf32>
    %broadcast_in_dim3A_72 = vector.shape_cast %reduce_sum3A_71 : vector<1000xf32> to vector<1000x1xf32>
    %div3A_73 = arith.constant 1.280000e+02 : f32
    %div3A_74 = vector.broadcast %div3A_73 : f32 to vector<1000x1xf32>
    %div3A_75 = arith.divf %broadcast_in_dim3A_72, %div3A_74 : vector<1000x1xf32>
    %sub3A_76 = vector.broadcast %div3A_75 : vector<1000x1xf32> to vector<1000x128xf32>
    %sub3A_77 = arith.subf %add3A_61, %sub3A_76 : vector<1000x128xf32>
    %mul3A_78 = arith.mulf %sub3A_77, %sub3A_77 : vector<1000x128xf32>
    %reduce_sum3A_79 = arith.constant dense<0.000000e+00> : vector<1000xf32>
    %reduce_sum3A_80 = vector.multi_reduction <add>, %mul3A_78, %reduce_sum3A_79 [1] : vector<1000x128xf32> to vector<1000xf32>
    %broadcast_in_dim3A_81 = vector.shape_cast %reduce_sum3A_80 : vector<1000xf32> to vector<1000x1xf32>
    %div3A_82 = arith.constant 1.280000e+02 : f32
    %div3A_83 = vector.broadcast %div3A_82 : f32 to vector<1000x1xf32>
    %div3A_84 = arith.divf %broadcast_in_dim3A_81, %div3A_83 : vector<1000x1xf32>
    %add3A_85 = arith.constant 9.99999974E-6 : f32
    %add3A_86 = vector.broadcast %add3A_85 : f32 to vector<1000x1xf32>
    %add3A_87 = arith.addf %div3A_84, %add3A_86 : vector<1000x1xf32>
    %rsqrt3A_88 = math.rsqrt %add3A_87 : vector<1000x1xf32>
    %mul3A_89 = vector.broadcast %rsqrt3A_88 : vector<1000x1xf32> to vector<1000x128xf32>
    %mul3A_90 = arith.mulf %sub3A_77, %mul3A_89 : vector<1000x128xf32>
    %mul3A_91 = vector.broadcast %get3A_66 : vector<1x128xf32> to vector<1000x128xf32>
    %mul3A_92 = arith.mulf %mul3A_90, %mul3A_91 : vector<1000x128xf32>
    %add3A_93 = vector.broadcast %get3A_69 : vector<1x128xf32> to vector<1000x128xf32>
    %add3A_94 = arith.addf %mul3A_92, %add3A_93 : vector<1000x128xf32>
    %max3A_95 = arith.constant 0.000000e+00 : f32
    %max3A_96 = vector.broadcast %max3A_95 : f32 to vector<1000x128xf32>
    %max3A_97 = arith.maximumf %add3A_94, %max3A_96 : vector<1000x128xf32>
    %swap3A_98 = arith.constant 0 : index
    %swap3A_99 = arith.constant 0 : index
    %swap3A_100 = vector.load %arg14[%swap3A_98, %swap3A_99] : memref<1000x128xf32, #tpu.memory_space<vmem>>, vector<1000x128xf32>
    tpu.vector_store %arg14[%swap3A_98, %swap3A_99], %max3A_97 {strides = array<i32>} : memref<1000x128xf32, #tpu.memory_space<vmem>>, vector<1000x128xf32>,
    %reduce_max3A = arith.constant dense<0xFF800000> : vector<128xf32>
    %reduce_max3A_101 = vector.multi_reduction <maximumf>, %max3A_97, %reduce_max3A [0] : vector<1000x128xf32> to vector<128xf32>
    %broadcast_in_dim3A_102 = vector.shape_cast %reduce_max3A_101 : vector<128xf32> to vector<1x128xf32>
    %eq3A = arith.constant 0 : i32
    %eq3A_103 = arith.cmpi eq, %arg0, %eq3A : i32
    %convert_element_type3A = arith.extui %eq3A_103 : i1 to i32
    %cond3A = arith.constant 0 : i32
    %cond3A_104 = arith.cmpi ne, %convert_element_type3A, %cond3A : i32
    scf.if %cond3A_104 {
      %swap3A_109 = arith.constant 0 : index
      %swap3A_110 = arith.constant 0 : index
      %swap3A_111 = vector.load %arg15[%swap3A_109, %swap3A_110] : memref<1x128xf32, #tpu.memory_space<vmem>>, vector<1x128xf32>
      tpu.vector_store %arg15[%swap3A_109, %swap3A_110], %broadcast_in_dim3A_102 {strides = array<i32>} : memref<1x128xf32, #tpu.memory_space<vmem>>, vector<1x128xf32>,
    } else {
    }
    %gt3A = arith.constant 0 : i32
    %gt3A_105 = arith.cmpi sgt, %arg0, %gt3A : i32
    %convert_element_type3A_106 = arith.extui %gt3A_105 : i1 to i32
    %cond3A_107 = arith.constant 0 : i32
    %cond3A_108 = arith.cmpi ne, %convert_element_type3A_106, %cond3A_107 : i32
    scf.if %cond3A_108 {
      %get3A_109 = arith.constant 0 : index
      %get3A_110 = arith.constant 0 : index
      %get3A_111 = vector.load %arg15[%get3A_109, %get3A_110] : memref<1x128xf32, #tpu.memory_space<vmem>>, vector<1x128xf32>
      %max3A_112 = arith.maximumf %get3A_111, %broadcast_in_dim3A_102 : vector<1x128xf32>
      %swap3A_113 = arith.constant 0 : index
      %swap3A_114 = arith.constant 0 : index
      %swap3A_115 = vector.load %arg15[%swap3A_113, %swap3A_114] : memref<1x128xf32, #tpu.memory_space<vmem>>, vector<1x128xf32>
      tpu.vector_store %arg15[%swap3A_113, %swap3A_114], %max3A_112 {strides = array<i32>} : memref<1x128xf32, #tpu.memory_space<vmem>>, vector<1x128xf32>,
    } else {
    }
    return
  }
  func.func @transform_0(%arg0: i32) -> (i32, i32) {
    %c0_i32 = arith.constant 0 : i32
    %c0_i32_0 = arith.constant 0 : i32
    return %arg0, %c0_i32 : i32, i32
  }
  func.func @transform_1(%arg0: i32) -> (i32, i32) {
    %c0_i32 = arith.constant 0 : i32
    %c0_i32_0 = arith.constant 0 : i32
    return %arg0, %c0_i32 : i32, i32
  }
  func.func @transform_2(%arg0: i32) -> (i32, i32) {
    %c0_i32 = arith.constant 0 : i32
    %c0_i32_0 = arith.constant 0 : i32
    return %arg0, %c0_i32 : i32, i32
  }
  func.func @transform_3(%arg0: i32) -> (i32, i32) {
    %c0_i32 = arith.constant 0 : i32
    %c0_i32_0 = arith.constant 0 : i32
    return %arg0, %c0_i32 : i32, i32
  }
  func.func @transform_4(%arg0: i32) -> (i32, i32) {
    %c0_i32 = arith.constant 0 : i32
    %c0_i32_0 = arith.constant 0 : i32
    %c0_i32_1 = arith.constant 0 : i32
    return %c0_i32, %c0_i32_0 : i32, i32
  }
  func.func @transform_5(%arg0: i32) -> (i32, i32) {
    %c0_i32 = arith.constant 0 : i32
    %c0_i32_0 = arith.constant 0 : i32
    %c0_i32_1 = arith.constant 0 : i32
    return %c0_i32, %c0_i32_0 : i32, i32
  }
  func.func @transform_6(%arg0: i32) -> (i32, i32) {
    %c0_i32 = arith.constant 0 : i32
    %c0_i32_0 = arith.constant 0 : i32
    %c0_i32_1 = arith.constant 0 : i32
    return %c0_i32, %c0_i32_0 : i32, i32
  }
  func.func @transform_7(%arg0: i32) -> (i32, i32) {
    %c0_i32 = arith.constant 0 : i32
    %c0_i32_0 = arith.constant 0 : i32
    %c0_i32_1 = arith.constant 0 : i32
    return %c0_i32, %c0_i32_0 : i32, i32
  }
  func.func @transform_8(%arg0: i32) -> (i32, i32) {
    %c0_i32 = arith.constant 0 : i32
    %c0_i32_0 = arith.constant 0 : i32
    %c0_i32_1 = arith.constant 0 : i32
    return %c0_i32, %c0_i32_0 : i32, i32
  }
  func.func @transform_9(%arg0: i32) -> (i32, i32) {
    %c0_i32 = arith.constant 0 : i32
    %c0_i32_0 = arith.constant 0 : i32
    %c0_i32_1 = arith.constant 0 : i32
    return %c0_i32, %c0_i32_0 : i32, i32
  }
  func.func @transform_10(%arg0: i32) -> (i32, i32) {
    %c0_i32 = arith.constant 0 : i32
    %c0_i32_0 = arith.constant 0 : i32
    %c0_i32_1 = arith.constant 0 : i32
    return %c0_i32, %c0_i32_0 : i32, i32
  }
  func.func @transform_11(%arg0: i32) -> (i32, i32) {
    %c0_i32 = arith.constant 0 : i32
    %c0_i32_0 = arith.constant 0 : i32
    %c0_i32_1 = arith.constant 0 : i32
    return %c0_i32, %c0_i32_0 : i32, i32
  }
  func.func @transform_12(%arg0: i32) -> (i32, i32) {
    %c0_i32 = arith.constant 0 : i32
    %c0_i32_0 = arith.constant 0 : i32
    return %arg0, %c0_i32 : i32, i32
  }
  func.func @transform_13(%arg0: i32) -> (i32, i32) {
    %c0_i32 = arith.constant 0 : i32
    %c0_i32_0 = arith.constant 0 : i32
    return %arg0, %c0_i32 : i32, i32
  }
  func.func @transform_14(%arg0: i32) -> (i32, i32) {
    %c0_i32 = arith.constant 0 : i32
    %c0_i32_0 = arith.constant 0 : i32
    %c0_i32_1 = arith.constant 0 : i32
    return %c0_i32, %c0_i32_0 : i32, i32
  }
}

module attributes {stable_mosaic.version = 14 : i64} {
  func.func @_mlp_body(%arg0: i32, %arg1: memref<1000x128xf32, #tpu.memory_space<vmem>>, %arg2: memref<1000x128xf32, #tpu.memory_space<vmem>>, %arg3: memref<1000x128xf32, #tpu.memory_space<vmem>>, %arg4: memref<1000x128xf32, #tpu.memory_space<vmem>>, %arg5: memref<128x256xf32, #tpu.memory_space<vmem>>, %arg6: memref<1x256xf32, #tpu.memory_space<vmem>>, %arg7: memref<1x256xf32, #tpu.memory_space<vmem>>, %arg8: memref<1x256xf32, #tpu.memory_space<vmem>>, %arg9: memref<256x128xf32, #tpu.memory_space<vmem>>, %arg10: memref<1x128xf32, #tpu.memory_space<vmem>>, %arg11: memref<1x128xf32, #tpu.memory_space<vmem>>, %arg12: memref<1x128xf32, #tpu.memory_space<vmem>>, %arg13: memref<1000x128xf32, #tpu.memory_space<vmem>>, %arg14: memref<1000x128xf32, #tpu.memory_space<vmem>>, %arg15: memref<1x128xf32, #tpu.memory_space<vmem>>) attributes {dimension_semantics = [#tpu.dimension_semantics<arbitrary>], iteration_bounds = array<i64: 10>, scalar_prefetch = 0 : i64, scratch_operands = 0 : i64, tpu.core_type = #tpu.core_type<tc>, window_params = [{transform_indices = @transform_0, window_bounds = array<i64: 1000, 128>}, {transform_indices = @transform_1, window_bounds = array<i64: 1000, 128>}, {transform_indices = @transform_2, window_bounds = array<i64: 1000, 128>}, {transform_indices = @transform_3, window_bounds = array<i64: 1000, 128>}, {pipeline_mode = #tpu.pipeline_mode<synchronous>, transform_indices = @transform_4, window_bounds = array<i64: 128, 256>}, {pipeline_mode = #tpu.pipeline_mode<synchronous>, transform_indices = @transform_5, window_bounds = array<i64: 1, 256>}, {pipeline_mode = #tpu.pipeline_mode<synchronous>, transform_indices = @transform_6, window_bounds = array<i64: 1, 256>}, {pipeline_mode = #tpu.pipeline_mode<synchronous>, transform_indices = @transform_7, window_bounds = array<i64: 1, 256>}, {pipeline_mode = #tpu.pipeline_mode<synchronous>, transform_indices = @transform_8, window_bounds = array<i64: 256, 128>}, {pipeline_mode = #tpu.pipeline_mode<synchronous>, transform_indices = @transform_9, window_bounds = array<i64: 1, 128>}, {pipeline_mode = #tpu.pipeline_mode<synchronous>, transform_indices = @transform_10, window_bounds = array<i64: 1, 128>}, {pipeline_mode = #tpu.pipeline_mode<synchronous>, transform_indices = @transform_11, window_bounds = array<i64: 1, 128>}, {transform_indices = @transform_12, window_bounds = array<i64: 1000, 128>}, {transform_indices = @transform_13, window_bounds = array<i64: 1000, 128>}, {pipeline_mode = #tpu.pipeline_mode<synchronous>, transform_indices = @transform_14, window_bounds = array<i64: 1, 128>}]} {
    %get3A = arith.constant 0 : index
    %get3A_0 = arith.constant 0 : index
    %get3A_1 = vector.load %arg1[%get3A, %get3A_0] : memref<1000x128xf32, #tpu.memory_space<vmem>>, vector<1000x128xf32>
    %get3A_2 = arith.constant 0 : index
    %get3A_3 = arith.constant 0 : index
    %get3A_4 = vector.load %arg2[%get3A_2, %get3A_3] : memref<1000x128xf32, #tpu.memory_space<vmem>>, vector<1000x128xf32>
    %add3A = arith.constant 1.000000e-16 : f32
    %add3A_5 = vector.broadcast %add3A : f32 to vector<1000x128xf32>
    %add3A_6 = arith.addf %get3A_4, %add3A_5 : vector<1000x128xf32>
    %div3A = arith.divf %get3A_1, %add3A_6 : vector<1000x128xf32>
    %get3A_7 = arith.constant 0 : index
    %get3A_8 = arith.constant 0 : index
    %get3A_9 = vector.load %arg3[%get3A_7, %get3A_8] : memref<1000x128xf32, #tpu.memory_space<vmem>>, vector<1000x128xf32>
    %add3A_10 = arith.addf %get3A_9, %div3A : vector<1000x128xf32>
    %get3A_11 = arith.constant 0 : index
    %get3A_12 = arith.constant 0 : index
    %get3A_13 = vector.load %arg5[%get3A_11, %get3A_12] : memref<128x256xf32, #tpu.memory_space<vmem>>, vector<128x256xf32>
    %dot_general3A = arith.constant dense<0.000000e+00> : vector<1000x256xf32>
    %dot_general3A_14 = tpu.matmul %add3A_10, %get3A_13, %dot_general3A {dimension_numbers = #tpu.dot_dimension_numbers<[1], [0], [0], [1], [0, 0, 1, 1], [], []>, transpose_lhs_hint = false} : vector<1000x128xf32>, vector<128x256xf32>, vector<1000x256xf32> -> vector<1000x256xf32>
    %get3A_15 = arith.constant 0 : index
    %get3A_16 = arith.constant 0 : index
    %get3A_17 = vector.load %arg6[%get3A_15, %get3A_16] : memref<1x256xf32, #tpu.memory_space<vmem>>, vector<1x256xf32>
    %add3A_18 = vector.broadcast %get3A_17 : vector<1x256xf32> to vector<1000x256xf32>
    %add3A_19 = arith.addf %dot_general3A_14, %add3A_18 : vector<1000x256xf32>
    %get3A_20 = arith.constant 0 : index
    %get3A_21 = arith.constant 0 : index
    %get3A_22 = vector.load %arg7[%get3A_20, %get3A_21] : memref<1x256xf32, #tpu.memory_space<vmem>>, vector<1x256xf32>
    %get3A_23 = arith.constant 0 : index
    %get3A_24 = arith.constant 0 : index
    %get3A_25 = vector.load %arg8[%get3A_23, %get3A_24] : memref<1x256xf32, #tpu.memory_space<vmem>>, vector<1x256xf32>
    %reduce_sum3A = arith.constant dense<0.000000e+00> : vector<1000xf32>
    %reduce_sum3A_26 = vector.multi_reduction <add>, %add3A_19, %reduce_sum3A [1] : vector<1000x256xf32> to vector<1000xf32>
    %broadcast_in_dim3A = vector.shape_cast %reduce_sum3A_26 : vector<1000xf32> to vector<1000x1xf32>
    %div3A_27 = arith.constant 2.560000e+02 : f32
    %div3A_28 = vector.broadcast %div3A_27 : f32 to vector<1000x1xf32>
    %div3A_29 = arith.divf %broadcast_in_dim3A, %div3A_28 : vector<1000x1xf32>
    %sub3A = vector.broadcast %div3A_29 : vector<1000x1xf32> to vector<1000x256xf32>
    %sub3A_30 = arith.subf %add3A_19, %sub3A : vector<1000x256xf32>
    %mul3A = arith.mulf %sub3A_30, %sub3A_30 : vector<1000x256xf32>
    %reduce_sum3A_31 = arith.constant dense<0.000000e+00> : vector<1000xf32>
    %reduce_sum3A_32 = vector.multi_reduction <add>, %mul3A, %reduce_sum3A_31 [1] : vector<1000x256xf32> to vector<1000xf32>
    %broadcast_in_dim3A_33 = vector.shape_cast %reduce_sum3A_32 : vector<1000xf32> to vector<1000x1xf32>
    %div3A_34 = arith.constant 2.560000e+02 : f32
    %div3A_35 = vector.broadcast %div3A_34 : f32 to vector<1000x1xf32>
    %div3A_36 = arith.divf %broadcast_in_dim3A_33, %div3A_35 : vector<1000x1xf32>
    %add3A_37 = arith.constant 9.99999974E-6 : f32
    %add3A_38 = vector.broadcast %add3A_37 : f32 to vector<1000x1xf32>
    %add3A_39 = arith.addf %div3A_36, %add3A_38 : vector<1000x1xf32>
    %rsqrt3A = math.rsqrt %add3A_39 : vector<1000x1xf32>
    %mul3A_40 = vector.broadcast %rsqrt3A : vector<1000x1xf32> to vector<1000x256xf32>
    %mul3A_41 = arith.mulf %sub3A_30, %mul3A_40 : vector<1000x256xf32>
    %mul3A_42 = vector.broadcast %get3A_22 : vector<1x256xf32> to vector<1000x256xf32>
    %mul3A_43 = arith.mulf %mul3A_41, %mul3A_42 : vector<1000x256xf32>
    %add3A_44 = vector.broadcast %get3A_25 : vector<1x256xf32> to vector<1000x256xf32>
    %add3A_45 = arith.addf %mul3A_43, %add3A_44 : vector<1000x256xf32>
    %max3A = arith.constant 0.000000e+00 : f32
    %max3A_46 = vector.broadcast %max3A : f32 to vector<1000x256xf32>
    %max3A_47 = arith.maximumf %add3A_45, %max3A_46 : vector<1000x256xf32>
    %get3A_48 = arith.constant 0 : index
    %get3A_49 = arith.constant 0 : index
    %get3A_50 = vector.load %arg9[%get3A_48, %get3A_49] : memref<256x128xf32, #tpu.memory_space<vmem>>, vector<256x128xf32>
    %dot_general3A_51 = arith.constant dense<0.000000e+00> : vector<1000x128xf32>
    %dot_general3A_52 = tpu.matmul %max3A_47, %get3A_50, %dot_general3A_51 {dimension_numbers = #tpu.dot_dimension_numbers<[1], [0], [0], [1], [0, 0, 1, 1], [], []>, transpose_lhs_hint = false} : vector<1000x256xf32>, vector<256x128xf32>, vector<1000x128xf32> -> vector<1000x128xf32>
    %get3A_53 = arith.constant 0 : index
    %get3A_54 = arith.constant 0 : index
    %get3A_55 = vector.load %arg10[%get3A_53, %get3A_54] : memref<1x128xf32, #tpu.memory_space<vmem>>, vector<1x128xf32>
    %add3A_56 = vector.broadcast %get3A_55 : vector<1x128xf32> to vector<1000x128xf32>
    %add3A_57 = arith.addf %dot_general3A_52, %add3A_56 : vector<1000x128xf32>
    %get3A_58 = arith.constant 0 : index
    %get3A_59 = arith.constant 0 : index
    %get3A_60 = vector.load %arg4[%get3A_58, %get3A_59] : memref<1000x128xf32, #tpu.memory_space<vmem>>, vector<1000x128xf32>
    %add3A_61 = arith.addf %add3A_57, %get3A_60 : vector<1000x128xf32>
    %swap3A = arith.constant 0 : index
    %swap3A_62 = arith.constant 0 : index
    %swap3A_63 = vector.load %arg13[%swap3A, %swap3A_62] : memref<1000x128xf32, #tpu.memory_space<vmem>>, vector<1000x128xf32>
    tpu.vector_store %arg13[%swap3A, %swap3A_62], %add3A_61 {strides = array<i32>} : memref<1000x128xf32, #tpu.memory_space<vmem>>, vector<1000x128xf32>,
    %get3A_64 = arith.constant 0 : index
    %get3A_65 = arith.constant 0 : index
    %get3A_66 = vector.load %arg11[%get3A_64, %get3A_65] : memref<1x128xf32, #tpu.memory_space<vmem>>, vector<1x128xf32>
    %get3A_67 = arith.constant 0 : index
    %get3A_68 = arith.constant 0 : index
    %get3A_69 = vector.load %arg12[%get3A_67, %get3A_68] : memref<1x128xf32, #tpu.memory_space<vmem>>, vector<1x128xf32>
    %reduce_sum3A_70 = arith.constant dense<0.000000e+00> : vector<1000xf32>
    %reduce_sum3A_71 = vector.multi_reduction <add>, %add3A_61, %reduce_sum3A_70 [1] : vector<1000x128xf32> to vector<1000xf32>
    %broadcast_in_dim3A_72 = vector.shape_cast %reduce_sum3A_71 : vector<1000xf32> to vector<1000x1xf32>
    %div3A_73 = arith.constant 1.280000e+02 : f32
    %div3A_74 = vector.broadcast %div3A_73 : f32 to vector<1000x1xf32>
    %div3A_75 = arith.divf %broadcast_in_dim3A_72, %div3A_74 : vector<1000x1xf32>
    %sub3A_76 = vector.broadcast %div3A_75 : vector<1000x1xf32> to vector<1000x128xf32>
    %sub3A_77 = arith.subf %add3A_61, %sub3A_76 : vector<1000x128xf32>
    %mul3A_78 = arith.mulf %sub3A_77, %sub3A_77 : vector<1000x128xf32>
    %reduce_sum3A_79 = arith.constant dense<0.000000e+00> : vector<1000xf32>
    %reduce_sum3A_80 = vector.multi_reduction <add>, %mul3A_78, %reduce_sum3A_79 [1] : vector<1000x128xf32> to vector<1000xf32>
    %broadcast_in_dim3A_81 = vector.shape_cast %reduce_sum3A_80 : vector<1000xf32> to vector<1000x1xf32>
    %div3A_82 = arith.constant 1.280000e+02 : f32
    %div3A_83 = vector.broadcast %div3A_82 : f32 to vector<1000x1xf32>
    %div3A_84 = arith.divf %broadcast_in_dim3A_81, %div3A_83 : vector<1000x1xf32>
    %add3A_85 = arith.constant 9.99999974E-6 : f32
    %add3A_86 = vector.broadcast %add3A_85 : f32 to vector<1000x1xf32>
    %add3A_87 = arith.addf %div3A_84, %add3A_86 : vector<1000x1xf32>
    %rsqrt3A_88 = math.rsqrt %add3A_87 : vector<1000x1xf32>
    %mul3A_89 = vector.broadcast %rsqrt3A_88 : vector<1000x1xf32> to vector<1000x128xf32>
    %mul3A_90 = arith.mulf %sub3A_77, %mul3A_89 : vector<1000x128xf32>
    %mul3A_91 = vector.broadcast %get3A_66 : vector<1x128xf32> to vector<1000x128xf32>
    %mul3A_92 = arith.mulf %mul3A_90, %mul3A_91 : vector<1000x128xf32>
    %add3A_93 = vector.broadcast %get3A_69 : vector<1x128xf32> to vector<1000x128xf32>
    %add3A_94 = arith.addf %mul3A_92, %add3A_93 : vector<1000x128xf32>
    %max3A_95 = arith.constant 0.000000e+00 : f32
    %max3A_96 = vector.broadcast %max3A_95 : f32 to vector<1000x128xf32>
    %max3A_97 = arith.maximumf %add3A_94, %max3A_96 : vector<1000x128xf32>
    %swap3A_98 = arith.constant 0 : index
    %swap3A_99 = arith.constant 0 : index
    %swap3A_100 = vector.load %arg14[%swap3A_98, %swap3A_99] : memref<1000x128xf32, #tpu.memory_space<vmem>>, vector<1000x128xf32>
    tpu.vector_store %arg14[%swap3A_98, %swap3A_99], %max3A_97 {strides = array<i32>} : memref<1000x128xf32, #tpu.memory_space<vmem>>, vector<1000x128xf32>,
    %reduce_max3A = arith.constant dense<0xFF800000> : vector<128xf32>
    %reduce_max3A_101 = vector.multi_reduction <maximumf>, %max3A_97, %reduce_max3A [0] : vector<1000x128xf32> to vector<128xf32>
    %broadcast_in_dim3A_102 = vector.shape_cast %reduce_max3A_101 : vector<128xf32> to vector<1x128xf32>
    %eq3A = arith.constant 0 : i32
    %eq3A_103 = arith.cmpi eq, %arg0, %eq3A : i32
    %convert_element_type3A = arith.extui %eq3A_103 : i1 to i32
    %cond3A = arith.constant 0 : i32
    %cond3A_104 = arith.cmpi ne, %convert_element_type3A, %cond3A : i32
    scf.if %cond3A_104 {
      %swap3A_109 = arith.constant 0 : index
      %swap3A_110 = arith.constant 0 : index
      %swap3A_111 = vector.load %arg15[%swap3A_109, %swap3A_110] : memref<1x128xf32, #tpu.memory_space<vmem>>, vector<1x128xf32>
      tpu.vector_store %arg15[%swap3A_109, %swap3A_110], %broadcast_in_dim3A_102 {strides = array<i32>} : memref<1x128xf32, #tpu.memory_space<vmem>>, vector<1x128xf32>,
    } else {
    }
    %gt3A = arith.constant 0 : i32
    %gt3A_105 = arith.cmpi sgt, %arg0, %gt3A : i32
    %convert_element_type3A_106 = arith.extui %gt3A_105 : i1 to i32
    %cond3A_107 = arith.constant 0 : i32
    %cond3A_108 = arith.cmpi ne, %convert_element_type3A_106, %cond3A_107 : i32
    scf.if %cond3A_108 {
      %get3A_109 = arith.constant 0 : index
      %get3A_110 = arith.constant 0 : index
      %get3A_111 = vector.load %arg15[%get3A_109, %get3A_110] : memref<1x128xf32, #tpu.memory_space<vmem>>, vector<1x128xf32>
      %max3A_112 = arith.maximumf %get3A_111, %broadcast_in_dim3A_102 : vector<1x128xf32>
      %swap3A_113 = arith.constant 0 : index
      %swap3A_114 = arith.constant 0 : index
      %swap3A_115 = vector.load %arg15[%swap3A_113, %swap3A_114] : memref<1x128xf32, #tpu.memory_space<vmem>>, vector<1x128xf32>
      tpu.vector_store %arg15[%swap3A_113, %swap3A_114], %max3A_112 {strides = array<i32>} : memref<1x128xf32, #tpu.memory_space<vmem>>, vector<1x128xf32>,
    } else {
    }
    return
  }
  func.func @transform_0(%arg0: i32) -> (i32, i32) {
    %c0_i32 = arith.constant 0 : i32
    %c0_i32_0 = arith.constant 0 : i32
    return %arg0, %c0_i32 : i32, i32
  }
  func.func @transform_1(%arg0: i32) -> (i32, i32) {
    %c0_i32 = arith.constant 0 : i32
    %c0_i32_0 = arith.constant 0 : i32
    return %arg0, %c0_i32 : i32, i32
  }
  func.func @transform_2(%arg0: i32) -> (i32, i32) {
    %c0_i32 = arith.constant 0 : i32
    %c0_i32_0 = arith.constant 0 : i32
    return %arg0, %c0_i32 : i32, i32
  }
  func.func @transform_3(%arg0: i32) -> (i32, i32) {
    %c0_i32 = arith.constant 0 : i32
    %c0_i32_0 = arith.constant 0 : i32
    return %arg0, %c0_i32 : i32, i32
  }
  func.func @transform_4(%arg0: i32) -> (i32, i32) {
    %c0_i32 = arith.constant 0 : i32
    %c0_i32_0 = arith.constant 0 : i32
    %c0_i32_1 = arith.constant 0 : i32
    return %c0_i32, %c0_i32_0 : i32, i32
  }
  func.func @transform_5(%arg0: i32) -> (i32, i32) {
    %c0_i32 = arith.constant 0 : i32
    %c0_i32_0 = arith.constant 0 : i32
    %c0_i32_1 = arith.constant 0 : i32
    return %c0_i32, %c0_i32_0 : i32, i32
  }
  func.func @transform_6(%arg0: i32) -> (i32, i32) {
    %c0_i32 = arith.constant 0 : i32
    %c0_i32_0 = arith.constant 0 : i32
    %c0_i32_1 = arith.constant 0 : i32
    return %c0_i32, %c0_i32_0 : i32, i32
  }
  func.func @transform_7(%arg0: i32) -> (i32, i32) {
    %c0_i32 = arith.constant 0 : i32
    %c0_i32_0 = arith.constant 0 : i32
    %c0_i32_1 = arith.constant 0 : i32
    return %c0_i32, %c0_i32_0 : i32, i32
  }
  func.func @transform_8(%arg0: i32) -> (i32, i32) {
    %c0_i32 = arith.constant 0 : i32
    %c0_i32_0 = arith.constant 0 : i32
    %c0_i32_1 = arith.constant 0 : i32
    return %c0_i32, %c0_i32_0 : i32, i32
  }
  func.func @transform_9(%arg0: i32) -> (i32, i32) {
    %c0_i32 = arith.constant 0 : i32
    %c0_i32_0 = arith.constant 0 : i32
    %c0_i32_1 = arith.constant 0 : i32
    return %c0_i32, %c0_i32_0 : i32, i32
  }
  func.func @transform_10(%arg0: i32) -> (i32, i32) {
    %c0_i32 = arith.constant 0 : i32
    %c0_i32_0 = arith.constant 0 : i32
    %c0_i32_1 = arith.constant 0 : i32
    return %c0_i32, %c0_i32_0 : i32, i32
  }
  func.func @transform_11(%arg0: i32) -> (i32, i32) {
    %c0_i32 = arith.constant 0 : i32
    %c0_i32_0 = arith.constant 0 : i32
    %c0_i32_1 = arith.constant 0 : i32
    return %c0_i32, %c0_i32_0 : i32, i32
  }
  func.func @transform_12(%arg0: i32) -> (i32, i32) {
    %c0_i32 = arith.constant 0 : i32
    %c0_i32_0 = arith.constant 0 : i32
    return %arg0, %c0_i32 : i32, i32
  }
  func.func @transform_13(%arg0: i32) -> (i32, i32) {
    %c0_i32 = arith.constant 0 : i32
    %c0_i32_0 = arith.constant 0 : i32
    return %arg0, %c0_i32 : i32, i32
  }
  func.func @transform_14(%arg0: i32) -> (i32, i32) {
    %c0_i32 = arith.constant 0 : i32
    %c0_i32_0 = arith.constant 0 : i32
    %c0_i32_1 = arith.constant 0 : i32
    return %c0_i32, %c0_i32_0 : i32, i32
  }
}

module attributes {stable_mosaic.version = 14 : i64} {
  func.func @_head_body(%arg0: i32, %arg1: memref<1000x128xf32, #tpu.memory_space<vmem>>, %arg2: memref<128x40xf32, #tpu.memory_space<vmem>>, %arg3: memref<1x40xf32, #tpu.memory_space<vmem>>, %arg4: memref<1000x40xf32, #tpu.memory_space<vmem>>) attributes {dimension_semantics = [#tpu.dimension_semantics<arbitrary>], iteration_bounds = array<i64: 10>, scalar_prefetch = 0 : i64, scratch_operands = 0 : i64, tpu.core_type = #tpu.core_type<tc>, window_params = [{transform_indices = @transform_0, window_bounds = array<i64: 1000, 128>}, {pipeline_mode = #tpu.pipeline_mode<synchronous>, transform_indices = @transform_1, window_bounds = array<i64: 128, 40>}, {pipeline_mode = #tpu.pipeline_mode<synchronous>, transform_indices = @transform_2, window_bounds = array<i64: 1, 40>}, {transform_indices = @transform_3, window_bounds = array<i64: 1000, 40>}]} {
    %get3A = arith.constant 0 : index
    %get3A_0 = arith.constant 0 : index
    %get3A_1 = vector.load %arg1[%get3A, %get3A_0] : memref<1000x128xf32, #tpu.memory_space<vmem>>, vector<1000x128xf32>
    %get3A_2 = arith.constant 0 : index
    %get3A_3 = arith.constant 0 : index
    %get3A_4 = vector.load %arg2[%get3A_2, %get3A_3] : memref<128x40xf32, #tpu.memory_space<vmem>>, vector<128x40xf32>
    %dot_general3A = arith.constant dense<0.000000e+00> : vector<1000x40xf32>
    %dot_general3A_5 = tpu.matmul %get3A_1, %get3A_4, %dot_general3A {dimension_numbers = #tpu.dot_dimension_numbers<[1], [0], [0], [1], [0, 0, 1, 1], [], []>, transpose_lhs_hint = false} : vector<1000x128xf32>, vector<128x40xf32>, vector<1000x40xf32> -> vector<1000x40xf32>
    %get3A_6 = arith.constant 0 : index
    %get3A_7 = arith.constant 0 : index
    %get3A_8 = vector.load %arg3[%get3A_6, %get3A_7] : memref<1x40xf32, #tpu.memory_space<vmem>>, vector<1x40xf32>
    %add3A = vector.broadcast %get3A_8 : vector<1x40xf32> to vector<1000x40xf32>
    %add3A_9 = arith.addf %dot_general3A_5, %add3A : vector<1000x40xf32>
    %reduce_max3A = arith.constant dense<0xFF800000> : vector<1000xf32>
    %reduce_max3A_10 = vector.multi_reduction <maximumf>, %add3A_9, %reduce_max3A [1] : vector<1000x40xf32> to vector<1000xf32>
    %broadcast_in_dim3A = vector.shape_cast %reduce_max3A_10 : vector<1000xf32> to vector<1000x1xf32>
    %sub3A = vector.broadcast %broadcast_in_dim3A : vector<1000x1xf32> to vector<1000x40xf32>
    %sub3A_11 = arith.subf %add3A_9, %sub3A : vector<1000x40xf32>
    %exp3A = math.exp %sub3A_11 : vector<1000x40xf32>
    %reduce_sum3A = arith.constant dense<0.000000e+00> : vector<1000xf32>
    %reduce_sum3A_12 = vector.multi_reduction <add>, %exp3A, %reduce_sum3A [1] : vector<1000x40xf32> to vector<1000xf32>
    %broadcast_in_dim3A_13 = vector.shape_cast %reduce_sum3A_12 : vector<1000xf32> to vector<1000x1xf32>
    %log3A = math.log %broadcast_in_dim3A_13 : vector<1000x1xf32>
    %add3A_14 = arith.addf %log3A, %broadcast_in_dim3A : vector<1000x1xf32>
    %sub3A_15 = vector.broadcast %add3A_14 : vector<1000x1xf32> to vector<1000x40xf32>
    %sub3A_16 = arith.subf %add3A_9, %sub3A_15 : vector<1000x40xf32>
    %swap3A = arith.constant 0 : index
    %swap3A_17 = arith.constant 0 : index
    %swap3A_18 = vector.load %arg4[%swap3A, %swap3A_17] : memref<1000x40xf32, #tpu.memory_space<vmem>>, vector<1000x40xf32>
    tpu.vector_store %arg4[%swap3A, %swap3A_17], %sub3A_16 {strides = array<i32>} : memref<1000x40xf32, #tpu.memory_space<vmem>>, vector<1000x40xf32>,
    return
  }
  func.func @transform_0(%arg0: i32) -> (i32, i32) {
    %c0_i32 = arith.constant 0 : i32
    %c0_i32_0 = arith.constant 0 : i32
    return %arg0, %c0_i32 : i32, i32
  }
  func.func @transform_1(%arg0: i32) -> (i32, i32) {
    %c0_i32 = arith.constant 0 : i32
    %c0_i32_0 = arith.constant 0 : i32
    %c0_i32_1 = arith.constant 0 : i32
    return %c0_i32, %c0_i32_0 : i32, i32
  }
  func.func @transform_2(%arg0: i32) -> (i32, i32) {
    %c0_i32 = arith.constant 0 : i32
    %c0_i32_0 = arith.constant 0 : i32
    %c0_i32_1 = arith.constant 0 : i32
    return %c0_i32, %c0_i32_0 : i32, i32
  }
  func.func @transform_3(%arg0: i32) -> (i32, i32) {
    %c0_i32 = arith.constant 0 : i32
    %c0_i32_0 = arith.constant 0 : i32
    return %arg0, %c0_i32 : i32, i32
  }
}

</mosaic_0001>

<sc_bundles>
// kernel: kernel.25.cloned.1.call-start
scs
__scs_entry_jumppad:
0x0: {  	(pc) =	sbr.rel $0x88, $3  }
0x1: {  	(tag) =	ssettag $0x0;
	lr =	simm.s32 $0x1  }
0x2: {  	[smem:$0x3F93] =	sst lr;
	_ =	strace $0xD0000000  }
0x3: {  	_ = 	snop  }
0x4: {  	_ = 	snop  }
0x5: {  	_ = 	snop  }
0x6: {  	_ = 	snop  }
0x7: {  	_ = 	snop  }
__scs_overlays_trampoline_lowered:
0x8: {  	[smem:$0x3FA2] =	sst s0  }
0x9: {  	[smem:$0x3FA3] =	sst s1  }
0xa: {  	[smem:$0x3FA4] =	sst s2  }
0xb: {  	[smem:$0x3FA5] =	sst s3  }
0xc: {  	[smem:$0x3FA6] =	sst s4  }
0xd: {  	[smem:$0x3FA7] =	sst s5  }
0xe: {  	[smem:$0x3FA8] =	sst s6  }
0xf: {  	[smem:$0x3FA9] =	sst s7  }
0x10: {  	[smem:$0x3FAA] =	sst s8  }
0x11: {  	[smem:$0x3FAB] =	sst s9;
	s0 =	simm.s32 @!p0 $0x0  }
0x12: {  	s1 =	sld [smem:$0x3F91];
	s0 =	simm.s32 @p0 $0x1  }
0x13: {  	[smem:$0x3FAC] =	sst s0;
	s0 =	simm.s32 @!p1 $0x0  }
0x14: {  	s2 =	sld [smem:$0x3F90];
	s0 =	simm.s32 @p1 $0x1  }
0x15: {  	[smem:$0x3FAD] =	sst s0;
	s0 =	simm.s32 @!p2 $0x0  }
0x16: {  	s3 =	sld [smem:$0x3FDB];
	s0 =	simm.s32 @p2 $0x1  }
0x17: {  	s4 =	simm.s32 $0x1BF5;
	[smem:$0x3FAF] =	sst s0  }
0x18: {  	s0 =	sld [smem:$0x3F92];
	_ =	swait.ge [sflag:s4], $0x0  }
0x19: {  	s7 =	sld [smem:$0x3F93]  }
0x1a: {  	s8 =	sadd.s32 $0xFFFFE003, lr  }
0x1b: {  	s9 =	sadd.s32 $0xFFFFFEF7, lr;
	s5 =	simm.s32 $0xFFFFFFFF;
	p2 =	slt.u32 s8, $0xFFFFF086  }
0x1c: {  	p1 =	slt.u32 s9, $0xF7A;
	s5 =	simm.s32 @!p2 $0x0  }
0x1d: {  	s5 =	simm.s32 @p1 $0x1;
	p0 =	seq.s32 s7, s2  }
0x1e: {  	s7 =	smul.u32 @!p0 $0xF7A, s2;
	p2 =	seq.s32 @!p0 s5, $0x0  }
0x1f: {  	s9 =	smul.u32 $0xF7A, s1;
	s8 =	simm.s32 @!p0 $0x1BF5;
	p2 =	por !p2, p0  }
0x20: {  	[sflag:s8] =	ssyncset.s32 @!p0 $0xFFFFF086;
	s6 =	sadd.s32 @!p0 s3, s7;
	s7 =	simm.s32 @!p0 $0x108  }
0x21: {  	s3 =	sadd.s32 s3, s9;
	s6 =	sadd.s32 @!p0 $0x88, s6;
	s7 =	simm.s32 @p2 $0x1082  }
0x22: {  	[simem:s7], [sflag:s8] =	dma.local @!p0 [hbm:s6], $0xF7A  }
0x23: {  	s9 =	sor.u32 $0xD0000000, s2;
	s6 =	simm.s32 $0x108;
	_ =	swait.ge @!p0 [sflag:s8], $0x0  }
0x24: {  	s3 =	sadd.s32 $0x88, s3;
	s6 =	simm.s32 @!p1 $0x1082;
	[sflag:s4] =	ssyncset.s32 $0xFFFFF086  }
0x25: {  	[simem:s6], [sflag:s4] =	dma.local [hbm:s3], $0xF7A  }
0x26: {  	[smem:$0x3F93] =	sst s1;
	(tag) =	ssettag s2;
	_ =	strace s9  }
0x27: {  	s1 =	sld [smem:$0x3FA3]  }
0x28: {  	s2 =	sld [smem:$0x3FA4]  }
0x29: {  	s4 =	sld [smem:$0x3FA6]  }
0x2a: {  	p0 =	seq.s32 s5, $0x0;
	s5 =	sld [smem:$0x3FA7]  }
0x2b: {  	s6 =	sld [smem:$0x3FA8]  }
0x2c: {  	s7 =	sld [smem:$0x3FA9]  }
0x2d: {  	s3 =	simm.s32 $0x108;
	s8 =	sld [smem:$0x3FAA]  }
0x2e: {  	s3 =	simm.s32 @!p0 $0x1082;
	s9 =	sld [smem:$0x3FAB]  }
0x2f: {  	lr =	sadd.s32 s0, s3;
	s0 =	sld [smem:$0x3FA2]  }
0x30: {  	s3 =	sld [smem:$0x3FA5]  }
0x31: {  	[smem:$0x3FAE] =	sst s10  }
0x32: {  	s10 =	sld [smem:$0x3FAC];
	_ =	sdelay $0x3  }
0x33: {  	p0 =	seq.s32 s10, $0x1;
	s10 =	sld [smem:$0x3FAE];
	_ =	sdelay $0x3  }
0x34: {  	[smem:$0x3FAE] =	sst s10  }
0x35: {  	s10 =	sld [smem:$0x3FAD];
	_ =	sdelay $0x3  }
0x36: {  	p1 =	seq.s32 s10, $0x1;
	s10 =	sld [smem:$0x3FAE];
	_ =	sdelay $0x3  }
0x37: {  	[smem:$0x3FAE] =	sst s10  }
0x38: {  	s10 =	sld [smem:$0x3FAF]  }
0x39: {  	_ = 	snop;
	(pc) =	sbr.ind lr, $3  }
0x3a: {  	_ = 	snop  }
0x3b: {  	_ = 	snop  }
0x3c: {  	p2 =	seq.s32 s10, $0x1;
	s10 =	sld [smem:$0x3FAE]  }
0x3d: {  	_ =	shalt  }
0x3e: {  	_ =	shalt  }
0x3f: {  	_ =	shalt  }
0x40: {  	_ =	shalt  }
0x41: {  	_ =	shalt  }
0x42: {  	_ =	shalt  }
0x43: {  	_ =	shalt  }
0x44: {  	_ =	shalt  }
0x45: {  	_ =	shalt  }
0x46: {  	_ =	shalt  }
0x47: {  	_ =	shalt  }
0x48: {  	_ =	shalt  }
0x49: {  	_ =	shalt  }
0x4a: {  	_ =	shalt  }
0x4b: {  	_ =	shalt  }
0x4c: {  	_ =	shalt  }
0x4d: {  	_ =	shalt  }
0x4e: {  	_ =	shalt  }
0x4f: {  	_ =	shalt  }
0x50: {  	_ =	shalt  }
0x51: {  	_ =	shalt  }
0x52: {  	_ =	shalt  }
0x53: {  	_ =	shalt  }
0x54: {  	_ =	shalt  }
0x55: {  	_ =	shalt  }
0x56: {  	_ =	shalt  }
0x57: {  	_ =	shalt  }
0x58: {  	_ =	shalt  }
0x59: {  	_ =	shalt  }
0x5a: {  	_ =	shalt  }
0x5b: {  	_ =	shalt  }
0x5c: {  	_ =	shalt  }
0x5d: {  	_ =	shalt  }
0x5e: {  	_ =	shalt  }
0x5f: {  	_ =	shalt  }
0x60: {  	_ =	shalt  }
0x61: {  	_ =	shalt  }
0x62: {  	_ =	shalt  }
0x63: {  	_ =	shalt  }
0x64: {  	_ =	shalt  }
0x65: {  	_ =	shalt  }
0x66: {  	_ =	shalt  }
0x67: {  	_ =	shalt  }
0x68: {  	_ =	shalt  }
0x69: {  	_ =	shalt  }
0x6a: {  	_ =	shalt  }
0x6b: {  	_ =	shalt  }
0x6c: {  	_ =	shalt  }
0x6d: {  	_ =	shalt  }
0x6e: {  	_ =	shalt  }
0x6f: {  	_ =	shalt  }
0x70: {  	_ =	shalt  }
0x71: {  	_ =	shalt  }
0x72: {  	_ =	shalt  }
0x73: {  	_ =	shalt  }
0x74: {  	_ =	shalt  }
0x75: {  	_ =	shalt  }
0x76: {  	_ =	shalt  }
0x77: {  	_ =	shalt  }
0x78: {  	_ =	shalt  }
0x79: {  	_ =	shalt  }
0x7a: {  	_ =	shalt  }
0x7b: {  	_ =	shalt  }
0x7c: {  	_ =	shalt  }
0x7d: {  	_ =	shalt  }
0x7e: {  	_ =	shalt  }
0x7f: {  	_ =	shalt  }
0x80: {  	_ =	shalt  }
0x81: {  	_ =	shalt  }
0x82: {  	_ =	shalt  }
0x83: {  	_ =	shalt  }
0x84: {  	_ =	shalt  }
0x85: {  	_ =	shalt  }
0x86: {  	_ =	shalt  }
0x87: {  	_ =	shalt  }
.Lfunc_end0:
.L_simem_size_0:
called_computation_lowered:
.L_overlay_start_0:
0x88: {  	s2 =	sld [smem:$0x3FD9]  }
0x89: {  	s3 =	sld [smem:$0x3FFE];
	_ =	sdelay $0x1  }
0x8a: {  	s1 =	srdreg.scid  }
0x8b: {  	s0 =	sand.u32 $0x1, s1  }
0x8c: {  	s17 =	sshll.u32 s0, $0xA;
	s2 =	sadd.s32 s3, s2  }
0x8d: {  	s2 =	sadd.s32 s2, s17  }
0x8e: {  	[smem:$0x3FBA] =	sst s2  }
0x8f: {  	_ = 	snop  }
0x90: {  	s2 =	sld [smem:$0x3FD0];
	(tm) =	ssettm $0x1  }
0x91: {  	s18 =	sld [smem:$0x3FFB];
	_ =	sdelay $0x3  }
0x92: {  	_ =	strace s18  }
0x93: {  	s3 =	sld [smem:$0x3FFC];
	_ =	sdelay $0x3  }
0x94: {  	_ =	strace s3  }
0x95: {  	s3 =	sld [smem:$0x3FFD];
	_ =	sdelay $0x3  }
0x96: {  	_ =	strace s3  }
0x97: {  	_ =	strace $0x8FFFFFFF  }
0x98: {  	s19 =	sld [smem:$0x3FDB];
	_ =	sdelay $0x1  }
0x99: {  	s4 =	simm.s32 $_scs_section_size  }
0x9a: {  	s5 =	simm.s32 $_size__tile_overlayer_lowered;
	s6 =	simm.s32 $_tile_overlayer_lowered  }
0x9b: {  	s22 =	simm.s32 $0x1BFF;
	s21 =	sshll.u32 s6, $0x1;
	s3 =	sadd.s32 s4, s19  }
0x9c: {  	s7 =	simm.s32 $0x0;
	s20 =	sshll.u32 s5, $0x1;
	s5 =	sadd.s32 s21, s3  }
0x9d: {  	[timem:s7], [sflag:s22] =	dma.local [hbm:s5], s20  }
0x9e: {  	_ =	swait.ge [sflag:s22], s20  }
0x9f: {  	s4 =	ssub.s32 $0x0, s20;
	[sflag:s22] =	ssyncset.done $0x0  }
0xa0: {  	[sflag:s22] =	ssyncadd.s32 s4;
	_ =	sdelay $0x1  }
0xa1: {  	s23 =	simm.s32 $0x1B8B  }
0xa2: {  	_ =	swait.ge [sflag:s23], $0x1  }
0xa3: {  	[sflag:s23] =	ssyncset.done $0x0  }
0xa4: {  	s25 =	simm.s32 $0x1B8E;
	s24 =	sld [smem:$0x3FFE];
	[sflag:s23] =	ssyncadd.s32 $0xFFFFFFFF  }
0xa5: {  	s26 =	simm.s32 $execute0_lowered;
	[smem:$0x3FD2] =	sst s25  }
0xa6: {  	s5 =	sshll.u32 s26, $0x1;
	_ =	strace $0x80000046;
	[dreg:$0x1] =	wrdreg $0xFFFFFFFF  }
0xa7: {  	s28 =	simm.s32 $_size_execute0_lowered;
	s3 =	sadd.s32 s3, s5;
	[dreg:$0x0] =	wrdreg $0x0  }
0xa8: {  	s5 =	sshll.u32 s28, $0x1;
	[dreg:$0x2] =	wrdreg s3  }
0xa9: {  	[dreg:$0x3] =	wrdreg s5  }
0xaa: {  	[dreg:$0x4] =	wrdreg $0xC0  }
0xab: {  	_ =	task [dreg:s7], $0x5FFFF  }
0xac: {  	[dreg:$0x1] =	wrdreg $0xFFFFFFFF  }
0xad: {  	[dreg:$0x0] =	wrdreg $0x60  }
0xae: {  	[dreg:$0x2] =	wrdreg s24  }
0xaf: {  	[dreg:$0x3] =	wrdreg s2  }
0xb0: {  	[dreg:$0x4] =	wrdreg $0x29000  }
0xb1: {  	[dreg:$0x5] =	wrdreg $0x9  }
0xb2: {  	_ =	task.clear_ibuf [dreg:s7], $0x6FFFF;
	_ =	strace $0x90000046  }
0xb3: {  	s29 =	simm.s32 $0x9;
	_ =	strace $0x80000048  }
0xb4: {  	_ =	swait.ge [sflag:s29], $0x1  }
0xb5: {  	[sflag:s29] =	ssyncadd.s32 $0xFFFFFFFF  }
0xb6: {  	_ =	strace $0x90000048  }
0xb7: {  	_ =	sfence  }
0xb8: {  	s30 =	sld [smem:$0x0];
	_ =	sdelay $0x2  }
0xb9: {  	s31 =	sshll.u32 s1, $0xD;
	s1 =	sshrl.u32 s1, $0x2  }
0xba: {  	s3 =	sand.u32 $0x4000, s31;
	s1 =	sadd.s32 s1, s30  }
0xbb: {  	s0 =	sor.u32 s3, s0;
	s1 =	sshll.u32 s1, $0x11  }
0xbc: {  	s0 =	sor.u32 s1, s0  }
0xbd: {  	s0 =	sadd.s32 $0x8F2B, s0  }
0xbe: {  	[sflag:s0] =	ssyncadd.remote.s32 $0x1  }
0xbf: {  	_ =	sfence.sel $0xFFFF  }
0xc0: {  	[dreg:$0x0] =	wrdreg $0xFFFFFFFF;
	(pc) =	sbr.abs _section_cstart, $3  }
0xc1: {  	[dreg:$0x1] =	wrdreg $0xFFFFFFFF  }
0xc2: {  	_ =	task.clear_ibuf [dreg:s7], $0x2FFFF;
	_ =	strace $0x9FFFFFFF  }
0xc3: {  	(tm) =	ssettm $0x7FFFFFFF  }
tec
execute0_lowered:
.L_overlay_start_1:
0x0: {  	(tag) =	ssettag $0x1  }
0x1: {  	s6 =	rddreg [dreg:$0x0]  }
0x2: {  	s9 =	rddreg [dreg:$0x1]  }
0x3: {  	s2 =	rddreg [dreg:$0x2]  }
0x4: {  	s0 =	srdreg.scid;
	s1 =	rddreg [dreg:$0x3]  }
0x5: {  	s3 =	simm.s32 $0x0;
	s13 =	simm.s32 $0x80;
	s5 =	sand.u32 $0x1, s0  }
0x6: {  	s14 =	simm.s32 $0x50;
	s0 =	stileid.u32;
	s4 =	smul.u32 $0x4E200, s5  }
0x7: {  	s15 =	simm.s32 $0x100;
	s16 =	simm.s32 $0x1;
	s7 =	smul.u32 $0x4E20, s0  }
0x8: {  	s17 =	simm.s32 $0x0;
	[smem:$0x7FF] =	sst s3;
	s25 =	smul.u32 $0x2780, s0  }
0x9: {  	_ =	strace $0x80000047;
	s8 =	smul.u32 $0x27800, s5;
	s11 =	ssub.s32 $0x2, s5  }
0xa: {  	s12 =	smul.u32 $0x4F000, s0;
	s5 =	sadd.s32 $0x94400, s6;
	s30 =	sshll.u32 s0, $0x6  }
0xb: {  	s31 =	smul.u32 $0x9C4, s0;
	s26 =	sshrl.u32 s11, $0x1;
	s4 =	sadd.s32 s7, s4  }
0xc: {  	s7 =	sadd.s32 s25, s8;
	s8 =	ssub.s32 s11, s26;
	s28 =	sshrl.u32 s12, $0x2  }
0xd: {  	s9 =	sadd.s32 s31, s9;
	s12 =	simm.s32 $0x2;
	s4 =	sshrl.u32 s4, $0x3  }
0xe: {  	s7 =	sadd.s32 s7, s6;
	s29 =	sadd.s32 s28, s2;
	s8 =	smax.u32 s8, $0x1  }
0xf: {  	s10 =	sadd.s32 s4, s6;
	s4 =	sadd.s32 $0x46200, s6;
	s6 =	sor.u32 $0x1C02, s30  }
0x10: {  	s7 =	sadd.s32 $0x96C00, s7;
	s11 =	sshrl.u32 s29, $0x3;
	s10 =	sadd.s32 $0xB600, s10  }
.LBB2_1:
0x11: {  	[spmem:s11], [sflag:s6] =	dma.local [hbm:s5], $0x2780  }
0x12: {  	_ =	swait.ge [sflag:s12], $0x2780  }
0x13: {  	[sflag:s12] =	ssyncset.done $0x0  }
0x14: {  	[sflag:s12] =	ssyncadd.s32 $0xFFFFD880  }
0x15: {  	s18 =	sadd.s32 $0x0, s10;
	[bflag:$0x0] =	sbarrier.arrive $0xFFFF  }
0x16: {  	[tilespmem:s3], [sflag:$0x2] =	stream.linear.gather [hbm4b:s18+s3], $0x50, $0x38;
	[tilespmem:$0x16500] =	vst v63  }
0x17: {  	_ =	swait.ge [sflag:s12], $0x50  }
0x18: {  	[sflag:s12] =	ssyncset.done $0x0  }
0x19: {  	s31 =	sadd.s32 $0x0, s9;
	[sflag:s12] =	ssyncadd.s32 $0xFFFFFFB0  }
0x1a: {  	[tilespmem:s13], [sflag:$0x2] =	stream.linear.gather [hbm4b:s31+s3], $0x50, $0x38;
	[tilespmem:$0x16500] =	vst v63  }
0x1b: {  	_ =	swait.ge [sflag:s12], $0x50  }
0x1c: {  	[sflag:s12] =	ssyncset.done $0x0  }
0x1d: {  	[sflag:s12] =	ssyncadd.s32 $0xFFFFFFB0  }
0x1e: {  	[tilespmem:s15], [sflag:$0x1] =	stream.indirect.gather [hbm4b:s4+s14], $0x80, s3, s14, $0xb8;
	[tilespmem:$0x16500] =	vst v63  }
0x1f: {  	_ =	swait.ge [sflag:s16], $0x2800  }
0x20: {  	[sflag:s16] =	ssyncset.done $0x0  }
0x21: {  	[sflag:s16] =	ssyncadd.s32 $0xFFFFD800  }
0x22: {  	[spmem:s2] =	stream.indirect.scatter.add.f32 [tilespmem:s15], [sflag:$0x2], $0x80, s13, s14, $0xb8;
	[tilespmem:$0x16500] =	vst v63  }
0x23: {  	_ =	swait.ge [sflag:s12], $0x2800  }
0x24: {  	s19 =	simm.s32 $0x14;
	s18 =	simm.s32 $0xA;
	[sflag:s12] =	ssyncset.done $0x0  }
.LBB2_2:
0x25: {  	s20 =	sadd.s32 s18, s10  }
0x26: {  	[sflag:s12] =	ssyncadd.s32 $0xFFFFD800;
	s21 =	smov.u32 s19;
	s22 =	sadd.s32 $0xA, s19  }
0x27: {  	[tilespmem:s3], [sflag:$0x2] =	stream.linear.gather [hbm4b:s20+s3], $0x50, $0x38;
	[tilespmem:$0x16500] =	vst v63  }
0x28: {  	p0 =	sne.s32 s19, $0x9BA;
	_ =	swait.ge [sflag:s12], $0x50  }
0x29: {  	[sflag:s12] =	ssyncset.done $0x0  }
0x2a: {  	s19 =	sadd.s32 s18, s9;
	s18 =	smov.u32 s21;
	[sflag:s12] =	ssyncadd.s32 $0xFFFFFFB0  }
0x2b: {  	[tilespmem:s13], [sflag:$0x2] =	stream.linear.gather [hbm4b:s19+s3], $0x50, $0x38;
	[tilespmem:$0x16500] =	vst v63  }
0x2c: {  	_ =	swait.ge [sflag:s12], $0x50  }
0x2d: {  	[sflag:s12] =	ssyncset.done $0x0  }
0x2e: {  	[sflag:s12] =	ssyncadd.s32 $0xFFFFFFB0  }
0x2f: {  	[tilespmem:s15], [sflag:$0x1] =	stream.indirect.gather [hbm4b:s4+s14], $0x80, s3, s14, $0xb8;
	[tilespmem:$0x16500] =	vst v63  }
0x30: {  	_ =	swait.ge [sflag:s16], $0x2800  }
.Ltmp0:
0x31: {  	[sflag:s16] =	ssyncset.done $0x0;
	(pc) =	sbr.rel @p0 .LBB2_2-.Ltmp0, $4  }
0x32: {  	[sflag:s16] =	ssyncadd.s32 $0xFFFFD800  }
0x33: {  	[spmem:s2] =	stream.indirect.scatter.add.f32 [tilespmem:s15], [sflag:$0x2], $0x80, s13, s14, $0xb8;
	[tilespmem:$0x16500] =	vst v63  }
0x34: {  	_ =	swait.ge [sflag:s12], $0x2800  }
0x35: {  	s19 =	smov.u32 s22;
	[sflag:s12] =	ssyncset.done $0x0  }
0x36: {  	s19 =	sadd.s32 s18, s10;
	[sflag:s12] =	ssyncadd.s32 $0xFFFFD800  }
0x37: {  	[tilespmem:s3], [sflag:$0x2] =	stream.linear.gather [hbm4b:s19+s3], $0x50, $0x38;
	[tilespmem:$0x16500] =	vst v63  }
0x38: {  	_ =	swait.ge [sflag:s12], $0x50  }
0x39: {  	[sflag:s12] =	ssyncset.done $0x0  }
0x3a: {  	s31 =	sadd.s32 s18, s9;
	[sflag:s12] =	ssyncadd.s32 $0xFFFFFFB0  }
0x3b: {  	[tilespmem:s13], [sflag:$0x2] =	stream.linear.gather [hbm4b:s31+s3], $0x50, $0x38;
	[tilespmem:$0x16500] =	vst v63  }
0x3c: {  	_ =	swait.ge [sflag:s12], $0x50  }
0x3d: {  	[sflag:s12] =	ssyncset.done $0x0  }
0x3e: {  	[sflag:s12] =	ssyncadd.s32 $0xFFFFFFB0  }
0x3f: {  	[tilespmem:s15], [sflag:$0x1] =	stream.indirect.gather [hbm4b:s4+s14], $0x80, s3, s14, $0xb8;
	[tilespmem:$0x16500] =	vst v63  }
0x40: {  	_ =	swait.ge [sflag:s16], $0x2800  }
0x41: {  	[sflag:s16] =	ssyncset.done $0x0  }
0x42: {  	[sflag:s16] =	ssyncadd.s32 $0xFFFFD800  }
0x43: {  	[spmem:s2] =	stream.indirect.scatter.add.f32 [tilespmem:s15], [sflag:$0x2], $0x80, s13, s14, $0xb8;
	[tilespmem:$0x16500] =	vst v63  }
0x44: {  	_ =	swait.ge [sflag:s12], $0x2800  }
0x45: {  	s17 =	sadd.s32 $0x1, s17;
	[sflag:s12] =	ssyncset.done $0x0  }
0x46: {  	p0 =	sne.s32 s17, s8;
	[sflag:s12] =	ssyncadd.s32 $0xFFFFD800  }
.Ltmp1:
0x47: {  	[bflag:$0x0] =	sbarrier.arrive $0xFFFF;
	(pc) =	sbr.rel @p0 .LBB2_1-.Ltmp1, $4  }
0x48: {  	[hbm:s7], [sflag:s6] =	dma.local [spmem:s11], $0x2780  }
0x49: {  	_ =	swait.ge [sflag:s12], $0x2780  }
0x4a: {  	[sflag:s12] =	ssyncset.done $0x0  }
0x4b: {  	[sflag:s12] =	ssyncadd.s32 $0xFFFFD880  }
0x4c: {  	_ =	sfence.sel $0x180000  }
0x4d: {  	[bflag:$0x0] =	sbarrier.arrive $0xFFFF  }
0x4e: {  	p0 =	sne.s32 s0, $0x0;
	_ =	strace $0x90000047  }
0x4f: {  	s0 =	sadd.s32 @!p0 $0x100000, s1;
	[bflag:$0x2] =	sbarrier.arrive $0xFFFF  }
0x50: {  	[sflag:s0] =	ssyncadd.tile.s32 @!p0 $0x1;
	_ =	shalt  }
.Lfunc_end2:
_tile_overlayer_lowered:
.L_overlay_start_2:
0x51: {  	(tag) =	ssettag $0x2  }
0x52: {  	s0 =	rddreg [dreg:$0x0];
	s2 =	stileid.u32  }
0x53: {  	s1 =	rddreg [dreg:$0x1];
	p0 =	sne.s32 s2, $0x0  }
0x54: {  	s3 =	rddreg [dreg:$0x2];
	[bflag:$0x3] =	sbarrier.arrive $0xFFFF;
	s2 =	simm.s32 @!p0 $0x1C02  }
0x55: {  	[timem:s3], [sflag:s2] =	dma.local @!p0 [hbm:s0], s1  }
0x56: {  	s0 =	simm.s32 @!p0 $0x2  }
0x57: {  	_ =	swait.ge @!p0 [sflag:s0], s1  }
0x58: {  	s1 =	ssub.s32 @!p0 $0x0, s1;
	[sflag:s0] =	ssyncset.done @!p0 $0x0  }
0x59: {  	[sflag:s0] =	ssyncadd.s32 @!p0 s1  }
0x5a: {  	[bflag:$0x3] =	sbarrier.arrive $0xFFFF  }
0x5b: {  	_ =	shalt  }

// kernel: kernel.28.cloned.1.call-start
scs
__scs_entry_jumppad:
0x0: {  	(pc) =	sbr.rel $0x88, $3  }
0x1: {  	(tag) =	ssettag $0x0;
	lr =	simm.s32 $0x1  }
0x2: {  	[smem:$0x3F93] =	sst lr;
	_ =	strace $0xD0000000  }
0x3: {  	_ = 	snop  }
0x4: {  	_ = 	snop  }
0x5: {  	_ = 	snop  }
0x6: {  	_ = 	snop  }
0x7: {  	_ = 	snop  }
__scs_overlays_trampoline_lowered:
0x8: {  	[smem:$0x3FA2] =	sst s0  }
0x9: {  	[smem:$0x3FA3] =	sst s1  }
0xa: {  	[smem:$0x3FA4] =	sst s2  }
0xb: {  	[smem:$0x3FA5] =	sst s3  }
0xc: {  	[smem:$0x3FA6] =	sst s4  }
0xd: {  	[smem:$0x3FA7] =	sst s5  }
0xe: {  	[smem:$0x3FA8] =	sst s6  }
0xf: {  	[smem:$0x3FA9] =	sst s7  }
0x10: {  	[smem:$0x3FAA] =	sst s8  }
0x11: {  	[smem:$0x3FAB] =	sst s9;
	s0 =	simm.s32 @!p0 $0x0  }
0x12: {  	s1 =	sld [smem:$0x3F91];
	s0 =	simm.s32 @p0 $0x1  }
0x13: {  	[smem:$0x3FAC] =	sst s0;
	s0 =	simm.s32 @!p1 $0x0  }
0x14: {  	s2 =	sld [smem:$0x3F90];
	s0 =	simm.s32 @p1 $0x1  }
0x15: {  	[smem:$0x3FAD] =	sst s0;
	s0 =	simm.s32 @!p2 $0x0  }
0x16: {  	s3 =	sld [smem:$0x3FDB];
	s0 =	simm.s32 @p2 $0x1  }
0x17: {  	s4 =	simm.s32 $0x1BF5;
	[smem:$0x3FAF] =	sst s0  }
0x18: {  	s0 =	sld [smem:$0x3F92];
	_ =	swait.ge [sflag:s4], $0x0  }
0x19: {  	s7 =	sld [smem:$0x3F93]  }
0x1a: {  	s8 =	sadd.s32 $0xFFFFE003, lr  }
0x1b: {  	s9 =	sadd.s32 $0xFFFFFEF7, lr;
	s5 =	simm.s32 $0xFFFFFFFF;
	p2 =	slt.u32 s8, $0xFFFFF086  }
0x1c: {  	p1 =	slt.u32 s9, $0xF7A;
	s5 =	simm.s32 @!p2 $0x0  }
0x1d: {  	s5 =	simm.s32 @p1 $0x1;
	p0 =	seq.s32 s7, s2  }
0x1e: {  	s7 =	smul.u32 @!p0 $0xF7A, s2;
	p2 =	seq.s32 @!p0 s5, $0x0  }
0x1f: {  	s9 =	smul.u32 $0xF7A, s1;
	s8 =	simm.s32 @!p0 $0x1BF5;
	p2 =	por !p2, p0  }
0x20: {  	[sflag:s8] =	ssyncset.s32 @!p0 $0xFFFFF086;
	s6 =	sadd.s32 @!p0 s3, s7;
	s7 =	simm.s32 @!p0 $0x108  }
0x21: {  	s3 =	sadd.s32 s3, s9;
	s6 =	sadd.s32 @!p0 $0x88, s6;
	s7 =	simm.s32 @p2 $0x1082  }
0x22: {  	[simem:s7], [sflag:s8] =	dma.local @!p0 [hbm:s6], $0xF7A  }
0x23: {  	s9 =	sor.u32 $0xD0000000, s2;
	s6 =	simm.s32 $0x108;
	_ =	swait.ge @!p0 [sflag:s8], $0x0  }
0x24: {  	s3 =	sadd.s32 $0x88, s3;
	s6 =	simm.s32 @!p1 $0x1082;
	[sflag:s4] =	ssyncset.s32 $0xFFFFF086  }
0x25: {  	[simem:s6], [sflag:s4] =	dma.local [hbm:s3], $0xF7A  }
0x26: {  	[smem:$0x3F93] =	sst s1;
	(tag) =	ssettag s2;
	_ =	strace s9  }
0x27: {  	s1 =	sld [smem:$0x3FA3]  }
0x28: {  	s2 =	sld [smem:$0x3FA4]  }
0x29: {  	s4 =	sld [smem:$0x3FA6]  }
0x2a: {  	p0 =	seq.s32 s5, $0x0;
	s5 =	sld [smem:$0x3FA7]  }
0x2b: {  	s6 =	sld [smem:$0x3FA8]  }
0x2c: {  	s7 =	sld [smem:$0x3FA9]  }
0x2d: {  	s3 =	simm.s32 $0x108;
	s8 =	sld [smem:$0x3FAA]  }
0x2e: {  	s3 =	simm.s32 @!p0 $0x1082;
	s9 =	sld [smem:$0x3FAB]  }
0x2f: {  	lr =	sadd.s32 s0, s3;
	s0 =	sld [smem:$0x3FA2]  }
0x30: {  	s3 =	sld [smem:$0x3FA5]  }
0x31: {  	[smem:$0x3FAE] =	sst s10  }
0x32: {  	s10 =	sld [smem:$0x3FAC];
	_ =	sdelay $0x3  }
0x33: {  	p0 =	seq.s32 s10, $0x1;
	s10 =	sld [smem:$0x3FAE];
	_ =	sdelay $0x3  }
0x34: {  	[smem:$0x3FAE] =	sst s10  }
0x35: {  	s10 =	sld [smem:$0x3FAD];
	_ =	sdelay $0x3  }
0x36: {  	p1 =	seq.s32 s10, $0x1;
	s10 =	sld [smem:$0x3FAE];
	_ =	sdelay $0x3  }
0x37: {  	[smem:$0x3FAE] =	sst s10  }
0x38: {  	s10 =	sld [smem:$0x3FAF]  }
0x39: {  	_ = 	snop;
	(pc) =	sbr.ind lr, $3  }
0x3a: {  	_ = 	snop  }
0x3b: {  	_ = 	snop  }
0x3c: {  	p2 =	seq.s32 s10, $0x1;
	s10 =	sld [smem:$0x3FAE]  }
0x3d: {  	_ =	shalt  }
0x3e: {  	_ =	shalt  }
0x3f: {  	_ =	shalt  }
0x40: {  	_ =	shalt  }
0x41: {  	_ =	shalt  }
0x42: {  	_ =	shalt  }
0x43: {  	_ =	shalt  }
0x44: {  	_ =	shalt  }
0x45: {  	_ =	shalt  }
0x46: {  	_ =	shalt  }
0x47: {  	_ =	shalt  }
0x48: {  	_ =	shalt  }
0x49: {  	_ =	shalt  }
0x4a: {  	_ =	shalt  }
0x4b: {  	_ =	shalt  }
0x4c: {  	_ =	shalt  }
0x4d: {  	_ =	shalt  }
0x4e: {  	_ =	shalt  }
0x4f: {  	_ =	shalt  }
0x50: {  	_ =	shalt  }
0x51: {  	_ =	shalt  }
0x52: {  	_ =	shalt  }
0x53: {  	_ =	shalt  }
0x54: {  	_ =	shalt  }
0x55: {  	_ =	shalt  }
0x56: {  	_ =	shalt  }
0x57: {  	_ =	shalt  }
0x58: {  	_ =	shalt  }
0x59: {  	_ =	shalt  }
0x5a: {  	_ =	shalt  }
0x5b: {  	_ =	shalt  }
0x5c: {  	_ =	shalt  }
0x5d: {  	_ =	shalt  }
0x5e: {  	_ =	shalt  }
0x5f: {  	_ =	shalt  }
0x60: {  	_ =	shalt  }
0x61: {  	_ =	shalt  }
0x62: {  	_ =	shalt  }
0x63: {  	_ =	shalt  }
0x64: {  	_ =	shalt  }
0x65: {  	_ =	shalt  }
0x66: {  	_ =	shalt  }
0x67: {  	_ =	shalt  }
0x68: {  	_ =	shalt  }
0x69: {  	_ =	shalt  }
0x6a: {  	_ =	shalt  }
0x6b: {  	_ =	shalt  }
0x6c: {  	_ =	shalt  }
0x6d: {  	_ =	shalt  }
0x6e: {  	_ =	shalt  }
0x6f: {  	_ =	shalt  }
0x70: {  	_ =	shalt  }
0x71: {  	_ =	shalt  }
0x72: {  	_ =	shalt  }
0x73: {  	_ =	shalt  }
0x74: {  	_ =	shalt  }
0x75: {  	_ =	shalt  }
0x76: {  	_ =	shalt  }
0x77: {  	_ =	shalt  }
0x78: {  	_ =	shalt  }
0x79: {  	_ =	shalt  }
0x7a: {  	_ =	shalt  }
0x7b: {  	_ =	shalt  }
0x7c: {  	_ =	shalt  }
0x7d: {  	_ =	shalt  }
0x7e: {  	_ =	shalt  }
0x7f: {  	_ =	shalt  }
0x80: {  	_ =	shalt  }
0x81: {  	_ =	shalt  }
0x82: {  	_ =	shalt  }
0x83: {  	_ =	shalt  }
0x84: {  	_ =	shalt  }
0x85: {  	_ =	shalt  }
0x86: {  	_ =	shalt  }
0x87: {  	_ =	shalt  }
.Lfunc_end0:
.L_simem_size_0:
called_computation.1_lowered:
.L_overlay_start_0:
0x88: {  	s2 =	sld [smem:$0x3FD9]  }
0x89: {  	s3 =	sld [smem:$0x3FFE];
	_ =	sdelay $0x1  }
0x8a: {  	s1 =	srdreg.scid  }
0x8b: {  	s0 =	sand.u32 $0x1, s1  }
0x8c: {  	s17 =	sshll.u32 s0, $0xA;
	s2 =	sadd.s32 s3, s2  }
0x8d: {  	s2 =	sadd.s32 s2, s17  }
0x8e: {  	[smem:$0x3FBA] =	sst s2  }
0x8f: {  	_ = 	snop  }
0x90: {  	s2 =	sld [smem:$0x3FD0];
	(tm) =	ssettm $0x1  }
0x91: {  	s18 =	sld [smem:$0x3FFB];
	_ =	sdelay $0x3  }
0x92: {  	_ =	strace s18  }
0x93: {  	s3 =	sld [smem:$0x3FFC];
	_ =	sdelay $0x3  }
0x94: {  	_ =	strace s3  }
0x95: {  	s3 =	sld [smem:$0x3FFD];
	_ =	sdelay $0x3  }
0x96: {  	_ =	strace s3  }
0x97: {  	_ =	strace $0x8FFFFFFF  }
0x98: {  	s19 =	sld [smem:$0x3FDB];
	_ =	sdelay $0x1  }
0x99: {  	s4 =	simm.s32 $_scs_section_size  }
0x9a: {  	s5 =	simm.s32 $_size__tile_overlayer_lowered;
	s6 =	simm.s32 $_tile_overlayer_lowered  }
0x9b: {  	s22 =	simm.s32 $0x1BFF;
	s21 =	sshll.u32 s6, $0x1;
	s3 =	sadd.s32 s4, s19  }
0x9c: {  	s7 =	simm.s32 $0x0;
	s20 =	sshll.u32 s5, $0x1;
	s5 =	sadd.s32 s21, s3  }
0x9d: {  	[timem:s7], [sflag:s22] =	dma.local [hbm:s5], s20  }
0x9e: {  	_ =	swait.ge [sflag:s22], s20  }
0x9f: {  	s4 =	ssub.s32 $0x0, s20;
	[sflag:s22] =	ssyncset.done $0x0  }
0xa0: {  	[sflag:s22] =	ssyncadd.s32 s4;
	_ =	sdelay $0x1  }
0xa1: {  	s23 =	simm.s32 $0x1B8B  }
0xa2: {  	_ =	swait.ge [sflag:s23], $0x1  }
0xa3: {  	[sflag:s23] =	ssyncset.done $0x0  }
0xa4: {  	s25 =	simm.s32 $0x1B8E;
	s24 =	sld [smem:$0x3FFE];
	[sflag:s23] =	ssyncadd.s32 $0xFFFFFFFF  }
0xa5: {  	s26 =	simm.s32 $execute0_lowered;
	[smem:$0x3FD2] =	sst s25  }
0xa6: {  	s5 =	sshll.u32 s26, $0x1;
	_ =	strace $0x80000049;
	[dreg:$0x1] =	wrdreg $0xFFFFFFFF  }
0xa7: {  	s28 =	simm.s32 $_size_execute0_lowered;
	s3 =	sadd.s32 s3, s5;
	[dreg:$0x0] =	wrdreg $0x0  }
0xa8: {  	s5 =	sshll.u32 s28, $0x1;
	[dreg:$0x2] =	wrdreg s3  }
0xa9: {  	[dreg:$0x3] =	wrdreg s5  }
0xaa: {  	[dreg:$0x4] =	wrdreg $0xC0  }
0xab: {  	_ =	task [dreg:s7], $0x5FFFF  }
0xac: {  	[dreg:$0x1] =	wrdreg $0xFFFFFFFF  }
0xad: {  	[dreg:$0x0] =	wrdreg $0x60  }
0xae: {  	[dreg:$0x2] =	wrdreg s24  }
0xaf: {  	[dreg:$0x3] =	wrdreg s2  }
0xb0: {  	[dreg:$0x4] =	wrdreg $0x29000  }
0xb1: {  	[dreg:$0x5] =	wrdreg $0x9  }
0xb2: {  	_ =	task.clear_ibuf [dreg:s7], $0x6FFFF;
	_ =	strace $0x90000049  }
0xb3: {  	s29 =	simm.s32 $0x9;
	_ =	strace $0x8000004B  }
0xb4: {  	_ =	swait.ge [sflag:s29], $0x1  }
0xb5: {  	[sflag:s29] =	ssyncadd.s32 $0xFFFFFFFF  }
0xb6: {  	_ =	strace $0x9000004B  }
0xb7: {  	_ =	sfence  }
0xb8: {  	s30 =	sld [smem:$0x0];
	_ =	sdelay $0x2  }
0xb9: {  	s31 =	sshll.u32 s1, $0xD;
	s1 =	sshrl.u32 s1, $0x2  }
0xba: {  	s3 =	sand.u32 $0x4000, s31;
	s1 =	sadd.s32 s1, s30  }
0xbb: {  	s0 =	sor.u32 s3, s0;
	s1 =	sshll.u32 s1, $0x11  }
0xbc: {  	s0 =	sor.u32 s1, s0  }
0xbd: {  	s0 =	sadd.s32 $0x8F2B, s0  }
0xbe: {  	[sflag:s0] =	ssyncadd.remote.s32 $0x1  }
0xbf: {  	_ =	sfence.sel $0xFFFF  }
0xc0: {  	[dreg:$0x0] =	wrdreg $0xFFFFFFFF;
	(pc) =	sbr.abs _section_cstart, $3  }
0xc1: {  	[dreg:$0x1] =	wrdreg $0xFFFFFFFF  }
0xc2: {  	_ =	task.clear_ibuf [dreg:s7], $0x2FFFF;
	_ =	strace $0x9FFFFFFF  }
0xc3: {  	(tm) =	ssettm $0x7FFFFFFF  }
tec
execute0_lowered:
.L_overlay_start_1:
0x0: {  	(tag) =	ssettag $0x1  }
0x1: {  	s6 =	rddreg [dreg:$0x0]  }
0x2: {  	s9 =	rddreg [dreg:$0x1]  }
0x3: {  	s2 =	rddreg [dreg:$0x2]  }
0x4: {  	s0 =	srdreg.scid;
	s1 =	rddreg [dreg:$0x3]  }
0x5: {  	s3 =	simm.s32 $0x0;
	s13 =	simm.s32 $0x80;
	s5 =	sand.u32 $0x1, s0  }
0x6: {  	s14 =	simm.s32 $0x50;
	s0 =	stileid.u32;
	s4 =	smul.u32 $0x4E200, s5  }
0x7: {  	s15 =	simm.s32 $0x100;
	s16 =	simm.s32 $0x1;
	s7 =	smul.u32 $0x4E20, s0  }
0x8: {  	s17 =	simm.s32 $0x0;
	[smem:$0x7FF] =	sst s3;
	s25 =	smul.u32 $0x2780, s0  }
0x9: {  	_ =	strace $0x8000004A;
	s8 =	smul.u32 $0x27800, s5;
	s11 =	ssub.s32 $0x2, s5  }
0xa: {  	s12 =	smul.u32 $0x4F000, s0;
	s5 =	sadd.s32 $0x94400, s6;
	s30 =	sshll.u32 s0, $0x6  }
0xb: {  	s31 =	smul.u32 $0x9C4, s0;
	s26 =	sshrl.u32 s11, $0x1;
	s4 =	sadd.s32 s7, s4  }
0xc: {  	s7 =	sadd.s32 s25, s8;
	s8 =	ssub.s32 s11, s26;
	s28 =	sshrl.u32 s12, $0x2  }
0xd: {  	s9 =	sadd.s32 s31, s9;
	s12 =	simm.s32 $0x2;
	s4 =	sshrl.u32 s4, $0x3  }
0xe: {  	s7 =	sadd.s32 s7, s6;
	s29 =	sadd.s32 s28, s2;
	s8 =	smax.u32 s8, $0x1  }
0xf: {  	s10 =	sadd.s32 s4, s6;
	s4 =	sadd.s32 $0x1F000, s6;
	s6 =	sor.u32 $0x1C02, s30  }
0x10: {  	s7 =	sadd.s32 $0xEE000, s7;
	s11 =	sshrl.u32 s29, $0x3;
	s10 =	sadd.s32 $0xB600, s10  }
.LBB2_1:
0x11: {  	[spmem:s11], [sflag:s6] =	dma.local [hbm:s5], $0x2780  }
0x12: {  	_ =	swait.ge [sflag:s12], $0x2780  }
0x13: {  	[sflag:s12] =	ssyncset.done $0x0  }
0x14: {  	[sflag:s12] =	ssyncadd.s32 $0xFFFFD880  }
0x15: {  	s18 =	sadd.s32 $0x0, s10;
	[bflag:$0x0] =	sbarrier.arrive $0xFFFF  }
0x16: {  	[tilespmem:s3], [sflag:$0x2] =	stream.linear.gather [hbm4b:s18+s3], $0x50, $0x38;
	[tilespmem:$0x16500] =	vst v63  }
0x17: {  	_ =	swait.ge [sflag:s12], $0x50  }
0x18: {  	[sflag:s12] =	ssyncset.done $0x0  }
0x19: {  	s31 =	sadd.s32 $0x0, s9;
	[sflag:s12] =	ssyncadd.s32 $0xFFFFFFB0  }
0x1a: {  	[tilespmem:s13], [sflag:$0x2] =	stream.linear.gather [hbm4b:s31+s3], $0x50, $0x38;
	[tilespmem:$0x16500] =	vst v63  }
0x1b: {  	_ =	swait.ge [sflag:s12], $0x50  }
0x1c: {  	[sflag:s12] =	ssyncset.done $0x0  }
0x1d: {  	[sflag:s12] =	ssyncadd.s32 $0xFFFFFFB0  }
0x1e: {  	[tilespmem:s15], [sflag:$0x1] =	stream.indirect.gather [hbm4b:s4+s14], $0x80, s3, s14, $0xb8;
	[tilespmem:$0x16500] =	vst v63  }
0x1f: {  	_ =	swait.ge [sflag:s16], $0x2800  }
0x20: {  	[sflag:s16] =	ssyncset.done $0x0  }
0x21: {  	[sflag:s16] =	ssyncadd.s32 $0xFFFFD800  }
0x22: {  	[spmem:s2] =	stream.indirect.scatter.add.f32 [tilespmem:s15], [sflag:$0x2], $0x80, s13, s14, $0xb8;
	[tilespmem:$0x16500] =	vst v63  }
0x23: {  	_ =	swait.ge [sflag:s12], $0x2800  }
0x24: {  	s19 =	simm.s32 $0x14;
	s18 =	simm.s32 $0xA;
	[sflag:s12] =	ssyncset.done $0x0  }
.LBB2_2:
0x25: {  	s20 =	sadd.s32 s18, s10  }
0x26: {  	[sflag:s12] =	ssyncadd.s32 $0xFFFFD800;
	s21 =	smov.u32 s19;
	s22 =	sadd.s32 $0xA, s19  }
0x27: {  	[tilespmem:s3], [sflag:$0x2] =	stream.linear.gather [hbm4b:s20+s3], $0x50, $0x38;
	[tilespmem:$0x16500] =	vst v63  }
0x28: {  	p0 =	sne.s32 s19, $0x9BA;
	_ =	swait.ge [sflag:s12], $0x50  }
0x29: {  	[sflag:s12] =	ssyncset.done $0x0  }
0x2a: {  	s19 =	sadd.s32 s18, s9;
	s18 =	smov.u32 s21;
	[sflag:s12] =	ssyncadd.s32 $0xFFFFFFB0  }
0x2b: {  	[tilespmem:s13], [sflag:$0x2] =	stream.linear.gather [hbm4b:s19+s3], $0x50, $0x38;
	[tilespmem:$0x16500] =	vst v63  }
0x2c: {  	_ =	swait.ge [sflag:s12], $0x50  }
0x2d: {  	[sflag:s12] =	ssyncset.done $0x0  }
0x2e: {  	[sflag:s12] =	ssyncadd.s32 $0xFFFFFFB0  }
0x2f: {  	[tilespmem:s15], [sflag:$0x1] =	stream.indirect.gather [hbm4b:s4+s14], $0x80, s3, s14, $0xb8;
	[tilespmem:$0x16500] =	vst v63  }
0x30: {  	_ =	swait.ge [sflag:s16], $0x2800  }
.Ltmp0:
0x31: {  	[sflag:s16] =	ssyncset.done $0x0;
	(pc) =	sbr.rel @p0 .LBB2_2-.Ltmp0, $4  }
0x32: {  	[sflag:s16] =	ssyncadd.s32 $0xFFFFD800  }
0x33: {  	[spmem:s2] =	stream.indirect.scatter.add.f32 [tilespmem:s15], [sflag:$0x2], $0x80, s13, s14, $0xb8;
	[tilespmem:$0x16500] =	vst v63  }
0x34: {  	_ =	swait.ge [sflag:s12], $0x2800  }
0x35: {  	s19 =	smov.u32 s22;
	[sflag:s12] =	ssyncset.done $0x0  }
0x36: {  	s19 =	sadd.s32 s18, s10;
	[sflag:s12] =	ssyncadd.s32 $0xFFFFD800  }
0x37: {  	[tilespmem:s3], [sflag:$0x2] =	stream.linear.gather [hbm4b:s19+s3], $0x50, $0x38;
	[tilespmem:$0x16500] =	vst v63  }
0x38: {  	_ =	swait.ge [sflag:s12], $0x50  }
0x39: {  	[sflag:s12] =	ssyncset.done $0x0  }
0x3a: {  	s31 =	sadd.s32 s18, s9;
	[sflag:s12] =	ssyncadd.s32 $0xFFFFFFB0  }
0x3b: {  	[tilespmem:s13], [sflag:$0x2] =	stream.linear.gather [hbm4b:s31+s3], $0x50, $0x38;
	[tilespmem:$0x16500] =	vst v63  }
0x3c: {  	_ =	swait.ge [sflag:s12], $0x50  }
0x3d: {  	[sflag:s12] =	ssyncset.done $0x0  }
0x3e: {  	[sflag:s12] =	ssyncadd.s32 $0xFFFFFFB0  }
0x3f: {  	[tilespmem:s15], [sflag:$0x1] =	stream.indirect.gather [hbm4b:s4+s14], $0x80, s3, s14, $0xb8;
	[tilespmem:$0x16500] =	vst v63  }
0x40: {  	_ =	swait.ge [sflag:s16], $0x2800  }
0x41: {  	[sflag:s16] =	ssyncset.done $0x0  }
0x42: {  	[sflag:s16] =	ssyncadd.s32 $0xFFFFD800  }
0x43: {  	[spmem:s2] =	stream.indirect.scatter.add.f32 [tilespmem:s15], [sflag:$0x2], $0x80, s13, s14, $0xb8;
	[tilespmem:$0x16500] =	vst v63  }
0x44: {  	_ =	swait.ge [sflag:s12], $0x2800  }
0x45: {  	s17 =	sadd.s32 $0x1, s17;
	[sflag:s12] =	ssyncset.done $0x0  }
0x46: {  	p0 =	sne.s32 s17, s8;
	[sflag:s12] =	ssyncadd.s32 $0xFFFFD800  }
.Ltmp1:
0x47: {  	[bflag:$0x0] =	sbarrier.arrive $0xFFFF;
	(pc) =	sbr.rel @p0 .LBB2_1-.Ltmp1, $4  }
0x48: {  	[hbm:s7], [sflag:s6] =	dma.local [spmem:s11], $0x2780  }
0x49: {  	_ =	swait.ge [sflag:s12], $0x2780  }
0x4a: {  	[sflag:s12] =	ssyncset.done $0x0  }
0x4b: {  	[sflag:s12] =	ssyncadd.s32 $0xFFFFD880  }
0x4c: {  	_ =	sfence.sel $0x180000  }
0x4d: {  	[bflag:$0x0] =	sbarrier.arrive $0xFFFF  }
0x4e: {  	p0 =	sne.s32 s0, $0x0;
	_ =	strace $0x9000004A  }
0x4f: {  	s0 =	sadd.s32 @!p0 $0x100000, s1;
	[bflag:$0x2] =	sbarrier.arrive $0xFFFF  }
0x50: {  	[sflag:s0] =	ssyncadd.tile.s32 @!p0 $0x1;
	_ =	shalt  }
.Lfunc_end2:
_tile_overlayer_lowered:
.L_overlay_start_2:
0x51: {  	(tag) =	ssettag $0x2  }
0x52: {  	s0 =	rddreg [dreg:$0x0];
	s2 =	stileid.u32  }
0x53: {  	s1 =	rddreg [dreg:$0x1];
	p0 =	sne.s32 s2, $0x0  }
0x54: {  	s3 =	rddreg [dreg:$0x2];
	[bflag:$0x3] =	sbarrier.arrive $0xFFFF;
	s2 =	simm.s32 @!p0 $0x1C02  }
0x55: {  	[timem:s3], [sflag:s2] =	dma.local @!p0 [hbm:s0], s1  }
0x56: {  	s0 =	simm.s32 @!p0 $0x2  }
0x57: {  	_ =	swait.ge @!p0 [sflag:s0], s1  }
0x58: {  	s1 =	ssub.s32 @!p0 $0x0, s1;
	[sflag:s0] =	ssyncset.done @!p0 $0x0  }
0x59: {  	[sflag:s0] =	ssyncadd.s32 @!p0 s1  }
0x5a: {  	[bflag:$0x3] =	sbarrier.arrive $0xFFFF  }
0x5b: {  	_ =	shalt  }

// kernel: kernel.31.cloned.1.call-start
scs
__scs_entry_jumppad:
0x0: {  	(pc) =	sbr.rel $0x88, $3  }
0x1: {  	(tag) =	ssettag $0x0;
	lr =	simm.s32 $0x1  }
0x2: {  	[smem:$0x3F93] =	sst lr;
	_ =	strace $0xD0000000  }
0x3: {  	_ = 	snop  }
0x4: {  	_ = 	snop  }
0x5: {  	_ = 	snop  }
0x6: {  	_ = 	snop  }
0x7: {  	_ = 	snop  }
__scs_overlays_trampoline_lowered:
0x8: {  	[smem:$0x3FA2] =	sst s0  }
0x9: {  	[smem:$0x3FA3] =	sst s1  }
0xa: {  	[smem:$0x3FA4] =	sst s2  }
0xb: {  	[smem:$0x3FA5] =	sst s3  }
0xc: {  	[smem:$0x3FA6] =	sst s4  }
0xd: {  	[smem:$0x3FA7] =	sst s5  }
0xe: {  	[smem:$0x3FA8] =	sst s6  }
0xf: {  	[smem:$0x3FA9] =	sst s7  }
0x10: {  	[smem:$0x3FAA] =	sst s8  }
0x11: {  	[smem:$0x3FAB] =	sst s9;
	s0 =	simm.s32 @!p0 $0x0  }
0x12: {  	s1 =	sld [smem:$0x3F91];
	s0 =	simm.s32 @p0 $0x1  }
0x13: {  	[smem:$0x3FAC] =	sst s0;
	s0 =	simm.s32 @!p1 $0x0  }
0x14: {  	s2 =	sld [smem:$0x3F90];
	s0 =	simm.s32 @p1 $0x1  }
0x15: {  	[smem:$0x3FAD] =	sst s0;
	s0 =	simm.s32 @!p2 $0x0  }
0x16: {  	s3 =	sld [smem:$0x3FDB];
	s0 =	simm.s32 @p2 $0x1  }
0x17: {  	s4 =	simm.s32 $0x1BF5;
	[smem:$0x3FAF] =	sst s0  }
0x18: {  	s0 =	sld [smem:$0x3F92];
	_ =	swait.ge [sflag:s4], $0x0  }
0x19: {  	s7 =	sld [smem:$0x3F93]  }
0x1a: {  	s8 =	sadd.s32 $0xFFFFE003, lr  }
0x1b: {  	s9 =	sadd.s32 $0xFFFFFEF7, lr;
	s5 =	simm.s32 $0xFFFFFFFF;
	p2 =	slt.u32 s8, $0xFFFFF086  }
0x1c: {  	p1 =	slt.u32 s9, $0xF7A;
	s5 =	simm.s32 @!p2 $0x0  }
0x1d: {  	s5 =	simm.s32 @p1 $0x1;
	p0 =	seq.s32 s7, s2  }
0x1e: {  	s7 =	smul.u32 @!p0 $0xF7A, s2;
	p2 =	seq.s32 @!p0 s5, $0x0  }
0x1f: {  	s9 =	smul.u32 $0xF7A, s1;
	s8 =	simm.s32 @!p0 $0x1BF5;
	p2 =	por !p2, p0  }
0x20: {  	[sflag:s8] =	ssyncset.s32 @!p0 $0xFFFFF086;
	s6 =	sadd.s32 @!p0 s3, s7;
	s7 =	simm.s32 @!p0 $0x108  }
0x21: {  	s3 =	sadd.s32 s3, s9;
	s6 =	sadd.s32 @!p0 $0x88, s6;
	s7 =	simm.s32 @p2 $0x1082  }
0x22: {  	[simem:s7], [sflag:s8] =	dma.local @!p0 [hbm:s6], $0xF7A  }
0x23: {  	s9 =	sor.u32 $0xD0000000, s2;
	s6 =	simm.s32 $0x108;
	_ =	swait.ge @!p0 [sflag:s8], $0x0  }
0x24: {  	s3 =	sadd.s32 $0x88, s3;
	s6 =	simm.s32 @!p1 $0x1082;
	[sflag:s4] =	ssyncset.s32 $0xFFFFF086  }
0x25: {  	[simem:s6], [sflag:s4] =	dma.local [hbm:s3], $0xF7A  }
0x26: {  	[smem:$0x3F93] =	sst s1;
	(tag) =	ssettag s2;
	_ =	strace s9  }
0x27: {  	s1 =	sld [smem:$0x3FA3]  }
0x28: {  	s2 =	sld [smem:$0x3FA4]  }
0x29: {  	s4 =	sld [smem:$0x3FA6]  }
0x2a: {  	p0 =	seq.s32 s5, $0x0;
	s5 =	sld [smem:$0x3FA7]  }
0x2b: {  	s6 =	sld [smem:$0x3FA8]  }
0x2c: {  	s7 =	sld [smem:$0x3FA9]  }
0x2d: {  	s3 =	simm.s32 $0x108;
	s8 =	sld [smem:$0x3FAA]  }
0x2e: {  	s3 =	simm.s32 @!p0 $0x1082;
	s9 =	sld [smem:$0x3FAB]  }
0x2f: {  	lr =	sadd.s32 s0, s3;
	s0 =	sld [smem:$0x3FA2]  }
0x30: {  	s3 =	sld [smem:$0x3FA5]  }
0x31: {  	[smem:$0x3FAE] =	sst s10  }
0x32: {  	s10 =	sld [smem:$0x3FAC];
	_ =	sdelay $0x3  }
0x33: {  	p0 =	seq.s32 s10, $0x1;
	s10 =	sld [smem:$0x3FAE];
	_ =	sdelay $0x3  }
0x34: {  	[smem:$0x3FAE] =	sst s10  }
0x35: {  	s10 =	sld [smem:$0x3FAD];
	_ =	sdelay $0x3  }
0x36: {  	p1 =	seq.s32 s10, $0x1;
	s10 =	sld [smem:$0x3FAE];
	_ =	sdelay $0x3  }
0x37: {  	[smem:$0x3FAE] =	sst s10  }
0x38: {  	s10 =	sld [smem:$0x3FAF]  }
0x39: {  	_ = 	snop;
	(pc) =	sbr.ind lr, $3  }
0x3a: {  	_ = 	snop  }
0x3b: {  	_ = 	snop  }
0x3c: {  	p2 =	seq.s32 s10, $0x1;
	s10 =	sld [smem:$0x3FAE]  }
0x3d: {  	_ =	shalt  }
0x3e: {  	_ =	shalt  }
0x3f: {  	_ =	shalt  }
0x40: {  	_ =	shalt  }
0x41: {  	_ =	shalt  }
0x42: {  	_ =	shalt  }
0x43: {  	_ =	shalt  }
0x44: {  	_ =	shalt  }
0x45: {  	_ =	shalt  }
0x46: {  	_ =	shalt  }
0x47: {  	_ =	shalt  }
0x48: {  	_ =	shalt  }
0x49: {  	_ =	shalt  }
0x4a: {  	_ =	shalt  }
0x4b: {  	_ =	shalt  }
0x4c: {  	_ =	shalt  }
0x4d: {  	_ =	shalt  }
0x4e: {  	_ =	shalt  }
0x4f: {  	_ =	shalt  }
0x50: {  	_ =	shalt  }
0x51: {  	_ =	shalt  }
0x52: {  	_ =	shalt  }
0x53: {  	_ =	shalt  }
0x54: {  	_ =	shalt  }
0x55: {  	_ =	shalt  }
0x56: {  	_ =	shalt  }
0x57: {  	_ =	shalt  }
0x58: {  	_ =	shalt  }
0x59: {  	_ =	shalt  }
0x5a: {  	_ =	shalt  }
0x5b: {  	_ =	shalt  }
0x5c: {  	_ =	shalt  }
0x5d: {  	_ =	shalt  }
0x5e: {  	_ =	shalt  }
0x5f: {  	_ =	shalt  }
0x60: {  	_ =	shalt  }
0x61: {  	_ =	shalt  }
0x62: {  	_ =	shalt  }
0x63: {  	_ =	shalt  }
0x64: {  	_ =	shalt  }
0x65: {  	_ =	shalt  }
0x66: {  	_ =	shalt  }
0x67: {  	_ =	shalt  }
0x68: {  	_ =	shalt  }
0x69: {  	_ =	shalt  }
0x6a: {  	_ =	shalt  }
0x6b: {  	_ =	shalt  }
0x6c: {  	_ =	shalt  }
0x6d: {  	_ =	shalt  }
0x6e: {  	_ =	shalt  }
0x6f: {  	_ =	shalt  }
0x70: {  	_ =	shalt  }
0x71: {  	_ =	shalt  }
0x72: {  	_ =	shalt  }
0x73: {  	_ =	shalt  }
0x74: {  	_ =	shalt  }
0x75: {  	_ =	shalt  }
0x76: {  	_ =	shalt  }
0x77: {  	_ =	shalt  }
0x78: {  	_ =	shalt  }
0x79: {  	_ =	shalt  }
0x7a: {  	_ =	shalt  }
0x7b: {  	_ =	shalt  }
0x7c: {  	_ =	shalt  }
0x7d: {  	_ =	shalt  }
0x7e: {  	_ =	shalt  }
0x7f: {  	_ =	shalt  }
0x80: {  	_ =	shalt  }
0x81: {  	_ =	shalt  }
0x82: {  	_ =	shalt  }
0x83: {  	_ =	shalt  }
0x84: {  	_ =	shalt  }
0x85: {  	_ =	shalt  }
0x86: {  	_ =	shalt  }
0x87: {  	_ =	shalt  }
.Lfunc_end0:
.L_simem_size_0:
called_computation.2_lowered:
.L_overlay_start_0:
0x88: {  	s2 =	sld [smem:$0x3FD9]  }
0x89: {  	s3 =	sld [smem:$0x3FFE];
	_ =	sdelay $0x1  }
0x8a: {  	s1 =	srdreg.scid  }
0x8b: {  	s0 =	sand.u32 $0x1, s1  }
0x8c: {  	s17 =	sshll.u32 s0, $0xA;
	s2 =	sadd.s32 s3, s2  }
0x8d: {  	s2 =	sadd.s32 s2, s17  }
0x8e: {  	[smem:$0x3FBA] =	sst s2  }
0x8f: {  	_ = 	snop  }
0x90: {  	s2 =	sld [smem:$0x3FD0];
	(tm) =	ssettm $0x1  }
0x91: {  	s18 =	sld [smem:$0x3FFB];
	_ =	sdelay $0x3  }
0x92: {  	_ =	strace s18  }
0x93: {  	s3 =	sld [smem:$0x3FFC];
	_ =	sdelay $0x3  }
0x94: {  	_ =	strace s3  }
0x95: {  	s3 =	sld [smem:$0x3FFD];
	_ =	sdelay $0x3  }
0x96: {  	_ =	strace s3  }
0x97: {  	_ =	strace $0x8FFFFFFF  }
0x98: {  	s19 =	sld [smem:$0x3FDB];
	_ =	sdelay $0x1  }
0x99: {  	s4 =	simm.s32 $_scs_section_size  }
0x9a: {  	s5 =	simm.s32 $_size__tile_overlayer_lowered;
	s6 =	simm.s32 $_tile_overlayer_lowered  }
0x9b: {  	s22 =	simm.s32 $0x1BFF;
	s21 =	sshll.u32 s6, $0x1;
	s3 =	sadd.s32 s4, s19  }
0x9c: {  	s7 =	simm.s32 $0x0;
	s20 =	sshll.u32 s5, $0x1;
	s5 =	sadd.s32 s21, s3  }
0x9d: {  	[timem:s7], [sflag:s22] =	dma.local [hbm:s5], s20  }
0x9e: {  	_ =	swait.ge [sflag:s22], s20  }
0x9f: {  	s4 =	ssub.s32 $0x0, s20;
	[sflag:s22] =	ssyncset.done $0x0  }
0xa0: {  	[sflag:s22] =	ssyncadd.s32 s4;
	_ =	sdelay $0x1  }
0xa1: {  	s23 =	simm.s32 $0x1B8B  }
0xa2: {  	_ =	swait.ge [sflag:s23], $0x1  }
0xa3: {  	[sflag:s23] =	ssyncset.done $0x0  }
0xa4: {  	s25 =	simm.s32 $0x1B8E;
	s24 =	sld [smem:$0x3FFE];
	[sflag:s23] =	ssyncadd.s32 $0xFFFFFFFF  }
0xa5: {  	s26 =	simm.s32 $execute0_lowered;
	[smem:$0x3FD2] =	sst s25  }
0xa6: {  	s5 =	sshll.u32 s26, $0x1;
	_ =	strace $0x8000004C;
	[dreg:$0x1] =	wrdreg $0xFFFFFFFF  }
0xa7: {  	s28 =	simm.s32 $_size_execute0_lowered;
	s3 =	sadd.s32 s3, s5;
	[dreg:$0x0] =	wrdreg $0x0  }
0xa8: {  	s5 =	sshll.u32 s28, $0x1;
	[dreg:$0x2] =	wrdreg s3  }
0xa9: {  	[dreg:$0x3] =	wrdreg s5  }
0xaa: {  	[dreg:$0x4] =	wrdreg $0xC0  }
0xab: {  	_ =	task [dreg:s7], $0x5FFFF  }
0xac: {  	[dreg:$0x1] =	wrdreg $0xFFFFFFFF  }
0xad: {  	[dreg:$0x0] =	wrdreg $0x60  }
0xae: {  	[dreg:$0x2] =	wrdreg s24  }
0xaf: {  	[dreg:$0x3] =	wrdreg s2  }
0xb0: {  	[dreg:$0x4] =	wrdreg $0x29000  }
0xb1: {  	[dreg:$0x5] =	wrdreg $0x9  }
0xb2: {  	_ =	task.clear_ibuf [dreg:s7], $0x6FFFF;
	_ =	strace $0x9000004C  }
0xb3: {  	s29 =	simm.s32 $0x9;
	_ =	strace $0x8000004E  }
0xb4: {  	_ =	swait.ge [sflag:s29], $0x1  }
0xb5: {  	[sflag:s29] =	ssyncadd.s32 $0xFFFFFFFF  }
0xb6: {  	_ =	strace $0x9000004E  }
0xb7: {  	_ =	sfence  }
0xb8: {  	s30 =	sld [smem:$0x0];
	_ =	sdelay $0x2  }
0xb9: {  	s31 =	sshll.u32 s1, $0xD;
	s1 =	sshrl.u32 s1, $0x2  }
0xba: {  	s3 =	sand.u32 $0x4000, s31;
	s1 =	sadd.s32 s1, s30  }
0xbb: {  	s0 =	sor.u32 s3, s0;
	s1 =	sshll.u32 s1, $0x11  }
0xbc: {  	s0 =	sor.u32 s1, s0  }
0xbd: {  	s0 =	sadd.s32 $0x8F2B, s0  }
0xbe: {  	[sflag:s0] =	ssyncadd.remote.s32 $0x1  }
0xbf: {  	_ =	sfence.sel $0xFFFF  }
0xc0: {  	[dreg:$0x0] =	wrdreg $0xFFFFFFFF;
	(pc) =	sbr.abs _section_cstart, $3  }
0xc1: {  	[dreg:$0x1] =	wrdreg $0xFFFFFFFF  }
0xc2: {  	_ =	task.clear_ibuf [dreg:s7], $0x2FFFF;
	_ =	strace $0x9FFFFFFF  }
0xc3: {  	(tm) =	ssettm $0x7FFFFFFF  }
tec
execute0_lowered:
.L_overlay_start_1:
0x0: {  	(tag) =	ssettag $0x1  }
0x1: {  	s6 =	rddreg [dreg:$0x0]  }
0x2: {  	s9 =	rddreg [dreg:$0x1]  }
0x3: {  	s2 =	rddreg [dreg:$0x2]  }
0x4: {  	s0 =	srdreg.scid;
	s1 =	rddreg [dreg:$0x3]  }
0x5: {  	s3 =	simm.s32 $0x0;
	s13 =	simm.s32 $0x80;
	s5 =	sand.u32 $0x1, s0  }
0x6: {  	s14 =	simm.s32 $0x50;
	s0 =	stileid.u32;
	s4 =	smul.u32 $0x4E200, s5  }
0x7: {  	s15 =	simm.s32 $0x100;
	s16 =	simm.s32 $0x1;
	s7 =	smul.u32 $0x4E20, s0  }
0x8: {  	s17 =	simm.s32 $0x0;
	[smem:$0x7FF] =	sst s3;
	s25 =	smul.u32 $0x2780, s0  }
0x9: {  	_ =	strace $0x8000004D;
	s8 =	smul.u32 $0x27800, s5;
	s11 =	ssub.s32 $0x2, s5  }
0xa: {  	s12 =	smul.u32 $0x4F000, s0;
	s5 =	sadd.s32 $0x94400, s6;
	s30 =	sshll.u32 s0, $0x6  }
0xb: {  	s31 =	smul.u32 $0x9C4, s0;
	s26 =	sshrl.u32 s11, $0x1;
	s4 =	sadd.s32 s7, s4  }
0xc: {  	s7 =	sadd.s32 s25, s8;
	s8 =	ssub.s32 s11, s26;
	s28 =	sshrl.u32 s12, $0x2  }
0xd: {  	s9 =	sadd.s32 s31, s9;
	s12 =	simm.s32 $0x2;
	s4 =	sshrl.u32 s4, $0x3  }
0xe: {  	s7 =	sadd.s32 s7, s6;
	s29 =	sadd.s32 s28, s2;
	s8 =	smax.u32 s8, $0x1  }
0xf: {  	s10 =	sadd.s32 s4, s6;
	s4 =	sadd.s32 $0x1F000, s6;
	s6 =	sor.u32 $0x1C02, s30  }
0x10: {  	s7 =	sadd.s32 $0xEE000, s7;
	s11 =	sshrl.u32 s29, $0x3;
	s10 =	sadd.s32 $0xB600, s10  }
.LBB2_1:
0x11: {  	[spmem:s11], [sflag:s6] =	dma.local [hbm:s5], $0x2780  }
0x12: {  	_ =	swait.ge [sflag:s12], $0x2780  }
0x13: {  	[sflag:s12] =	ssyncset.done $0x0  }
0x14: {  	[sflag:s12] =	ssyncadd.s32 $0xFFFFD880  }
0x15: {  	s18 =	sadd.s32 $0x0, s10;
	[bflag:$0x0] =	sbarrier.arrive $0xFFFF  }
0x16: {  	[tilespmem:s3], [sflag:$0x2] =	stream.linear.gather [hbm4b:s18+s3], $0x50, $0x38;
	[tilespmem:$0x16500] =	vst v63  }
0x17: {  	_ =	swait.ge [sflag:s12], $0x50  }
0x18: {  	[sflag:s12] =	ssyncset.done $0x0  }
0x19: {  	s31 =	sadd.s32 $0x0, s9;
	[sflag:s12] =	ssyncadd.s32 $0xFFFFFFB0  }
0x1a: {  	[tilespmem:s13], [sflag:$0x2] =	stream.linear.gather [hbm4b:s31+s3], $0x50, $0x38;
	[tilespmem:$0x16500] =	vst v63  }
0x1b: {  	_ =	swait.ge [sflag:s12], $0x50  }
0x1c: {  	[sflag:s12] =	ssyncset.done $0x0  }
0x1d: {  	[sflag:s12] =	ssyncadd.s32 $0xFFFFFFB0  }
0x1e: {  	[tilespmem:s15], [sflag:$0x1] =	stream.indirect.gather [hbm4b:s4+s14], $0x80, s3, s14, $0xb8;
	[tilespmem:$0x16500] =	vst v63  }
0x1f: {  	_ =	swait.ge [sflag:s16], $0x2800  }
0x20: {  	[sflag:s16] =	ssyncset.done $0x0  }
0x21: {  	[sflag:s16] =	ssyncadd.s32 $0xFFFFD800  }
0x22: {  	[spmem:s2] =	stream.indirect.scatter.add.f32 [tilespmem:s15], [sflag:$0x2], $0x80, s13, s14, $0xb8;
	[tilespmem:$0x16500] =	vst v63  }
0x23: {  	_ =	swait.ge [sflag:s12], $0x2800  }
0x24: {  	s19 =	simm.s32 $0x14;
	s18 =	simm.s32 $0xA;
	[sflag:s12] =	ssyncset.done $0x0  }
.LBB2_2:
0x25: {  	s20 =	sadd.s32 s18, s10  }
0x26: {  	[sflag:s12] =	ssyncadd.s32 $0xFFFFD800;
	s21 =	smov.u32 s19;
	s22 =	sadd.s32 $0xA, s19  }
0x27: {  	[tilespmem:s3], [sflag:$0x2] =	stream.linear.gather [hbm4b:s20+s3], $0x50, $0x38;
	[tilespmem:$0x16500] =	vst v63  }
0x28: {  	p0 =	sne.s32 s19, $0x9BA;
	_ =	swait.ge [sflag:s12], $0x50  }
0x29: {  	[sflag:s12] =	ssyncset.done $0x0  }
0x2a: {  	s19 =	sadd.s32 s18, s9;
	s18 =	smov.u32 s21;
	[sflag:s12] =	ssyncadd.s32 $0xFFFFFFB0  }
0x2b: {  	[tilespmem:s13], [sflag:$0x2] =	stream.linear.gather [hbm4b:s19+s3], $0x50, $0x38;
	[tilespmem:$0x16500] =	vst v63  }
0x2c: {  	_ =	swait.ge [sflag:s12], $0x50  }
0x2d: {  	[sflag:s12] =	ssyncset.done $0x0  }
0x2e: {  	[sflag:s12] =	ssyncadd.s32 $0xFFFFFFB0  }
0x2f: {  	[tilespmem:s15], [sflag:$0x1] =	stream.indirect.gather [hbm4b:s4+s14], $0x80, s3, s14, $0xb8;
	[tilespmem:$0x16500] =	vst v63  }
0x30: {  	_ =	swait.ge [sflag:s16], $0x2800  }
.Ltmp0:
0x31: {  	[sflag:s16] =	ssyncset.done $0x0;
	(pc) =	sbr.rel @p0 .LBB2_2-.Ltmp0, $4  }
0x32: {  	[sflag:s16] =	ssyncadd.s32 $0xFFFFD800  }
0x33: {  	[spmem:s2] =	stream.indirect.scatter.add.f32 [tilespmem:s15], [sflag:$0x2], $0x80, s13, s14, $0xb8;
	[tilespmem:$0x16500] =	vst v63  }
0x34: {  	_ =	swait.ge [sflag:s12], $0x2800  }
0x35: {  	s19 =	smov.u32 s22;
	[sflag:s12] =	ssyncset.done $0x0  }
0x36: {  	s19 =	sadd.s32 s18, s10;
	[sflag:s12] =	ssyncadd.s32 $0xFFFFD800  }
0x37: {  	[tilespmem:s3], [sflag:$0x2] =	stream.linear.gather [hbm4b:s19+s3], $0x50, $0x38;
	[tilespmem:$0x16500] =	vst v63  }
0x38: {  	_ =	swait.ge [sflag:s12], $0x50  }
0x39: {  	[sflag:s12] =	ssyncset.done $0x0  }
0x3a: {  	s31 =	sadd.s32 s18, s9;
	[sflag:s12] =	ssyncadd.s32 $0xFFFFFFB0  }
0x3b: {  	[tilespmem:s13], [sflag:$0x2] =	stream.linear.gather [hbm4b:s31+s3], $0x50, $0x38;
	[tilespmem:$0x16500] =	vst v63  }
0x3c: {  	_ =	swait.ge [sflag:s12], $0x50  }
0x3d: {  	[sflag:s12] =	ssyncset.done $0x0  }
0x3e: {  	[sflag:s12] =	ssyncadd.s32 $0xFFFFFFB0  }
0x3f: {  	[tilespmem:s15], [sflag:$0x1] =	stream.indirect.gather [hbm4b:s4+s14], $0x80, s3, s14, $0xb8;
	[tilespmem:$0x16500] =	vst v63  }
0x40: {  	_ =	swait.ge [sflag:s16], $0x2800  }
0x41: {  	[sflag:s16] =	ssyncset.done $0x0  }
0x42: {  	[sflag:s16] =	ssyncadd.s32 $0xFFFFD800  }
0x43: {  	[spmem:s2] =	stream.indirect.scatter.add.f32 [tilespmem:s15], [sflag:$0x2], $0x80, s13, s14, $0xb8;
	[tilespmem:$0x16500] =	vst v63  }
0x44: {  	_ =	swait.ge [sflag:s12], $0x2800  }
0x45: {  	s17 =	sadd.s32 $0x1, s17;
	[sflag:s12] =	ssyncset.done $0x0  }
0x46: {  	p0 =	sne.s32 s17, s8;
	[sflag:s12] =	ssyncadd.s32 $0xFFFFD800  }
.Ltmp1:
0x47: {  	[bflag:$0x0] =	sbarrier.arrive $0xFFFF;
	(pc) =	sbr.rel @p0 .LBB2_1-.Ltmp1, $4  }
0x48: {  	[hbm:s7], [sflag:s6] =	dma.local [spmem:s11], $0x2780  }
0x49: {  	_ =	swait.ge [sflag:s12], $0x2780  }
0x4a: {  	[sflag:s12] =	ssyncset.done $0x0  }
0x4b: {  	[sflag:s12] =	ssyncadd.s32 $0xFFFFD880  }
0x4c: {  	_ =	sfence.sel $0x180000  }
0x4d: {  	[bflag:$0x0] =	sbarrier.arrive $0xFFFF  }
0x4e: {  	p0 =	sne.s32 s0, $0x0;
	_ =	strace $0x9000004D  }
0x4f: {  	s0 =	sadd.s32 @!p0 $0x100000, s1;
	[bflag:$0x2] =	sbarrier.arrive $0xFFFF  }
0x50: {  	[sflag:s0] =	ssyncadd.tile.s32 @!p0 $0x1;
	_ =	shalt  }
.Lfunc_end2:
_tile_overlayer_lowered:
.L_overlay_start_2:
0x51: {  	(tag) =	ssettag $0x2  }
0x52: {  	s0 =	rddreg [dreg:$0x0];
	s2 =	stileid.u32  }
0x53: {  	s1 =	rddreg [dreg:$0x1];
	p0 =	sne.s32 s2, $0x0  }
0x54: {  	s3 =	rddreg [dreg:$0x2];
	[bflag:$0x3] =	sbarrier.arrive $0xFFFF;
	s2 =	simm.s32 @!p0 $0x1C02  }
0x55: {  	[timem:s3], [sflag:s2] =	dma.local @!p0 [hbm:s0], s1  }
0x56: {  	s0 =	simm.s32 @!p0 $0x2  }
0x57: {  	_ =	swait.ge @!p0 [sflag:s0], s1  }
0x58: {  	s1 =	ssub.s32 @!p0 $0x0, s1;
	[sflag:s0] =	ssyncset.done @!p0 $0x0  }
0x59: {  	[sflag:s0] =	ssyncadd.s32 @!p0 s1  }
0x5a: {  	[bflag:$0x3] =	sbarrier.arrive $0xFFFF  }
0x5b: {  	_ =	shalt  }

// kernel: kernel.34.cloned.1.call-start
scs
__scs_entry_jumppad:
0x0: {  	(pc) =	sbr.rel $0x88, $3  }
0x1: {  	(tag) =	ssettag $0x0;
	lr =	simm.s32 $0x1  }
0x2: {  	[smem:$0x3F93] =	sst lr;
	_ =	strace $0xD0000000  }
0x3: {  	_ = 	snop  }
0x4: {  	_ = 	snop  }
0x5: {  	_ = 	snop  }
0x6: {  	_ = 	snop  }
0x7: {  	_ = 	snop  }
__scs_overlays_trampoline_lowered:
0x8: {  	[smem:$0x3FA2] =	sst s0  }
0x9: {  	[smem:$0x3FA3] =	sst s1  }
0xa: {  	[smem:$0x3FA4] =	sst s2  }
0xb: {  	[smem:$0x3FA5] =	sst s3  }
0xc: {  	[smem:$0x3FA6] =	sst s4  }
0xd: {  	[smem:$0x3FA7] =	sst s5  }
0xe: {  	[smem:$0x3FA8] =	sst s6  }
0xf: {  	[smem:$0x3FA9] =	sst s7  }
0x10: {  	[smem:$0x3FAA] =	sst s8  }
0x11: {  	[smem:$0x3FAB] =	sst s9;
	s0 =	simm.s32 @!p0 $0x0  }
0x12: {  	s1 =	sld [smem:$0x3F91];
	s0 =	simm.s32 @p0 $0x1  }
0x13: {  	[smem:$0x3FAC] =	sst s0;
	s0 =	simm.s32 @!p1 $0x0  }
0x14: {  	s2 =	sld [smem:$0x3F90];
	s0 =	simm.s32 @p1 $0x1  }
0x15: {  	[smem:$0x3FAD] =	sst s0;
	s0 =	simm.s32 @!p2 $0x0  }
0x16: {  	s3 =	sld [smem:$0x3FDB];
	s0 =	simm.s32 @p2 $0x1  }
0x17: {  	s4 =	simm.s32 $0x1BF5;
	[smem:$0x3FAF] =	sst s0  }
0x18: {  	s0 =	sld [smem:$0x3F92];
	_ =	swait.ge [sflag:s4], $0x0  }
0x19: {  	s7 =	sld [smem:$0x3F93]  }
0x1a: {  	s8 =	sadd.s32 $0xFFFFE003, lr  }
0x1b: {  	s9 =	sadd.s32 $0xFFFFFEF7, lr;
	s5 =	simm.s32 $0xFFFFFFFF;
	p2 =	slt.u32 s8, $0xFFFFF086  }
0x1c: {  	p1 =	slt.u32 s9, $0xF7A;
	s5 =	simm.s32 @!p2 $0x0  }
0x1d: {  	s5 =	simm.s32 @p1 $0x1;
	p0 =	seq.s32 s7, s2  }
0x1e: {  	s7 =	smul.u32 @!p0 $0xF7A, s2;
	p2 =	seq.s32 @!p0 s5, $0x0  }
0x1f: {  	s9 =	smul.u32 $0xF7A, s1;
	s8 =	simm.s32 @!p0 $0x1BF5;
	p2 =	por !p2, p0  }
0x20: {  	[sflag:s8] =	ssyncset.s32 @!p0 $0xFFFFF086;
	s6 =	sadd.s32 @!p0 s3, s7;
	s7 =	simm.s32 @!p0 $0x108  }
0x21: {  	s3 =	sadd.s32 s3, s9;
	s6 =	sadd.s32 @!p0 $0x88, s6;
	s7 =	simm.s32 @p2 $0x1082  }
0x22: {  	[simem:s7], [sflag:s8] =	dma.local @!p0 [hbm:s6], $0xF7A  }
0x23: {  	s9 =	sor.u32 $0xD0000000, s2;
	s6 =	simm.s32 $0x108;
	_ =	swait.ge @!p0 [sflag:s8], $0x0  }
0x24: {  	s3 =	sadd.s32 $0x88, s3;
	s6 =	simm.s32 @!p1 $0x1082;
	[sflag:s4] =	ssyncset.s32 $0xFFFFF086  }
0x25: {  	[simem:s6], [sflag:s4] =	dma.local [hbm:s3], $0xF7A  }
0x26: {  	[smem:$0x3F93] =	sst s1;
	(tag) =	ssettag s2;
	_ =	strace s9  }
0x27: {  	s1 =	sld [smem:$0x3FA3]  }
0x28: {  	s2 =	sld [smem:$0x3FA4]  }
0x29: {  	s4 =	sld [smem:$0x3FA6]  }
0x2a: {  	p0 =	seq.s32 s5, $0x0;
	s5 =	sld [smem:$0x3FA7]  }
0x2b: {  	s6 =	sld [smem:$0x3FA8]  }
0x2c: {  	s7 =	sld [smem:$0x3FA9]  }
0x2d: {  	s3 =	simm.s32 $0x108;
	s8 =	sld [smem:$0x3FAA]  }
0x2e: {  	s3 =	simm.s32 @!p0 $0x1082;
	s9 =	sld [smem:$0x3FAB]  }
0x2f: {  	lr =	sadd.s32 s0, s3;
	s0 =	sld [smem:$0x3FA2]  }
0x30: {  	s3 =	sld [smem:$0x3FA5]  }
0x31: {  	[smem:$0x3FAE] =	sst s10  }
0x32: {  	s10 =	sld [smem:$0x3FAC];
	_ =	sdelay $0x3  }
0x33: {  	p0 =	seq.s32 s10, $0x1;
	s10 =	sld [smem:$0x3FAE];
	_ =	sdelay $0x3  }
0x34: {  	[smem:$0x3FAE] =	sst s10  }
0x35: {  	s10 =	sld [smem:$0x3FAD];
	_ =	sdelay $0x3  }
0x36: {  	p1 =	seq.s32 s10, $0x1;
	s10 =	sld [smem:$0x3FAE];
	_ =	sdelay $0x3  }
0x37: {  	[smem:$0x3FAE] =	sst s10  }
0x38: {  	s10 =	sld [smem:$0x3FAF]  }
0x39: {  	_ = 	snop;
	(pc) =	sbr.ind lr, $3  }
0x3a: {  	_ = 	snop  }
0x3b: {  	_ = 	snop  }
0x3c: {  	p2 =	seq.s32 s10, $0x1;
	s10 =	sld [smem:$0x3FAE]  }
0x3d: {  	_ =	shalt  }
0x3e: {  	_ =	shalt  }
0x3f: {  	_ =	shalt  }
0x40: {  	_ =	shalt  }
0x41: {  	_ =	shalt  }
0x42: {  	_ =	shalt  }
0x43: {  	_ =	shalt  }
0x44: {  	_ =	shalt  }
0x45: {  	_ =	shalt  }
0x46: {  	_ =	shalt  }
0x47: {  	_ =	shalt  }
0x48: {  	_ =	shalt  }
0x49: {  	_ =	shalt  }
0x4a: {  	_ =	shalt  }
0x4b: {  	_ =	shalt  }
0x4c: {  	_ =	shalt  }
0x4d: {  	_ =	shalt  }
0x4e: {  	_ =	shalt  }
0x4f: {  	_ =	shalt  }
0x50: {  	_ =	shalt  }
0x51: {  	_ =	shalt  }
0x52: {  	_ =	shalt  }
0x53: {  	_ =	shalt  }
0x54: {  	_ =	shalt  }
0x55: {  	_ =	shalt  }
0x56: {  	_ =	shalt  }
0x57: {  	_ =	shalt  }
0x58: {  	_ =	shalt  }
0x59: {  	_ =	shalt  }
0x5a: {  	_ =	shalt  }
0x5b: {  	_ =	shalt  }
0x5c: {  	_ =	shalt  }
0x5d: {  	_ =	shalt  }
0x5e: {  	_ =	shalt  }
0x5f: {  	_ =	shalt  }
0x60: {  	_ =	shalt  }
0x61: {  	_ =	shalt  }
0x62: {  	_ =	shalt  }
0x63: {  	_ =	shalt  }
0x64: {  	_ =	shalt  }
0x65: {  	_ =	shalt  }
0x66: {  	_ =	shalt  }
0x67: {  	_ =	shalt  }
0x68: {  	_ =	shalt  }
0x69: {  	_ =	shalt  }
0x6a: {  	_ =	shalt  }
0x6b: {  	_ =	shalt  }
0x6c: {  	_ =	shalt  }
0x6d: {  	_ =	shalt  }
0x6e: {  	_ =	shalt  }
0x6f: {  	_ =	shalt  }
0x70: {  	_ =	shalt  }
0x71: {  	_ =	shalt  }
0x72: {  	_ =	shalt  }
0x73: {  	_ =	shalt  }
0x74: {  	_ =	shalt  }
0x75: {  	_ =	shalt  }
0x76: {  	_ =	shalt  }
0x77: {  	_ =	shalt  }
0x78: {  	_ =	shalt  }
0x79: {  	_ =	shalt  }
0x7a: {  	_ =	shalt  }
0x7b: {  	_ =	shalt  }
0x7c: {  	_ =	shalt  }
0x7d: {  	_ =	shalt  }
0x7e: {  	_ =	shalt  }
0x7f: {  	_ =	shalt  }
0x80: {  	_ =	shalt  }
0x81: {  	_ =	shalt  }
0x82: {  	_ =	shalt  }
0x83: {  	_ =	shalt  }
0x84: {  	_ =	shalt  }
0x85: {  	_ =	shalt  }
0x86: {  	_ =	shalt  }
0x87: {  	_ =	shalt  }
.Lfunc_end0:
.L_simem_size_0:
called_computation.3_lowered:
.L_overlay_start_0:
0x88: {  	s2 =	sld [smem:$0x3FD9]  }
0x89: {  	s3 =	sld [smem:$0x3FFE];
	_ =	sdelay $0x1  }
0x8a: {  	s1 =	srdreg.scid  }
0x8b: {  	s0 =	sand.u32 $0x1, s1  }
0x8c: {  	s17 =	sshll.u32 s0, $0xA;
	s2 =	sadd.s32 s3, s2  }
0x8d: {  	s2 =	sadd.s32 s2, s17  }
0x8e: {  	[smem:$0x3FBA] =	sst s2  }
0x8f: {  	_ = 	snop  }
0x90: {  	s2 =	sld [smem:$0x3FD0];
	(tm) =	ssettm $0x1  }
0x91: {  	s18 =	sld [smem:$0x3FFB];
	_ =	sdelay $0x3  }
0x92: {  	_ =	strace s18  }
0x93: {  	s3 =	sld [smem:$0x3FFC];
	_ =	sdelay $0x3  }
0x94: {  	_ =	strace s3  }
0x95: {  	s3 =	sld [smem:$0x3FFD];
	_ =	sdelay $0x3  }
0x96: {  	_ =	strace s3  }
0x97: {  	_ =	strace $0x8FFFFFFF  }
0x98: {  	s19 =	sld [smem:$0x3FDB];
	_ =	sdelay $0x1  }
0x99: {  	s4 =	simm.s32 $_scs_section_size  }
0x9a: {  	s5 =	simm.s32 $_size__tile_overlayer_lowered;
	s6 =	simm.s32 $_tile_overlayer_lowered  }
0x9b: {  	s22 =	simm.s32 $0x1BFF;
	s21 =	sshll.u32 s6, $0x1;
	s3 =	sadd.s32 s4, s19  }
0x9c: {  	s7 =	simm.s32 $0x0;
	s20 =	sshll.u32 s5, $0x1;
	s5 =	sadd.s32 s21, s3  }
0x9d: {  	[timem:s7], [sflag:s22] =	dma.local [hbm:s5], s20  }
0x9e: {  	_ =	swait.ge [sflag:s22], s20  }
0x9f: {  	s4 =	ssub.s32 $0x0, s20;
	[sflag:s22] =	ssyncset.done $0x0  }
0xa0: {  	[sflag:s22] =	ssyncadd.s32 s4;
	_ =	sdelay $0x1  }
0xa1: {  	s23 =	simm.s32 $0x1B8B  }
0xa2: {  	_ =	swait.ge [sflag:s23], $0x1  }
0xa3: {  	[sflag:s23] =	ssyncset.done $0x0  }
0xa4: {  	s25 =	simm.s32 $0x1B8E;
	s24 =	sld [smem:$0x3FFE];
	[sflag:s23] =	ssyncadd.s32 $0xFFFFFFFF  }
0xa5: {  	s26 =	simm.s32 $execute0_lowered;
	[smem:$0x3FD2] =	sst s25  }
0xa6: {  	s5 =	sshll.u32 s26, $0x1;
	_ =	strace $0x8000004F;
	[dreg:$0x1] =	wrdreg $0xFFFFFFFF  }
0xa7: {  	s28 =	simm.s32 $_size_execute0_lowered;
	s3 =	sadd.s32 s3, s5;
	[dreg:$0x0] =	wrdreg $0x0  }
0xa8: {  	s5 =	sshll.u32 s28, $0x1;
	[dreg:$0x2] =	wrdreg s3  }
0xa9: {  	[dreg:$0x3] =	wrdreg s5  }
0xaa: {  	[dreg:$0x4] =	wrdreg $0xC0  }
0xab: {  	_ =	task [dreg:s7], $0x5FFFF  }
0xac: {  	[dreg:$0x1] =	wrdreg $0xFFFFFFFF  }
0xad: {  	[dreg:$0x0] =	wrdreg $0x60  }
0xae: {  	[dreg:$0x2] =	wrdreg s24  }
0xaf: {  	[dreg:$0x3] =	wrdreg s2  }
0xb0: {  	[dreg:$0x4] =	wrdreg $0x29000  }
0xb1: {  	[dreg:$0x5] =	wrdreg $0x9  }
0xb2: {  	_ =	task.clear_ibuf [dreg:s7], $0x6FFFF;
	_ =	strace $0x9000004F  }
0xb3: {  	s29 =	simm.s32 $0x9;
	_ =	strace $0x80000051  }
0xb4: {  	_ =	swait.ge [sflag:s29], $0x1  }
0xb5: {  	[sflag:s29] =	ssyncadd.s32 $0xFFFFFFFF  }
0xb6: {  	_ =	strace $0x90000051  }
0xb7: {  	_ =	sfence  }
0xb8: {  	s30 =	sld [smem:$0x0];
	_ =	sdelay $0x2  }
0xb9: {  	s31 =	sshll.u32 s1, $0xD;
	s1 =	sshrl.u32 s1, $0x2  }
0xba: {  	s3 =	sand.u32 $0x4000, s31;
	s1 =	sadd.s32 s1, s30  }
0xbb: {  	s0 =	sor.u32 s3, s0;
	s1 =	sshll.u32 s1, $0x11  }
0xbc: {  	s0 =	sor.u32 s1, s0  }
0xbd: {  	s0 =	sadd.s32 $0x8F2B, s0  }
0xbe: {  	[sflag:s0] =	ssyncadd.remote.s32 $0x1  }
0xbf: {  	_ =	sfence.sel $0xFFFF  }
0xc0: {  	[dreg:$0x0] =	wrdreg $0xFFFFFFFF;
	(pc) =	sbr.abs _section_cstart, $3  }
0xc1: {  	[dreg:$0x1] =	wrdreg $0xFFFFFFFF  }
0xc2: {  	_ =	task.clear_ibuf [dreg:s7], $0x2FFFF;
	_ =	strace $0x9FFFFFFF  }
0xc3: {  	(tm) =	ssettm $0x7FFFFFFF  }
tec
execute0_lowered:
.L_overlay_start_1:
0x0: {  	(tag) =	ssettag $0x1  }
0x1: {  	s6 =	rddreg [dreg:$0x0]  }
0x2: {  	s9 =	rddreg [dreg:$0x1]  }
0x3: {  	s2 =	rddreg [dreg:$0x2]  }
0x4: {  	s0 =	srdreg.scid;
	s1 =	rddreg [dreg:$0x3]  }
0x5: {  	s3 =	simm.s32 $0x0;
	s13 =	simm.s32 $0x80;
	s5 =	sand.u32 $0x1, s0  }
0x6: {  	s14 =	simm.s32 $0x50;
	s0 =	stileid.u32;
	s4 =	smul.u32 $0x4E200, s5  }
0x7: {  	s15 =	simm.s32 $0x100;
	s16 =	simm.s32 $0x1;
	s7 =	smul.u32 $0x4E20, s0  }
0x8: {  	s17 =	simm.s32 $0x0;
	[smem:$0x7FF] =	sst s3;
	s25 =	smul.u32 $0x2780, s0  }
0x9: {  	_ =	strace $0x80000050;
	s8 =	smul.u32 $0x27800, s5;
	s11 =	ssub.s32 $0x2, s5  }
0xa: {  	s12 =	smul.u32 $0x4F000, s0;
	s5 =	sadd.s32 $0x94400, s6;
	s30 =	sshll.u32 s0, $0x6  }
0xb: {  	s31 =	smul.u32 $0x9C4, s0;
	s26 =	sshrl.u32 s11, $0x1;
	s4 =	sadd.s32 s7, s4  }
0xc: {  	s7 =	sadd.s32 s25, s8;
	s8 =	ssub.s32 s11, s26;
	s28 =	sshrl.u32 s12, $0x2  }
0xd: {  	s9 =	sadd.s32 s31, s9;
	s12 =	simm.s32 $0x2;
	s4 =	sshrl.u32 s4, $0x3  }
0xe: {  	s7 =	sadd.s32 s7, s6;
	s29 =	sadd.s32 s28, s2;
	s8 =	smax.u32 s8, $0x1  }
0xf: {  	s10 =	sadd.s32 s4, s6;
	s4 =	sadd.s32 $0x1F000, s6;
	s6 =	sor.u32 $0x1C02, s30  }
0x10: {  	s7 =	sadd.s32 $0xEE000, s7;
	s11 =	sshrl.u32 s29, $0x3;
	s10 =	sadd.s32 $0xB600, s10  }
.LBB2_1:
0x11: {  	[spmem:s11], [sflag:s6] =	dma.local [hbm:s5], $0x2780  }
0x12: {  	_ =	swait.ge [sflag:s12], $0x2780  }
0x13: {  	[sflag:s12] =	ssyncset.done $0x0  }
0x14: {  	[sflag:s12] =	ssyncadd.s32 $0xFFFFD880  }
0x15: {  	s18 =	sadd.s32 $0x0, s10;
	[bflag:$0x0] =	sbarrier.arrive $0xFFFF  }
0x16: {  	[tilespmem:s3], [sflag:$0x2] =	stream.linear.gather [hbm4b:s18+s3], $0x50, $0x38;
	[tilespmem:$0x16500] =	vst v63  }
0x17: {  	_ =	swait.ge [sflag:s12], $0x50  }
0x18: {  	[sflag:s12] =	ssyncset.done $0x0  }
0x19: {  	s31 =	sadd.s32 $0x0, s9;
	[sflag:s12] =	ssyncadd.s32 $0xFFFFFFB0  }
0x1a: {  	[tilespmem:s13], [sflag:$0x2] =	stream.linear.gather [hbm4b:s31+s3], $0x50, $0x38;
	[tilespmem:$0x16500] =	vst v63  }
0x1b: {  	_ =	swait.ge [sflag:s12], $0x50  }
0x1c: {  	[sflag:s12] =	ssyncset.done $0x0  }
0x1d: {  	[sflag:s12] =	ssyncadd.s32 $0xFFFFFFB0  }
0x1e: {  	[tilespmem:s15], [sflag:$0x1] =	stream.indirect.gather [hbm4b:s4+s14], $0x80, s3, s14, $0xb8;
	[tilespmem:$0x16500] =	vst v63  }
0x1f: {  	_ =	swait.ge [sflag:s16], $0x2800  }
0x20: {  	[sflag:s16] =	ssyncset.done $0x0  }
0x21: {  	[sflag:s16] =	ssyncadd.s32 $0xFFFFD800  }
0x22: {  	[spmem:s2] =	stream.indirect.scatter.add.f32 [tilespmem:s15], [sflag:$0x2], $0x80, s13, s14, $0xb8;
	[tilespmem:$0x16500] =	vst v63  }
0x23: {  	_ =	swait.ge [sflag:s12], $0x2800  }
0x24: {  	s19 =	simm.s32 $0x14;
	s18 =	simm.s32 $0xA;
	[sflag:s12] =	ssyncset.done $0x0  }
.LBB2_2:
0x25: {  	s20 =	sadd.s32 s18, s10  }
0x26: {  	[sflag:s12] =	ssyncadd.s32 $0xFFFFD800;
	s21 =	smov.u32 s19;
	s22 =	sadd.s32 $0xA, s19  }
0x27: {  	[tilespmem:s3], [sflag:$0x2] =	stream.linear.gather [hbm4b:s20+s3], $0x50, $0x38;
	[tilespmem:$0x16500] =	vst v63  }
0x28: {  	p0 =	sne.s32 s19, $0x9BA;
	_ =	swait.ge [sflag:s12], $0x50  }
0x29: {  	[sflag:s12] =	ssyncset.done $0x0  }
0x2a: {  	s19 =	sadd.s32 s18, s9;
	s18 =	smov.u32 s21;
	[sflag:s12] =	ssyncadd.s32 $0xFFFFFFB0  }
0x2b: {  	[tilespmem:s13], [sflag:$0x2] =	stream.linear.gather [hbm4b:s19+s3], $0x50, $0x38;
	[tilespmem:$0x16500] =	vst v63  }
0x2c: {  	_ =	swait.ge [sflag:s12], $0x50  }
0x2d: {  	[sflag:s12] =	ssyncset.done $0x0  }
0x2e: {  	[sflag:s12] =	ssyncadd.s32 $0xFFFFFFB0  }
0x2f: {  	[tilespmem:s15], [sflag:$0x1] =	stream.indirect.gather [hbm4b:s4+s14], $0x80, s3, s14, $0xb8;
	[tilespmem:$0x16500] =	vst v63  }
0x30: {  	_ =	swait.ge [sflag:s16], $0x2800  }
.Ltmp0:
0x31: {  	[sflag:s16] =	ssyncset.done $0x0;
	(pc) =	sbr.rel @p0 .LBB2_2-.Ltmp0, $4  }
0x32: {  	[sflag:s16] =	ssyncadd.s32 $0xFFFFD800  }
0x33: {  	[spmem:s2] =	stream.indirect.scatter.add.f32 [tilespmem:s15], [sflag:$0x2], $0x80, s13, s14, $0xb8;
	[tilespmem:$0x16500] =	vst v63  }
0x34: {  	_ =	swait.ge [sflag:s12], $0x2800  }
0x35: {  	s19 =	smov.u32 s22;
	[sflag:s12] =	ssyncset.done $0x0  }
0x36: {  	s19 =	sadd.s32 s18, s10;
	[sflag:s12] =	ssyncadd.s32 $0xFFFFD800  }
0x37: {  	[tilespmem:s3], [sflag:$0x2] =	stream.linear.gather [hbm4b:s19+s3], $0x50, $0x38;
	[tilespmem:$0x16500] =	vst v63  }
0x38: {  	_ =	swait.ge [sflag:s12], $0x50  }
0x39: {  	[sflag:s12] =	ssyncset.done $0x0  }
0x3a: {  	s31 =	sadd.s32 s18, s9;
	[sflag:s12] =	ssyncadd.s32 $0xFFFFFFB0  }
0x3b: {  	[tilespmem:s13], [sflag:$0x2] =	stream.linear.gather [hbm4b:s31+s3], $0x50, $0x38;
	[tilespmem:$0x16500] =	vst v63  }
0x3c: {  	_ =	swait.ge [sflag:s12], $0x50  }
0x3d: {  	[sflag:s12] =	ssyncset.done $0x0  }
0x3e: {  	[sflag:s12] =	ssyncadd.s32 $0xFFFFFFB0  }
0x3f: {  	[tilespmem:s15], [sflag:$0x1] =	stream.indirect.gather [hbm4b:s4+s14], $0x80, s3, s14, $0xb8;
	[tilespmem:$0x16500] =	vst v63  }
0x40: {  	_ =	swait.ge [sflag:s16], $0x2800  }
0x41: {  	[sflag:s16] =	ssyncset.done $0x0  }
0x42: {  	[sflag:s16] =	ssyncadd.s32 $0xFFFFD800  }
0x43: {  	[spmem:s2] =	stream.indirect.scatter.add.f32 [tilespmem:s15], [sflag:$0x2], $0x80, s13, s14, $0xb8;
	[tilespmem:$0x16500] =	vst v63  }
0x44: {  	_ =	swait.ge [sflag:s12], $0x2800  }
0x45: {  	s17 =	sadd.s32 $0x1, s17;
	[sflag:s12] =	ssyncset.done $0x0  }
0x46: {  	p0 =	sne.s32 s17, s8;
	[sflag:s12] =	ssyncadd.s32 $0xFFFFD800  }
.Ltmp1:
0x47: {  	[bflag:$0x0] =	sbarrier.arrive $0xFFFF;
	(pc) =	sbr.rel @p0 .LBB2_1-.Ltmp1, $4  }
0x48: {  	[hbm:s7], [sflag:s6] =	dma.local [spmem:s11], $0x2780  }
0x49: {  	_ =	swait.ge [sflag:s12], $0x2780  }
0x4a: {  	[sflag:s12] =	ssyncset.done $0x0  }
0x4b: {  	[sflag:s12] =	ssyncadd.s32 $0xFFFFD880  }
0x4c: {  	_ =	sfence.sel $0x180000  }
0x4d: {  	[bflag:$0x0] =	sbarrier.arrive $0xFFFF  }
0x4e: {  	p0 =	sne.s32 s0, $0x0;
	_ =	strace $0x90000050  }
0x4f: {  	s0 =	sadd.s32 @!p0 $0x100000, s1;
	[bflag:$0x2] =	sbarrier.arrive $0xFFFF  }
0x50: {  	[sflag:s0] =	ssyncadd.tile.s32 @!p0 $0x1;
	_ =	shalt  }
.Lfunc_end2:
_tile_overlayer_lowered:
.L_overlay_start_2:
0x51: {  	(tag) =	ssettag $0x2  }
0x52: {  	s0 =	rddreg [dreg:$0x0];
	s2 =	stileid.u32  }
0x53: {  	s1 =	rddreg [dreg:$0x1];
	p0 =	sne.s32 s2, $0x0  }
0x54: {  	s3 =	rddreg [dreg:$0x2];
	[bflag:$0x3] =	sbarrier.arrive $0xFFFF;
	s2 =	simm.s32 @!p0 $0x1C02  }
0x55: {  	[timem:s3], [sflag:s2] =	dma.local @!p0 [hbm:s0], s1  }
0x56: {  	s0 =	simm.s32 @!p0 $0x2  }
0x57: {  	_ =	swait.ge @!p0 [sflag:s0], s1  }
0x58: {  	s1 =	ssub.s32 @!p0 $0x0, s1;
	[sflag:s0] =	ssyncset.done @!p0 $0x0  }
0x59: {  	[sflag:s0] =	ssyncadd.s32 @!p0 s1  }
0x5a: {  	[bflag:$0x3] =	sbarrier.arrive $0xFFFF  }
0x5b: {  	_ =	shalt  }

// kernel: kernel.37.cloned.1.call-start
scs
__scs_entry_jumppad:
0x0: {  	(pc) =	sbr.rel $0x88, $3  }
0x1: {  	(tag) =	ssettag $0x0;
	lr =	simm.s32 $0x1  }
0x2: {  	[smem:$0x3F93] =	sst lr;
	_ =	strace $0xD0000000  }
0x3: {  	_ = 	snop  }
0x4: {  	_ = 	snop  }
0x5: {  	_ = 	snop  }
0x6: {  	_ = 	snop  }
0x7: {  	_ = 	snop  }
__scs_overlays_trampoline_lowered:
0x8: {  	[smem:$0x3FA2] =	sst s0  }
0x9: {  	[smem:$0x3FA3] =	sst s1  }
0xa: {  	[smem:$0x3FA4] =	sst s2  }
0xb: {  	[smem:$0x3FA5] =	sst s3  }
0xc: {  	[smem:$0x3FA6] =	sst s4  }
0xd: {  	[smem:$0x3FA7] =	sst s5  }
0xe: {  	[smem:$0x3FA8] =	sst s6  }
0xf: {  	[smem:$0x3FA9] =	sst s7  }
0x10: {  	[smem:$0x3FAA] =	sst s8  }
0x11: {  	[smem:$0x3FAB] =	sst s9;
	s0 =	simm.s32 @!p0 $0x0  }
0x12: {  	s1 =	sld [smem:$0x3F91];
	s0 =	simm.s32 @p0 $0x1  }
0x13: {  	[smem:$0x3FAC] =	sst s0;
	s0 =	simm.s32 @!p1 $0x0  }
0x14: {  	s2 =	sld [smem:$0x3F90];
	s0 =	simm.s32 @p1 $0x1  }
0x15: {  	[smem:$0x3FAD] =	sst s0;
	s0 =	simm.s32 @!p2 $0x0  }
0x16: {  	s3 =	sld [smem:$0x3FDB];
	s0 =	simm.s32 @p2 $0x1  }
0x17: {  	s4 =	simm.s32 $0x1BF5;
	[smem:$0x3FAF] =	sst s0  }
0x18: {  	s0 =	sld [smem:$0x3F92];
	_ =	swait.ge [sflag:s4], $0x0  }
0x19: {  	s7 =	sld [smem:$0x3F93]  }
0x1a: {  	s8 =	sadd.s32 $0xFFFFE003, lr  }
0x1b: {  	s9 =	sadd.s32 $0xFFFFFEF7, lr;
	s5 =	simm.s32 $0xFFFFFFFF;
	p2 =	slt.u32 s8, $0xFFFFF086  }
0x1c: {  	p1 =	slt.u32 s9, $0xF7A;
	s5 =	simm.s32 @!p2 $0x0  }
0x1d: {  	s5 =	simm.s32 @p1 $0x1;
	p0 =	seq.s32 s7, s2  }
0x1e: {  	s7 =	smul.u32 @!p0 $0xF7A, s2;
	p2 =	seq.s32 @!p0 s5, $0x0  }
0x1f: {  	s9 =	smul.u32 $0xF7A, s1;
	s8 =	simm.s32 @!p0 $0x1BF5;
	p2 =	por !p2, p0  }
0x20: {  	[sflag:s8] =	ssyncset.s32 @!p0 $0xFFFFF086;
	s6 =	sadd.s32 @!p0 s3, s7;
	s7 =	simm.s32 @!p0 $0x108  }
0x21: {  	s3 =	sadd.s32 s3, s9;
	s6 =	sadd.s32 @!p0 $0x88, s6;
	s7 =	simm.s32 @p2 $0x1082  }
0x22: {  	[simem:s7], [sflag:s8] =	dma.local @!p0 [hbm:s6], $0xF7A  }
0x23: {  	s9 =	sor.u32 $0xD0000000, s2;
	s6 =	simm.s32 $0x108;
	_ =	swait.ge @!p0 [sflag:s8], $0x0  }
0x24: {  	s3 =	sadd.s32 $0x88, s3;
	s6 =	simm.s32 @!p1 $0x1082;
	[sflag:s4] =	ssyncset.s32 $0xFFFFF086  }
0x25: {  	[simem:s6], [sflag:s4] =	dma.local [hbm:s3], $0xF7A  }
0x26: {  	[smem:$0x3F93] =	sst s1;
	(tag) =	ssettag s2;
	_ =	strace s9  }
0x27: {  	s1 =	sld [smem:$0x3FA3]  }
0x28: {  	s2 =	sld [smem:$0x3FA4]  }
0x29: {  	s4 =	sld [smem:$0x3FA6]  }
0x2a: {  	p0 =	seq.s32 s5, $0x0;
	s5 =	sld [smem:$0x3FA7]  }
0x2b: {  	s6 =	sld [smem:$0x3FA8]  }
0x2c: {  	s7 =	sld [smem:$0x3FA9]  }
0x2d: {  	s3 =	simm.s32 $0x108;
	s8 =	sld [smem:$0x3FAA]  }
0x2e: {  	s3 =	simm.s32 @!p0 $0x1082;
	s9 =	sld [smem:$0x3FAB]  }
0x2f: {  	lr =	sadd.s32 s0, s3;
	s0 =	sld [smem:$0x3FA2]  }
0x30: {  	s3 =	sld [smem:$0x3FA5]  }
0x31: {  	[smem:$0x3FAE] =	sst s10  }
0x32: {  	s10 =	sld [smem:$0x3FAC];
	_ =	sdelay $0x3  }
0x33: {  	p0 =	seq.s32 s10, $0x1;
	s10 =	sld [smem:$0x3FAE];
	_ =	sdelay $0x3  }
0x34: {  	[smem:$0x3FAE] =	sst s10  }
0x35: {  	s10 =	sld [smem:$0x3FAD];
	_ =	sdelay $0x3  }
0x36: {  	p1 =	seq.s32 s10, $0x1;
	s10 =	sld [smem:$0x3FAE];
	_ =	sdelay $0x3  }
0x37: {  	[smem:$0x3FAE] =	sst s10  }
0x38: {  	s10 =	sld [smem:$0x3FAF]  }
0x39: {  	_ = 	snop;
	(pc) =	sbr.ind lr, $3  }
0x3a: {  	_ = 	snop  }
0x3b: {  	_ = 	snop  }
0x3c: {  	p2 =	seq.s32 s10, $0x1;
	s10 =	sld [smem:$0x3FAE]  }
0x3d: {  	_ =	shalt  }
0x3e: {  	_ =	shalt  }
0x3f: {  	_ =	shalt  }
0x40: {  	_ =	shalt  }
0x41: {  	_ =	shalt  }
0x42: {  	_ =	shalt  }
0x43: {  	_ =	shalt  }
0x44: {  	_ =	shalt  }
0x45: {  	_ =	shalt  }
0x46: {  	_ =	shalt  }
0x47: {  	_ =	shalt  }
0x48: {  	_ =	shalt  }
0x49: {  	_ =	shalt  }
0x4a: {  	_ =	shalt  }
0x4b: {  	_ =	shalt  }
0x4c: {  	_ =	shalt  }
0x4d: {  	_ =	shalt  }
0x4e: {  	_ =	shalt  }
0x4f: {  	_ =	shalt  }
0x50: {  	_ =	shalt  }
0x51: {  	_ =	shalt  }
0x52: {  	_ =	shalt  }
0x53: {  	_ =	shalt  }
0x54: {  	_ =	shalt  }
0x55: {  	_ =	shalt  }
0x56: {  	_ =	shalt  }
0x57: {  	_ =	shalt  }
0x58: {  	_ =	shalt  }
0x59: {  	_ =	shalt  }
0x5a: {  	_ =	shalt  }
0x5b: {  	_ =	shalt  }
0x5c: {  	_ =	shalt  }
0x5d: {  	_ =	shalt  }
0x5e: {  	_ =	shalt  }
0x5f: {  	_ =	shalt  }
0x60: {  	_ =	shalt  }
0x61: {  	_ =	shalt  }
0x62: {  	_ =	shalt  }
0x63: {  	_ =	shalt  }
0x64: {  	_ =	shalt  }
0x65: {  	_ =	shalt  }
0x66: {  	_ =	shalt  }
0x67: {  	_ =	shalt  }
0x68: {  	_ =	shalt  }
0x69: {  	_ =	shalt  }
0x6a: {  	_ =	shalt  }
0x6b: {  	_ =	shalt  }
0x6c: {  	_ =	shalt  }
0x6d: {  	_ =	shalt  }
0x6e: {  	_ =	shalt  }
0x6f: {  	_ =	shalt  }
0x70: {  	_ =	shalt  }
0x71: {  	_ =	shalt  }
0x72: {  	_ =	shalt  }
0x73: {  	_ =	shalt  }
0x74: {  	_ =	shalt  }
0x75: {  	_ =	shalt  }
0x76: {  	_ =	shalt  }
0x77: {  	_ =	shalt  }
0x78: {  	_ =	shalt  }
0x79: {  	_ =	shalt  }
0x7a: {  	_ =	shalt  }
0x7b: {  	_ =	shalt  }
0x7c: {  	_ =	shalt  }
0x7d: {  	_ =	shalt  }
0x7e: {  	_ =	shalt  }
0x7f: {  	_ =	shalt  }
0x80: {  	_ =	shalt  }
0x81: {  	_ =	shalt  }
0x82: {  	_ =	shalt  }
0x83: {  	_ =	shalt  }
0x84: {  	_ =	shalt  }
0x85: {  	_ =	shalt  }
0x86: {  	_ =	shalt  }
0x87: {  	_ =	shalt  }
.Lfunc_end0:
.L_simem_size_0:
called_computation.4_lowered:
.L_overlay_start_0:
0x88: {  	s2 =	sld [smem:$0x3FD9]  }
0x89: {  	s3 =	sld [smem:$0x3FFE];
	_ =	sdelay $0x1  }
0x8a: {  	s1 =	srdreg.scid  }
0x8b: {  	s0 =	sand.u32 $0x1, s1  }
0x8c: {  	s17 =	sshll.u32 s0, $0xA;
	s2 =	sadd.s32 s3, s2  }
0x8d: {  	s2 =	sadd.s32 s2, s17  }
0x8e: {  	[smem:$0x3FBA] =	sst s2  }
0x8f: {  	_ = 	snop  }
0x90: {  	s2 =	sld [smem:$0x3FD0];
	(tm) =	ssettm $0x1  }
0x91: {  	s18 =	sld [smem:$0x3FFB];
	_ =	sdelay $0x3  }
0x92: {  	_ =	strace s18  }
0x93: {  	s3 =	sld [smem:$0x3FFC];
	_ =	sdelay $0x3  }
0x94: {  	_ =	strace s3  }
0x95: {  	s3 =	sld [smem:$0x3FFD];
	_ =	sdelay $0x3  }
0x96: {  	_ =	strace s3  }
0x97: {  	_ =	strace $0x8FFFFFFF  }
0x98: {  	s19 =	sld [smem:$0x3FDB];
	_ =	sdelay $0x1  }
0x99: {  	s4 =	simm.s32 $_scs_section_size  }
0x9a: {  	s5 =	simm.s32 $_size__tile_overlayer_lowered;
	s6 =	simm.s32 $_tile_overlayer_lowered  }
0x9b: {  	s22 =	simm.s32 $0x1BFF;
	s21 =	sshll.u32 s6, $0x1;
	s3 =	sadd.s32 s4, s19  }
0x9c: {  	s7 =	simm.s32 $0x0;
	s20 =	sshll.u32 s5, $0x1;
	s5 =	sadd.s32 s21, s3  }
0x9d: {  	[timem:s7], [sflag:s22] =	dma.local [hbm:s5], s20  }
0x9e: {  	_ =	swait.ge [sflag:s22], s20  }
0x9f: {  	s4 =	ssub.s32 $0x0, s20;
	[sflag:s22] =	ssyncset.done $0x0  }
0xa0: {  	[sflag:s22] =	ssyncadd.s32 s4;
	_ =	sdelay $0x1  }
0xa1: {  	s23 =	simm.s32 $0x1B8B  }
0xa2: {  	_ =	swait.ge [sflag:s23], $0x1  }
0xa3: {  	[sflag:s23] =	ssyncset.done $0x0  }
0xa4: {  	s25 =	simm.s32 $0x1B8E;
	s24 =	sld [smem:$0x3FFE];
	[sflag:s23] =	ssyncadd.s32 $0xFFFFFFFF  }
0xa5: {  	s26 =	simm.s32 $execute0_lowered;
	[smem:$0x3FD2] =	sst s25  }
0xa6: {  	s5 =	sshll.u32 s26, $0x1;
	_ =	strace $0x80000052;
	[dreg:$0x1] =	wrdreg $0xFFFFFFFF  }
0xa7: {  	s28 =	simm.s32 $_size_execute0_lowered;
	s3 =	sadd.s32 s3, s5;
	[dreg:$0x0] =	wrdreg $0x0  }
0xa8: {  	s5 =	sshll.u32 s28, $0x1;
	[dreg:$0x2] =	wrdreg s3  }
0xa9: {  	[dreg:$0x3] =	wrdreg s5  }
0xaa: {  	[dreg:$0x4] =	wrdreg $0xC0  }
0xab: {  	_ =	task [dreg:s7], $0x5FFFF  }
0xac: {  	[dreg:$0x1] =	wrdreg $0xFFFFFFFF  }
0xad: {  	[dreg:$0x0] =	wrdreg $0x60  }
0xae: {  	[dreg:$0x2] =	wrdreg s24  }
0xaf: {  	[dreg:$0x3] =	wrdreg s2  }
0xb0: {  	[dreg:$0x4] =	wrdreg $0x29000  }
0xb1: {  	[dreg:$0x5] =	wrdreg $0x9  }
0xb2: {  	_ =	task.clear_ibuf [dreg:s7], $0x6FFFF;
	_ =	strace $0x90000052  }
0xb3: {  	s29 =	simm.s32 $0x9;
	_ =	strace $0x80000054  }
0xb4: {  	_ =	swait.ge [sflag:s29], $0x1  }
0xb5: {  	[sflag:s29] =	ssyncadd.s32 $0xFFFFFFFF  }
0xb6: {  	_ =	strace $0x90000054  }
0xb7: {  	_ =	sfence  }
0xb8: {  	s30 =	sld [smem:$0x0];
	_ =	sdelay $0x2  }
0xb9: {  	s31 =	sshll.u32 s1, $0xD;
	s1 =	sshrl.u32 s1, $0x2  }
0xba: {  	s3 =	sand.u32 $0x4000, s31;
	s1 =	sadd.s32 s1, s30  }
0xbb: {  	s0 =	sor.u32 s3, s0;
	s1 =	sshll.u32 s1, $0x11  }
0xbc: {  	s0 =	sor.u32 s1, s0  }
0xbd: {  	s0 =	sadd.s32 $0x8F2B, s0  }
0xbe: {  	[sflag:s0] =	ssyncadd.remote.s32 $0x1  }
0xbf: {  	_ =	sfence.sel $0xFFFF  }
0xc0: {  	[dreg:$0x0] =	wrdreg $0xFFFFFFFF;
	(pc) =	sbr.abs _section_cstart, $3  }
0xc1: {  	[dreg:$0x1] =	wrdreg $0xFFFFFFFF  }
0xc2: {  	_ =	task.clear_ibuf [dreg:s7], $0x2FFFF;
	_ =	strace $0x9FFFFFFF  }
0xc3: {  	(tm) =	ssettm $0x7FFFFFFF  }
tec
execute0_lowered:
.L_overlay_start_1:
0x0: {  	(tag) =	ssettag $0x1  }
0x1: {  	s6 =	rddreg [dreg:$0x0]  }
0x2: {  	s9 =	rddreg [dreg:$0x1]  }
0x3: {  	s2 =	rddreg [dreg:$0x2]  }
0x4: {  	s0 =	srdreg.scid;
	s1 =	rddreg [dreg:$0x3]  }
0x5: {  	s3 =	simm.s32 $0x0;
	s13 =	simm.s32 $0x80;
	s5 =	sand.u32 $0x1, s0  }
0x6: {  	s14 =	simm.s32 $0x50;
	s0 =	stileid.u32;
	s4 =	smul.u32 $0x4E200, s5  }
0x7: {  	s15 =	simm.s32 $0x100;
	s16 =	simm.s32 $0x1;
	s7 =	smul.u32 $0x4E20, s0  }
0x8: {  	s17 =	simm.s32 $0x0;
	[smem:$0x7FF] =	sst s3;
	s25 =	smul.u32 $0x2780, s0  }
0x9: {  	_ =	strace $0x80000053;
	s8 =	smul.u32 $0x27800, s5;
	s11 =	ssub.s32 $0x2, s5  }
0xa: {  	s12 =	smul.u32 $0x4F000, s0;
	s5 =	sadd.s32 $0x94400, s6;
	s30 =	sshll.u32 s0, $0x6  }
0xb: {  	s31 =	smul.u32 $0x9C4, s0;
	s26 =	sshrl.u32 s11, $0x1;
	s4 =	sadd.s32 s7, s4  }
0xc: {  	s7 =	sadd.s32 s25, s8;
	s8 =	ssub.s32 s11, s26;
	s28 =	sshrl.u32 s12, $0x2  }
0xd: {  	s9 =	sadd.s32 s31, s9;
	s12 =	simm.s32 $0x2;
	s4 =	sshrl.u32 s4, $0x3  }
0xe: {  	s7 =	sadd.s32 s7, s6;
	s29 =	sadd.s32 s28, s2;
	s8 =	smax.u32 s8, $0x1  }
0xf: {  	s10 =	sadd.s32 s4, s6;
	s4 =	sadd.s32 $0x1F000, s6;
	s6 =	sor.u32 $0x1C02, s30  }
0x10: {  	s7 =	sadd.s32 $0xEE000, s7;
	s11 =	sshrl.u32 s29, $0x3;
	s10 =	sadd.s32 $0xB600, s10  }
.LBB2_1:
0x11: {  	[spmem:s11], [sflag:s6] =	dma.local [hbm:s5], $0x2780  }
0x12: {  	_ =	swait.ge [sflag:s12], $0x2780  }
0x13: {  	[sflag:s12] =	ssyncset.done $0x0  }
0x14: {  	[sflag:s12] =	ssyncadd.s32 $0xFFFFD880  }
0x15: {  	s18 =	sadd.s32 $0x0, s10;
	[bflag:$0x0] =	sbarrier.arrive $0xFFFF  }
0x16: {  	[tilespmem:s3], [sflag:$0x2] =	stream.linear.gather [hbm4b:s18+s3], $0x50, $0x38;
	[tilespmem:$0x16500] =	vst v63  }
0x17: {  	_ =	swait.ge [sflag:s12], $0x50  }
0x18: {  	[sflag:s12] =	ssyncset.done $0x0  }
0x19: {  	s31 =	sadd.s32 $0x0, s9;
	[sflag:s12] =	ssyncadd.s32 $0xFFFFFFB0  }
0x1a: {  	[tilespmem:s13], [sflag:$0x2] =	stream.linear.gather [hbm4b:s31+s3], $0x50, $0x38;
	[tilespmem:$0x16500] =	vst v63  }
0x1b: {  	_ =	swait.ge [sflag:s12], $0x50  }
0x1c: {  	[sflag:s12] =	ssyncset.done $0x0  }
0x1d: {  	[sflag:s12] =	ssyncadd.s32 $0xFFFFFFB0  }
0x1e: {  	[tilespmem:s15], [sflag:$0x1] =	stream.indirect.gather [hbm4b:s4+s14], $0x80, s3, s14, $0xb8;
	[tilespmem:$0x16500] =	vst v63  }
0x1f: {  	_ =	swait.ge [sflag:s16], $0x2800  }
0x20: {  	[sflag:s16] =	ssyncset.done $0x0  }
0x21: {  	[sflag:s16] =	ssyncadd.s32 $0xFFFFD800  }
0x22: {  	[spmem:s2] =	stream.indirect.scatter.add.f32 [tilespmem:s15], [sflag:$0x2], $0x80, s13, s14, $0xb8;
	[tilespmem:$0x16500] =	vst v63  }
0x23: {  	_ =	swait.ge [sflag:s12], $0x2800  }
0x24: {  	s19 =	simm.s32 $0x14;
	s18 =	simm.s32 $0xA;
	[sflag:s12] =	ssyncset.done $0x0  }
.LBB2_2:
0x25: {  	s20 =	sadd.s32 s18, s10  }
0x26: {  	[sflag:s12] =	ssyncadd.s32 $0xFFFFD800;
	s21 =	smov.u32 s19;
	s22 =	sadd.s32 $0xA, s19  }
0x27: {  	[tilespmem:s3], [sflag:$0x2] =	stream.linear.gather [hbm4b:s20+s3], $0x50, $0x38;
	[tilespmem:$0x16500] =	vst v63  }
0x28: {  	p0 =	sne.s32 s19, $0x9BA;
	_ =	swait.ge [sflag:s12], $0x50  }
0x29: {  	[sflag:s12] =	ssyncset.done $0x0  }
0x2a: {  	s19 =	sadd.s32 s18, s9;
	s18 =	smov.u32 s21;
	[sflag:s12] =	ssyncadd.s32 $0xFFFFFFB0  }
0x2b: {  	[tilespmem:s13], [sflag:$0x2] =	stream.linear.gather [hbm4b:s19+s3], $0x50, $0x38;
	[tilespmem:$0x16500] =	vst v63  }
0x2c: {  	_ =	swait.ge [sflag:s12], $0x50  }
0x2d: {  	[sflag:s12] =	ssyncset.done $0x0  }
0x2e: {  	[sflag:s12] =	ssyncadd.s32 $0xFFFFFFB0  }
0x2f: {  	[tilespmem:s15], [sflag:$0x1] =	stream.indirect.gather [hbm4b:s4+s14], $0x80, s3, s14, $0xb8;
	[tilespmem:$0x16500] =	vst v63  }
0x30: {  	_ =	swait.ge [sflag:s16], $0x2800  }
.Ltmp0:
0x31: {  	[sflag:s16] =	ssyncset.done $0x0;
	(pc) =	sbr.rel @p0 .LBB2_2-.Ltmp0, $4  }
0x32: {  	[sflag:s16] =	ssyncadd.s32 $0xFFFFD800  }
0x33: {  	[spmem:s2] =	stream.indirect.scatter.add.f32 [tilespmem:s15], [sflag:$0x2], $0x80, s13, s14, $0xb8;
	[tilespmem:$0x16500] =	vst v63  }
0x34: {  	_ =	swait.ge [sflag:s12], $0x2800  }
0x35: {  	s19 =	smov.u32 s22;
	[sflag:s12] =	ssyncset.done $0x0  }
0x36: {  	s19 =	sadd.s32 s18, s10;
	[sflag:s12] =	ssyncadd.s32 $0xFFFFD800  }
0x37: {  	[tilespmem:s3], [sflag:$0x2] =	stream.linear.gather [hbm4b:s19+s3], $0x50, $0x38;
	[tilespmem:$0x16500] =	vst v63  }
0x38: {  	_ =	swait.ge [sflag:s12], $0x50  }
0x39: {  	[sflag:s12] =	ssyncset.done $0x0  }
0x3a: {  	s31 =	sadd.s32 s18, s9;
	[sflag:s12] =	ssyncadd.s32 $0xFFFFFFB0  }
0x3b: {  	[tilespmem:s13], [sflag:$0x2] =	stream.linear.gather [hbm4b:s31+s3], $0x50, $0x38;
	[tilespmem:$0x16500] =	vst v63  }
0x3c: {  	_ =	swait.ge [sflag:s12], $0x50  }
0x3d: {  	[sflag:s12] =	ssyncset.done $0x0  }
0x3e: {  	[sflag:s12] =	ssyncadd.s32 $0xFFFFFFB0  }
0x3f: {  	[tilespmem:s15], [sflag:$0x1] =	stream.indirect.gather [hbm4b:s4+s14], $0x80, s3, s14, $0xb8;
	[tilespmem:$0x16500] =	vst v63  }
0x40: {  	_ =	swait.ge [sflag:s16], $0x2800  }
0x41: {  	[sflag:s16] =	ssyncset.done $0x0  }
0x42: {  	[sflag:s16] =	ssyncadd.s32 $0xFFFFD800  }
0x43: {  	[spmem:s2] =	stream.indirect.scatter.add.f32 [tilespmem:s15], [sflag:$0x2], $0x80, s13, s14, $0xb8;
	[tilespmem:$0x16500] =	vst v63  }
0x44: {  	_ =	swait.ge [sflag:s12], $0x2800  }
0x45: {  	s17 =	sadd.s32 $0x1, s17;
	[sflag:s12] =	ssyncset.done $0x0  }
0x46: {  	p0 =	sne.s32 s17, s8;
	[sflag:s12] =	ssyncadd.s32 $0xFFFFD800  }
.Ltmp1:
0x47: {  	[bflag:$0x0] =	sbarrier.arrive $0xFFFF;
	(pc) =	sbr.rel @p0 .LBB2_1-.Ltmp1, $4  }
0x48: {  	[hbm:s7], [sflag:s6] =	dma.local [spmem:s11], $0x2780  }
0x49: {  	_ =	swait.ge [sflag:s12], $0x2780  }
0x4a: {  	[sflag:s12] =	ssyncset.done $0x0  }
0x4b: {  	[sflag:s12] =	ssyncadd.s32 $0xFFFFD880  }
0x4c: {  	_ =	sfence.sel $0x180000  }
0x4d: {  	[bflag:$0x0] =	sbarrier.arrive $0xFFFF  }
0x4e: {  	p0 =	sne.s32 s0, $0x0;
	_ =	strace $0x90000053  }
0x4f: {  	s0 =	sadd.s32 @!p0 $0x100000, s1;
	[bflag:$0x2] =	sbarrier.arrive $0xFFFF  }
0x50: {  	[sflag:s0] =	ssyncadd.tile.s32 @!p0 $0x1;
	_ =	shalt  }
.Lfunc_end2:
_tile_overlayer_lowered:
.L_overlay_start_2:
0x51: {  	(tag) =	ssettag $0x2  }
0x52: {  	s0 =	rddreg [dreg:$0x0];
	s2 =	stileid.u32  }
0x53: {  	s1 =	rddreg [dreg:$0x1];
	p0 =	sne.s32 s2, $0x0  }
0x54: {  	s3 =	rddreg [dreg:$0x2];
	[bflag:$0x3] =	sbarrier.arrive $0xFFFF;
	s2 =	simm.s32 @!p0 $0x1C02  }
0x55: {  	[timem:s3], [sflag:s2] =	dma.local @!p0 [hbm:s0], s1  }
0x56: {  	s0 =	simm.s32 @!p0 $0x2  }
0x57: {  	_ =	swait.ge @!p0 [sflag:s0], s1  }
0x58: {  	s1 =	ssub.s32 @!p0 $0x0, s1;
	[sflag:s0] =	ssyncset.done @!p0 $0x0  }
0x59: {  	[sflag:s0] =	ssyncadd.s32 @!p0 s1  }
0x5a: {  	[bflag:$0x3] =	sbarrier.arrive $0xFFFF  }
0x5b: {  	_ =	shalt  }

// kernel: kernel.40.cloned.1.call-start
scs
__scs_entry_jumppad:
0x0: {  	(pc) =	sbr.rel $0x88, $3  }
0x1: {  	(tag) =	ssettag $0x0;
	lr =	simm.s32 $0x1  }
0x2: {  	[smem:$0x3F93] =	sst lr;
	_ =	strace $0xD0000000  }
0x3: {  	_ = 	snop  }
0x4: {  	_ = 	snop  }
0x5: {  	_ = 	snop  }
0x6: {  	_ = 	snop  }
0x7: {  	_ = 	snop  }
__scs_overlays_trampoline_lowered:
0x8: {  	[smem:$0x3FA2] =	sst s0  }
0x9: {  	[smem:$0x3FA3] =	sst s1  }
0xa: {  	[smem:$0x3FA4] =	sst s2  }
0xb: {  	[smem:$0x3FA5] =	sst s3  }
0xc: {  	[smem:$0x3FA6] =	sst s4  }
0xd: {  	[smem:$0x3FA7] =	sst s5  }
0xe: {  	[smem:$0x3FA8] =	sst s6  }
0xf: {  	[smem:$0x3FA9] =	sst s7  }
0x10: {  	[smem:$0x3FAA] =	sst s8  }
0x11: {  	[smem:$0x3FAB] =	sst s9;
	s0 =	simm.s32 @!p0 $0x0  }
0x12: {  	s1 =	sld [smem:$0x3F91];
	s0 =	simm.s32 @p0 $0x1  }
0x13: {  	[smem:$0x3FAC] =	sst s0;
	s0 =	simm.s32 @!p1 $0x0  }
0x14: {  	s2 =	sld [smem:$0x3F90];
	s0 =	simm.s32 @p1 $0x1  }
0x15: {  	[smem:$0x3FAD] =	sst s0;
	s0 =	simm.s32 @!p2 $0x0  }
0x16: {  	s3 =	sld [smem:$0x3FDB];
	s0 =	simm.s32 @p2 $0x1  }
0x17: {  	s4 =	simm.s32 $0x1BF5;
	[smem:$0x3FAF] =	sst s0  }
0x18: {  	s0 =	sld [smem:$0x3F92];
	_ =	swait.ge [sflag:s4], $0x0  }
0x19: {  	s7 =	sld [smem:$0x3F93]  }
0x1a: {  	s8 =	sadd.s32 $0xFFFFE003, lr  }
0x1b: {  	s9 =	sadd.s32 $0xFFFFFEF7, lr;
	s5 =	simm.s32 $0xFFFFFFFF;
	p2 =	slt.u32 s8, $0xFFFFF086  }
0x1c: {  	p1 =	slt.u32 s9, $0xF7A;
	s5 =	simm.s32 @!p2 $0x0  }
0x1d: {  	s5 =	simm.s32 @p1 $0x1;
	p0 =	seq.s32 s7, s2  }
0x1e: {  	s7 =	smul.u32 @!p0 $0xF7A, s2;
	p2 =	seq.s32 @!p0 s5, $0x0  }
0x1f: {  	s9 =	smul.u32 $0xF7A, s1;
	s8 =	simm.s32 @!p0 $0x1BF5;
	p2 =	por !p2, p0  }
0x20: {  	[sflag:s8] =	ssyncset.s32 @!p0 $0xFFFFF086;
	s6 =	sadd.s32 @!p0 s3, s7;
	s7 =	simm.s32 @!p0 $0x108  }
0x21: {  	s3 =	sadd.s32 s3, s9;
	s6 =	sadd.s32 @!p0 $0x88, s6;
	s7 =	simm.s32 @p2 $0x1082  }
0x22: {  	[simem:s7], [sflag:s8] =	dma.local @!p0 [hbm:s6], $0xF7A  }
0x23: {  	s9 =	sor.u32 $0xD0000000, s2;
	s6 =	simm.s32 $0x108;
	_ =	swait.ge @!p0 [sflag:s8], $0x0  }
0x24: {  	s3 =	sadd.s32 $0x88, s3;
	s6 =	simm.s32 @!p1 $0x1082;
	[sflag:s4] =	ssyncset.s32 $0xFFFFF086  }
0x25: {  	[simem:s6], [sflag:s4] =	dma.local [hbm:s3], $0xF7A  }
0x26: {  	[smem:$0x3F93] =	sst s1;
	(tag) =	ssettag s2;
	_ =	strace s9  }
0x27: {  	s1 =	sld [smem:$0x3FA3]  }
0x28: {  	s2 =	sld [smem:$0x3FA4]  }
0x29: {  	s4 =	sld [smem:$0x3FA6]  }
0x2a: {  	p0 =	seq.s32 s5, $0x0;
	s5 =	sld [smem:$0x3FA7]  }
0x2b: {  	s6 =	sld [smem:$0x3FA8]  }
0x2c: {  	s7 =	sld [smem:$0x3FA9]  }
0x2d: {  	s3 =	simm.s32 $0x108;
	s8 =	sld [smem:$0x3FAA]  }
0x2e: {  	s3 =	simm.s32 @!p0 $0x1082;
	s9 =	sld [smem:$0x3FAB]  }
0x2f: {  	lr =	sadd.s32 s0, s3;
	s0 =	sld [smem:$0x3FA2]  }
0x30: {  	s3 =	sld [smem:$0x3FA5]  }
0x31: {  	[smem:$0x3FAE] =	sst s10  }
0x32: {  	s10 =	sld [smem:$0x3FAC];
	_ =	sdelay $0x3  }
0x33: {  	p0 =	seq.s32 s10, $0x1;
	s10 =	sld [smem:$0x3FAE];
	_ =	sdelay $0x3  }
0x34: {  	[smem:$0x3FAE] =	sst s10  }
0x35: {  	s10 =	sld [smem:$0x3FAD];
	_ =	sdelay $0x3  }
0x36: {  	p1 =	seq.s32 s10, $0x1;
	s10 =	sld [smem:$0x3FAE];
	_ =	sdelay $0x3  }
0x37: {  	[smem:$0x3FAE] =	sst s10  }
0x38: {  	s10 =	sld [smem:$0x3FAF]  }
0x39: {  	_ = 	snop;
	(pc) =	sbr.ind lr, $3  }
0x3a: {  	_ = 	snop  }
0x3b: {  	_ = 	snop  }
0x3c: {  	p2 =	seq.s32 s10, $0x1;
	s10 =	sld [smem:$0x3FAE]  }
0x3d: {  	_ =	shalt  }
0x3e: {  	_ =	shalt  }
0x3f: {  	_ =	shalt  }
0x40: {  	_ =	shalt  }
0x41: {  	_ =	shalt  }
0x42: {  	_ =	shalt  }
0x43: {  	_ =	shalt  }
0x44: {  	_ =	shalt  }
0x45: {  	_ =	shalt  }
0x46: {  	_ =	shalt  }
0x47: {  	_ =	shalt  }
0x48: {  	_ =	shalt  }
0x49: {  	_ =	shalt  }
0x4a: {  	_ =	shalt  }
0x4b: {  	_ =	shalt  }
0x4c: {  	_ =	shalt  }
0x4d: {  	_ =	shalt  }
0x4e: {  	_ =	shalt  }
0x4f: {  	_ =	shalt  }
0x50: {  	_ =	shalt  }
0x51: {  	_ =	shalt  }
0x52: {  	_ =	shalt  }
0x53: {  	_ =	shalt  }
0x54: {  	_ =	shalt  }
0x55: {  	_ =	shalt  }
0x56: {  	_ =	shalt  }
0x57: {  	_ =	shalt  }
0x58: {  	_ =	shalt  }
0x59: {  	_ =	shalt  }
0x5a: {  	_ =	shalt  }
0x5b: {  	_ =	shalt  }
0x5c: {  	_ =	shalt  }
0x5d: {  	_ =	shalt  }
0x5e: {  	_ =	shalt  }
0x5f: {  	_ =	shalt  }
0x60: {  	_ =	shalt  }
0x61: {  	_ =	shalt  }
0x62: {  	_ =	shalt  }
0x63: {  	_ =	shalt  }
0x64: {  	_ =	shalt  }
0x65: {  	_ =	shalt  }
0x66: {  	_ =	shalt  }
0x67: {  	_ =	shalt  }
0x68: {  	_ =	shalt  }
0x69: {  	_ =	shalt  }
0x6a: {  	_ =	shalt  }
0x6b: {  	_ =	shalt  }
0x6c: {  	_ =	shalt  }
0x6d: {  	_ =	shalt  }
0x6e: {  	_ =	shalt  }
0x6f: {  	_ =	shalt  }
0x70: {  	_ =	shalt  }
0x71: {  	_ =	shalt  }
0x72: {  	_ =	shalt  }
0x73: {  	_ =	shalt  }
0x74: {  	_ =	shalt  }
0x75: {  	_ =	shalt  }
0x76: {  	_ =	shalt  }
0x77: {  	_ =	shalt  }
0x78: {  	_ =	shalt  }
0x79: {  	_ =	shalt  }
0x7a: {  	_ =	shalt  }
0x7b: {  	_ =	shalt  }
0x7c: {  	_ =	shalt  }
0x7d: {  	_ =	shalt  }
0x7e: {  	_ =	shalt  }
0x7f: {  	_ =	shalt  }
0x80: {  	_ =	shalt  }
0x81: {  	_ =	shalt  }
0x82: {  	_ =	shalt  }
0x83: {  	_ =	shalt  }
0x84: {  	_ =	shalt  }
0x85: {  	_ =	shalt  }
0x86: {  	_ =	shalt  }
0x87: {  	_ =	shalt  }
.Lfunc_end0:
.L_simem_size_0:
called_computation.5_lowered:
.L_overlay_start_0:
0x88: {  	s2 =	sld [smem:$0x3FD9]  }
0x89: {  	s3 =	sld [smem:$0x3FFE];
	_ =	sdelay $0x1  }
0x8a: {  	s1 =	srdreg.scid  }
0x8b: {  	s0 =	sand.u32 $0x1, s1  }
0x8c: {  	s17 =	sshll.u32 s0, $0xA;
	s2 =	sadd.s32 s3, s2  }
0x8d: {  	s2 =	sadd.s32 s2, s17  }
0x8e: {  	[smem:$0x3FBA] =	sst s2  }
0x8f: {  	_ = 	snop  }
0x90: {  	s2 =	sld [smem:$0x3FD0];
	(tm) =	ssettm $0x1  }
0x91: {  	s18 =	sld [smem:$0x3FFB];
	_ =	sdelay $0x3  }
0x92: {  	_ =	strace s18  }
0x93: {  	s3 =	sld [smem:$0x3FFC];
	_ =	sdelay $0x3  }
0x94: {  	_ =	strace s3  }
0x95: {  	s3 =	sld [smem:$0x3FFD];
	_ =	sdelay $0x3  }
0x96: {  	_ =	strace s3  }
0x97: {  	_ =	strace $0x8FFFFFFF  }
0x98: {  	s19 =	sld [smem:$0x3FDB];
	_ =	sdelay $0x1  }
0x99: {  	s4 =	simm.s32 $_scs_section_size  }
0x9a: {  	s5 =	simm.s32 $_size__tile_overlayer_lowered;
	s6 =	simm.s32 $_tile_overlayer_lowered  }
0x9b: {  	s22 =	simm.s32 $0x1BFF;
	s21 =	sshll.u32 s6, $0x1;
	s3 =	sadd.s32 s4, s19  }
0x9c: {  	s7 =	simm.s32 $0x0;
	s20 =	sshll.u32 s5, $0x1;
	s5 =	sadd.s32 s21, s3  }
0x9d: {  	[timem:s7], [sflag:s22] =	dma.local [hbm:s5], s20  }
0x9e: {  	_ =	swait.ge [sflag:s22], s20  }
0x9f: {  	s4 =	ssub.s32 $0x0, s20;
	[sflag:s22] =	ssyncset.done $0x0  }
0xa0: {  	[sflag:s22] =	ssyncadd.s32 s4;
	_ =	sdelay $0x1  }
0xa1: {  	s23 =	simm.s32 $0x1B8B  }
0xa2: {  	_ =	swait.ge [sflag:s23], $0x1  }
0xa3: {  	[sflag:s23] =	ssyncset.done $0x0  }
0xa4: {  	s25 =	simm.s32 $0x1B8E;
	s24 =	sld [smem:$0x3FFE];
	[sflag:s23] =	ssyncadd.s32 $0xFFFFFFFF  }
0xa5: {  	s26 =	simm.s32 $execute0_lowered;
	[smem:$0x3FD2] =	sst s25  }
0xa6: {  	s5 =	sshll.u32 s26, $0x1;
	_ =	strace $0x80000055;
	[dreg:$0x1] =	wrdreg $0xFFFFFFFF  }
0xa7: {  	s28 =	simm.s32 $_size_execute0_lowered;
	s3 =	sadd.s32 s3, s5;
	[dreg:$0x0] =	wrdreg $0x0  }
0xa8: {  	s5 =	sshll.u32 s28, $0x1;
	[dreg:$0x2] =	wrdreg s3  }
0xa9: {  	[dreg:$0x3] =	wrdreg s5  }
0xaa: {  	[dreg:$0x4] =	wrdreg $0xC0  }
0xab: {  	_ =	task [dreg:s7], $0x5FFFF  }
0xac: {  	[dreg:$0x1] =	wrdreg $0xFFFFFFFF  }
0xad: {  	[dreg:$0x0] =	wrdreg $0x60  }
0xae: {  	[dreg:$0x2] =	wrdreg s24  }
0xaf: {  	[dreg:$0x3] =	wrdreg s2  }
0xb0: {  	[dreg:$0x4] =	wrdreg $0x29000  }
0xb1: {  	[dreg:$0x5] =	wrdreg $0x9  }
0xb2: {  	_ =	task.clear_ibuf [dreg:s7], $0x6FFFF;
	_ =	strace $0x90000055  }
0xb3: {  	s29 =	simm.s32 $0x9;
	_ =	strace $0x80000057  }
0xb4: {  	_ =	swait.ge [sflag:s29], $0x1  }
0xb5: {  	[sflag:s29] =	ssyncadd.s32 $0xFFFFFFFF  }
0xb6: {  	_ =	strace $0x90000057  }
0xb7: {  	_ =	sfence  }
0xb8: {  	s30 =	sld [smem:$0x0];
	_ =	sdelay $0x2  }
0xb9: {  	s31 =	sshll.u32 s1, $0xD;
	s1 =	sshrl.u32 s1, $0x2  }
0xba: {  	s3 =	sand.u32 $0x4000, s31;
	s1 =	sadd.s32 s1, s30  }
0xbb: {  	s0 =	sor.u32 s3, s0;
	s1 =	sshll.u32 s1, $0x11  }
0xbc: {  	s0 =	sor.u32 s1, s0  }
0xbd: {  	s0 =	sadd.s32 $0x8F2B, s0  }
0xbe: {  	[sflag:s0] =	ssyncadd.remote.s32 $0x1  }
0xbf: {  	_ =	sfence.sel $0xFFFF  }
0xc0: {  	[dreg:$0x0] =	wrdreg $0xFFFFFFFF;
	(pc) =	sbr.abs _section_cstart, $3  }
0xc1: {  	[dreg:$0x1] =	wrdreg $0xFFFFFFFF  }
0xc2: {  	_ =	task.clear_ibuf [dreg:s7], $0x2FFFF;
	_ =	strace $0x9FFFFFFF  }
0xc3: {  	(tm) =	ssettm $0x7FFFFFFF  }
tec
execute0_lowered:
.L_overlay_start_1:
0x0: {  	(tag) =	ssettag $0x1  }
0x1: {  	s6 =	rddreg [dreg:$0x0]  }
0x2: {  	s9 =	rddreg [dreg:$0x1]  }
0x3: {  	s2 =	rddreg [dreg:$0x2]  }
0x4: {  	s0 =	srdreg.scid;
	s1 =	rddreg [dreg:$0x3]  }
0x5: {  	s3 =	simm.s32 $0x0;
	s13 =	simm.s32 $0x80;
	s5 =	sand.u32 $0x1, s0  }
0x6: {  	s14 =	simm.s32 $0x50;
	s0 =	stileid.u32;
	s4 =	smul.u32 $0x4E200, s5  }
0x7: {  	s15 =	simm.s32 $0x100;
	s16 =	simm.s32 $0x1;
	s7 =	smul.u32 $0x4E20, s0  }
0x8: {  	s17 =	simm.s32 $0x0;
	[smem:$0x7FF] =	sst s3;
	s25 =	smul.u32 $0x2780, s0  }
0x9: {  	_ =	strace $0x80000056;
	s8 =	smul.u32 $0x27800, s5;
	s11 =	ssub.s32 $0x2, s5  }
0xa: {  	s12 =	smul.u32 $0x4F000, s0;
	s5 =	sadd.s32 $0x94400, s6;
	s30 =	sshll.u32 s0, $0x6  }
0xb: {  	s31 =	smul.u32 $0x9C4, s0;
	s26 =	sshrl.u32 s11, $0x1;
	s4 =	sadd.s32 s7, s4  }
0xc: {  	s7 =	sadd.s32 s25, s8;
	s8 =	ssub.s32 s11, s26;
	s28 =	sshrl.u32 s12, $0x2  }
0xd: {  	s9 =	sadd.s32 s31, s9;
	s12 =	simm.s32 $0x2;
	s4 =	sshrl.u32 s4, $0x3  }
0xe: {  	s7 =	sadd.s32 s7, s6;
	s29 =	sadd.s32 s28, s2;
	s8 =	smax.u32 s8, $0x1  }
0xf: {  	s10 =	sadd.s32 s4, s6;
	s4 =	sadd.s32 $0x1F000, s6;
	s6 =	sor.u32 $0x1C02, s30  }
0x10: {  	s7 =	sadd.s32 $0xEE000, s7;
	s11 =	sshrl.u32 s29, $0x3;
	s10 =	sadd.s32 $0xB600, s10  }
.LBB2_1:
0x11: {  	[spmem:s11], [sflag:s6] =	dma.local [hbm:s5], $0x2780  }
0x12: {  	_ =	swait.ge [sflag:s12], $0x2780  }
0x13: {  	[sflag:s12] =	ssyncset.done $0x0  }
0x14: {  	[sflag:s12] =	ssyncadd.s32 $0xFFFFD880  }
0x15: {  	s18 =	sadd.s32 $0x0, s10;
	[bflag:$0x0] =	sbarrier.arrive $0xFFFF  }
0x16: {  	[tilespmem:s3], [sflag:$0x2] =	stream.linear.gather [hbm4b:s18+s3], $0x50, $0x38;
	[tilespmem:$0x16500] =	vst v63  }
0x17: {  	_ =	swait.ge [sflag:s12], $0x50  }
0x18: {  	[sflag:s12] =	ssyncset.done $0x0  }
0x19: {  	s31 =	sadd.s32 $0x0, s9;
	[sflag:s12] =	ssyncadd.s32 $0xFFFFFFB0  }
0x1a: {  	[tilespmem:s13], [sflag:$0x2] =	stream.linear.gather [hbm4b:s31+s3], $0x50, $0x38;
	[tilespmem:$0x16500] =	vst v63  }
0x1b: {  	_ =	swait.ge [sflag:s12], $0x50  }
0x1c: {  	[sflag:s12] =	ssyncset.done $0x0  }
0x1d: {  	[sflag:s12] =	ssyncadd.s32 $0xFFFFFFB0  }
0x1e: {  	[tilespmem:s15], [sflag:$0x1] =	stream.indirect.gather [hbm4b:s4+s14], $0x80, s3, s14, $0xb8;
	[tilespmem:$0x16500] =	vst v63  }
0x1f: {  	_ =	swait.ge [sflag:s16], $0x2800  }
0x20: {  	[sflag:s16] =	ssyncset.done $0x0  }
0x21: {  	[sflag:s16] =	ssyncadd.s32 $0xFFFFD800  }
0x22: {  	[spmem:s2] =	stream.indirect.scatter.add.f32 [tilespmem:s15], [sflag:$0x2], $0x80, s13, s14, $0xb8;
	[tilespmem:$0x16500] =	vst v63  }
0x23: {  	_ =	swait.ge [sflag:s12], $0x2800  }
0x24: {  	s19 =	simm.s32 $0x14;
	s18 =	simm.s32 $0xA;
	[sflag:s12] =	ssyncset.done $0x0  }
.LBB2_2:
0x25: {  	s20 =	sadd.s32 s18, s10  }
0x26: {  	[sflag:s12] =	ssyncadd.s32 $0xFFFFD800;
	s21 =	smov.u32 s19;
	s22 =	sadd.s32 $0xA, s19  }
0x27: {  	[tilespmem:s3], [sflag:$0x2] =	stream.linear.gather [hbm4b:s20+s3], $0x50, $0x38;
	[tilespmem:$0x16500] =	vst v63  }
0x28: {  	p0 =	sne.s32 s19, $0x9BA;
	_ =	swait.ge [sflag:s12], $0x50  }
0x29: {  	[sflag:s12] =	ssyncset.done $0x0  }
0x2a: {  	s19 =	sadd.s32 s18, s9;
	s18 =	smov.u32 s21;
	[sflag:s12] =	ssyncadd.s32 $0xFFFFFFB0  }
0x2b: {  	[tilespmem:s13], [sflag:$0x2] =	stream.linear.gather [hbm4b:s19+s3], $0x50, $0x38;
	[tilespmem:$0x16500] =	vst v63  }
0x2c: {  	_ =	swait.ge [sflag:s12], $0x50  }
0x2d: {  	[sflag:s12] =	ssyncset.done $0x0  }
0x2e: {  	[sflag:s12] =	ssyncadd.s32 $0xFFFFFFB0  }
0x2f: {  	[tilespmem:s15], [sflag:$0x1] =	stream.indirect.gather [hbm4b:s4+s14], $0x80, s3, s14, $0xb8;
	[tilespmem:$0x16500] =	vst v63  }
0x30: {  	_ =	swait.ge [sflag:s16], $0x2800  }
.Ltmp0:
0x31: {  	[sflag:s16] =	ssyncset.done $0x0;
	(pc) =	sbr.rel @p0 .LBB2_2-.Ltmp0, $4  }
0x32: {  	[sflag:s16] =	ssyncadd.s32 $0xFFFFD800  }
0x33: {  	[spmem:s2] =	stream.indirect.scatter.add.f32 [tilespmem:s15], [sflag:$0x2], $0x80, s13, s14, $0xb8;
	[tilespmem:$0x16500] =	vst v63  }
0x34: {  	_ =	swait.ge [sflag:s12], $0x2800  }
0x35: {  	s19 =	smov.u32 s22;
	[sflag:s12] =	ssyncset.done $0x0  }
0x36: {  	s19 =	sadd.s32 s18, s10;
	[sflag:s12] =	ssyncadd.s32 $0xFFFFD800  }
0x37: {  	[tilespmem:s3], [sflag:$0x2] =	stream.linear.gather [hbm4b:s19+s3], $0x50, $0x38;
	[tilespmem:$0x16500] =	vst v63  }
0x38: {  	_ =	swait.ge [sflag:s12], $0x50  }
0x39: {  	[sflag:s12] =	ssyncset.done $0x0  }
0x3a: {  	s31 =	sadd.s32 s18, s9;
	[sflag:s12] =	ssyncadd.s32 $0xFFFFFFB0  }
0x3b: {  	[tilespmem:s13], [sflag:$0x2] =	stream.linear.gather [hbm4b:s31+s3], $0x50, $0x38;
	[tilespmem:$0x16500] =	vst v63  }
0x3c: {  	_ =	swait.ge [sflag:s12], $0x50  }
0x3d: {  	[sflag:s12] =	ssyncset.done $0x0  }
0x3e: {  	[sflag:s12] =	ssyncadd.s32 $0xFFFFFFB0  }
0x3f: {  	[tilespmem:s15], [sflag:$0x1] =	stream.indirect.gather [hbm4b:s4+s14], $0x80, s3, s14, $0xb8;
	[tilespmem:$0x16500] =	vst v63  }
0x40: {  	_ =	swait.ge [sflag:s16], $0x2800  }
0x41: {  	[sflag:s16] =	ssyncset.done $0x0  }
0x42: {  	[sflag:s16] =	ssyncadd.s32 $0xFFFFD800  }
0x43: {  	[spmem:s2] =	stream.indirect.scatter.add.f32 [tilespmem:s15], [sflag:$0x2], $0x80, s13, s14, $0xb8;
	[tilespmem:$0x16500] =	vst v63  }
0x44: {  	_ =	swait.ge [sflag:s12], $0x2800  }
0x45: {  	s17 =	sadd.s32 $0x1, s17;
	[sflag:s12] =	ssyncset.done $0x0  }
0x46: {  	p0 =	sne.s32 s17, s8;
	[sflag:s12] =	ssyncadd.s32 $0xFFFFD800  }
.Ltmp1:
0x47: {  	[bflag:$0x0] =	sbarrier.arrive $0xFFFF;
	(pc) =	sbr.rel @p0 .LBB2_1-.Ltmp1, $4  }
0x48: {  	[hbm:s7], [sflag:s6] =	dma.local [spmem:s11], $0x2780  }
0x49: {  	_ =	swait.ge [sflag:s12], $0x2780  }
0x4a: {  	[sflag:s12] =	ssyncset.done $0x0  }
0x4b: {  	[sflag:s12] =	ssyncadd.s32 $0xFFFFD880  }
0x4c: {  	_ =	sfence.sel $0x180000  }
0x4d: {  	[bflag:$0x0] =	sbarrier.arrive $0xFFFF  }
0x4e: {  	p0 =	sne.s32 s0, $0x0;
	_ =	strace $0x90000056  }
0x4f: {  	s0 =	sadd.s32 @!p0 $0x100000, s1;
	[bflag:$0x2] =	sbarrier.arrive $0xFFFF  }
0x50: {  	[sflag:s0] =	ssyncadd.tile.s32 @!p0 $0x1;
	_ =	shalt  }
.Lfunc_end2:
_tile_overlayer_lowered:
.L_overlay_start_2:
0x51: {  	(tag) =	ssettag $0x2  }
0x52: {  	s0 =	rddreg [dreg:$0x0];
	s2 =	stileid.u32  }
0x53: {  	s1 =	rddreg [dreg:$0x1];
	p0 =	sne.s32 s2, $0x0  }
0x54: {  	s3 =	rddreg [dreg:$0x2];
	[bflag:$0x3] =	sbarrier.arrive $0xFFFF;
	s2 =	simm.s32 @!p0 $0x1C02  }
0x55: {  	[timem:s3], [sflag:s2] =	dma.local @!p0 [hbm:s0], s1  }
0x56: {  	s0 =	simm.s32 @!p0 $0x2  }
0x57: {  	_ =	swait.ge @!p0 [sflag:s0], s1  }
0x58: {  	s1 =	ssub.s32 @!p0 $0x0, s1;
	[sflag:s0] =	ssyncset.done @!p0 $0x0  }
0x59: {  	[sflag:s0] =	ssyncadd.s32 @!p0 s1  }
0x5a: {  	[bflag:$0x3] =	sbarrier.arrive $0xFFFF  }
0x5b: {  	_ =	shalt  }

// kernel: kernel.43.cloned.1.call-start
scs
__scs_entry_jumppad:
0x0: {  	(pc) =	sbr.rel $0x88, $3  }
0x1: {  	(tag) =	ssettag $0x0;
	lr =	simm.s32 $0x1  }
0x2: {  	[smem:$0x3F93] =	sst lr;
	_ =	strace $0xD0000000  }
0x3: {  	_ = 	snop  }
0x4: {  	_ = 	snop  }
0x5: {  	_ = 	snop  }
0x6: {  	_ = 	snop  }
0x7: {  	_ = 	snop  }
__scs_overlays_trampoline_lowered:
0x8: {  	[smem:$0x3FA2] =	sst s0  }
0x9: {  	[smem:$0x3FA3] =	sst s1  }
0xa: {  	[smem:$0x3FA4] =	sst s2  }
0xb: {  	[smem:$0x3FA5] =	sst s3  }
0xc: {  	[smem:$0x3FA6] =	sst s4  }
0xd: {  	[smem:$0x3FA7] =	sst s5  }
0xe: {  	[smem:$0x3FA8] =	sst s6  }
0xf: {  	[smem:$0x3FA9] =	sst s7  }
0x10: {  	[smem:$0x3FAA] =	sst s8  }
0x11: {  	[smem:$0x3FAB] =	sst s9;
	s0 =	simm.s32 @!p0 $0x0  }
0x12: {  	s1 =	sld [smem:$0x3F91];
	s0 =	simm.s32 @p0 $0x1  }
0x13: {  	[smem:$0x3FAC] =	sst s0;
	s0 =	simm.s32 @!p1 $0x0  }
0x14: {  	s2 =	sld [smem:$0x3F90];
	s0 =	simm.s32 @p1 $0x1  }
0x15: {  	[smem:$0x3FAD] =	sst s0;
	s0 =	simm.s32 @!p2 $0x0  }
0x16: {  	s3 =	sld [smem:$0x3FDB];
	s0 =	simm.s32 @p2 $0x1  }
0x17: {  	s4 =	simm.s32 $0x1BF5;
	[smem:$0x3FAF] =	sst s0  }
0x18: {  	s0 =	sld [smem:$0x3F92];
	_ =	swait.ge [sflag:s4], $0x0  }
0x19: {  	s7 =	sld [smem:$0x3F93]  }
0x1a: {  	s8 =	sadd.s32 $0xFFFFE003, lr  }
0x1b: {  	s9 =	sadd.s32 $0xFFFFFEF7, lr;
	s5 =	simm.s32 $0xFFFFFFFF;
	p2 =	slt.u32 s8, $0xFFFFF086  }
0x1c: {  	p1 =	slt.u32 s9, $0xF7A;
	s5 =	simm.s32 @!p2 $0x0  }
0x1d: {  	s5 =	simm.s32 @p1 $0x1;
	p0 =	seq.s32 s7, s2  }
0x1e: {  	s7 =	smul.u32 @!p0 $0xF7A, s2;
	p2 =	seq.s32 @!p0 s5, $0x0  }
0x1f: {  	s9 =	smul.u32 $0xF7A, s1;
	s8 =	simm.s32 @!p0 $0x1BF5;
	p2 =	por !p2, p0  }
0x20: {  	[sflag:s8] =	ssyncset.s32 @!p0 $0xFFFFF086;
	s6 =	sadd.s32 @!p0 s3, s7;
	s7 =	simm.s32 @!p0 $0x108  }
0x21: {  	s3 =	sadd.s32 s3, s9;
	s6 =	sadd.s32 @!p0 $0x88, s6;
	s7 =	simm.s32 @p2 $0x1082  }
0x22: {  	[simem:s7], [sflag:s8] =	dma.local @!p0 [hbm:s6], $0xF7A  }
0x23: {  	s9 =	sor.u32 $0xD0000000, s2;
	s6 =	simm.s32 $0x108;
	_ =	swait.ge @!p0 [sflag:s8], $0x0  }
0x24: {  	s3 =	sadd.s32 $0x88, s3;
	s6 =	simm.s32 @!p1 $0x1082;
	[sflag:s4] =	ssyncset.s32 $0xFFFFF086  }
0x25: {  	[simem:s6], [sflag:s4] =	dma.local [hbm:s3], $0xF7A  }
0x26: {  	[smem:$0x3F93] =	sst s1;
	(tag) =	ssettag s2;
	_ =	strace s9  }
0x27: {  	s1 =	sld [smem:$0x3FA3]  }
0x28: {  	s2 =	sld [smem:$0x3FA4]  }
0x29: {  	s4 =	sld [smem:$0x3FA6]  }
0x2a: {  	p0 =	seq.s32 s5, $0x0;
	s5 =	sld [smem:$0x3FA7]  }
0x2b: {  	s6 =	sld [smem:$0x3FA8]  }
0x2c: {  	s7 =	sld [smem:$0x3FA9]  }
0x2d: {  	s3 =	simm.s32 $0x108;
	s8 =	sld [smem:$0x3FAA]  }
0x2e: {  	s3 =	simm.s32 @!p0 $0x1082;
	s9 =	sld [smem:$0x3FAB]  }
0x2f: {  	lr =	sadd.s32 s0, s3;
	s0 =	sld [smem:$0x3FA2]  }
0x30: {  	s3 =	sld [smem:$0x3FA5]  }
0x31: {  	[smem:$0x3FAE] =	sst s10  }
0x32: {  	s10 =	sld [smem:$0x3FAC];
	_ =	sdelay $0x3  }
0x33: {  	p0 =	seq.s32 s10, $0x1;
	s10 =	sld [smem:$0x3FAE];
	_ =	sdelay $0x3  }
0x34: {  	[smem:$0x3FAE] =	sst s10  }
0x35: {  	s10 =	sld [smem:$0x3FAD];
	_ =	sdelay $0x3  }
0x36: {  	p1 =	seq.s32 s10, $0x1;
	s10 =	sld [smem:$0x3FAE];
	_ =	sdelay $0x3  }
0x37: {  	[smem:$0x3FAE] =	sst s10  }
0x38: {  	s10 =	sld [smem:$0x3FAF]  }
0x39: {  	_ = 	snop;
	(pc) =	sbr.ind lr, $3  }
0x3a: {  	_ = 	snop  }
0x3b: {  	_ = 	snop  }
0x3c: {  	p2 =	seq.s32 s10, $0x1;
	s10 =	sld [smem:$0x3FAE]  }
0x3d: {  	_ =	shalt  }
0x3e: {  	_ =	shalt  }
0x3f: {  	_ =	shalt  }
0x40: {  	_ =	shalt  }
0x41: {  	_ =	shalt  }
0x42: {  	_ =	shalt  }
0x43: {  	_ =	shalt  }
0x44: {  	_ =	shalt  }
0x45: {  	_ =	shalt  }
0x46: {  	_ =	shalt  }
0x47: {  	_ =	shalt  }
0x48: {  	_ =	shalt  }
0x49: {  	_ =	shalt  }
0x4a: {  	_ =	shalt  }
0x4b: {  	_ =	shalt  }
0x4c: {  	_ =	shalt  }
0x4d: {  	_ =	shalt  }
0x4e: {  	_ =	shalt  }
0x4f: {  	_ =	shalt  }
0x50: {  	_ =	shalt  }
0x51: {  	_ =	shalt  }
0x52: {  	_ =	shalt  }
0x53: {  	_ =	shalt  }
0x54: {  	_ =	shalt  }
0x55: {  	_ =	shalt  }
0x56: {  	_ =	shalt  }
0x57: {  	_ =	shalt  }
0x58: {  	_ =	shalt  }
0x59: {  	_ =	shalt  }
0x5a: {  	_ =	shalt  }
0x5b: {  	_ =	shalt  }
0x5c: {  	_ =	shalt  }
0x5d: {  	_ =	shalt  }
0x5e: {  	_ =	shalt  }
0x5f: {  	_ =	shalt  }
0x60: {  	_ =	shalt  }
0x61: {  	_ =	shalt  }
0x62: {  	_ =	shalt  }
0x63: {  	_ =	shalt  }
0x64: {  	_ =	shalt  }
0x65: {  	_ =	shalt  }
0x66: {  	_ =	shalt  }
0x67: {  	_ =	shalt  }
0x68: {  	_ =	shalt  }
0x69: {  	_ =	shalt  }
0x6a: {  	_ =	shalt  }
0x6b: {  	_ =	shalt  }
0x6c: {  	_ =	shalt  }
0x6d: {  	_ =	shalt  }
0x6e: {  	_ =	shalt  }
0x6f: {  	_ =	shalt  }
0x70: {  	_ =	shalt  }
0x71: {  	_ =	shalt  }
0x72: {  	_ =	shalt  }
0x73: {  	_ =	shalt  }
0x74: {  	_ =	shalt  }
0x75: {  	_ =	shalt  }
0x76: {  	_ =	shalt  }
0x77: {  	_ =	shalt  }
0x78: {  	_ =	shalt  }
0x79: {  	_ =	shalt  }
0x7a: {  	_ =	shalt  }
0x7b: {  	_ =	shalt  }
0x7c: {  	_ =	shalt  }
0x7d: {  	_ =	shalt  }
0x7e: {  	_ =	shalt  }
0x7f: {  	_ =	shalt  }
0x80: {  	_ =	shalt  }
0x81: {  	_ =	shalt  }
0x82: {  	_ =	shalt  }
0x83: {  	_ =	shalt  }
0x84: {  	_ =	shalt  }
0x85: {  	_ =	shalt  }
0x86: {  	_ =	shalt  }
0x87: {  	_ =	shalt  }
.Lfunc_end0:
.L_simem_size_0:
called_computation.6_lowered:
.L_overlay_start_0:
0x88: {  	s2 =	sld [smem:$0x3FD9]  }
0x89: {  	s3 =	sld [smem:$0x3FFE];
	_ =	sdelay $0x1  }
0x8a: {  	s1 =	srdreg.scid  }
0x8b: {  	s0 =	sand.u32 $0x1, s1  }
0x8c: {  	s17 =	sshll.u32 s0, $0xA;
	s2 =	sadd.s32 s3, s2  }
0x8d: {  	s2 =	sadd.s32 s2, s17  }
0x8e: {  	[smem:$0x3FBA] =	sst s2  }
0x8f: {  	_ = 	snop  }
0x90: {  	s2 =	sld [smem:$0x3FD0];
	(tm) =	ssettm $0x1  }
0x91: {  	s18 =	sld [smem:$0x3FFB];
	_ =	sdelay $0x3  }
0x92: {  	_ =	strace s18  }
0x93: {  	s3 =	sld [smem:$0x3FFC];
	_ =	sdelay $0x3  }
0x94: {  	_ =	strace s3  }
0x95: {  	s3 =	sld [smem:$0x3FFD];
	_ =	sdelay $0x3  }
0x96: {  	_ =	strace s3  }
0x97: {  	_ =	strace $0x8FFFFFFF  }
0x98: {  	s19 =	sld [smem:$0x3FDB];
	_ =	sdelay $0x1  }
0x99: {  	s4 =	simm.s32 $_scs_section_size  }
0x9a: {  	s5 =	simm.s32 $_size__tile_overlayer_lowered;
	s6 =	simm.s32 $_tile_overlayer_lowered  }
0x9b: {  	s22 =	simm.s32 $0x1BFF;
	s21 =	sshll.u32 s6, $0x1;
	s3 =	sadd.s32 s4, s19  }
0x9c: {  	s7 =	simm.s32 $0x0;
	s20 =	sshll.u32 s5, $0x1;
	s5 =	sadd.s32 s21, s3  }
0x9d: {  	[timem:s7], [sflag:s22] =	dma.local [hbm:s5], s20  }
0x9e: {  	_ =	swait.ge [sflag:s22], s20  }
0x9f: {  	s4 =	ssub.s32 $0x0, s20;
	[sflag:s22] =	ssyncset.done $0x0  }
0xa0: {  	[sflag:s22] =	ssyncadd.s32 s4;
	_ =	sdelay $0x1  }
0xa1: {  	s23 =	simm.s32 $0x1B8B  }
0xa2: {  	_ =	swait.ge [sflag:s23], $0x1  }
0xa3: {  	[sflag:s23] =	ssyncset.done $0x0  }
0xa4: {  	s25 =	simm.s32 $0x1B8E;
	s24 =	sld [smem:$0x3FFE];
	[sflag:s23] =	ssyncadd.s32 $0xFFFFFFFF  }
0xa5: {  	s26 =	simm.s32 $execute0_lowered;
	[smem:$0x3FD2] =	sst s25  }
0xa6: {  	s5 =	sshll.u32 s26, $0x1;
	_ =	strace $0x80000058;
	[dreg:$0x1] =	wrdreg $0xFFFFFFFF  }
0xa7: {  	s28 =	simm.s32 $_size_execute0_lowered;
	s3 =	sadd.s32 s3, s5;
	[dreg:$0x0] =	wrdreg $0x0  }
0xa8: {  	s5 =	sshll.u32 s28, $0x1;
	[dreg:$0x2] =	wrdreg s3  }
0xa9: {  	[dreg:$0x3] =	wrdreg s5  }
0xaa: {  	[dreg:$0x4] =	wrdreg $0xC0  }
0xab: {  	_ =	task [dreg:s7], $0x5FFFF  }
0xac: {  	[dreg:$0x1] =	wrdreg $0xFFFFFFFF  }
0xad: {  	[dreg:$0x0] =	wrdreg $0x60  }
0xae: {  	[dreg:$0x2] =	wrdreg s24  }
0xaf: {  	[dreg:$0x3] =	wrdreg s2  }
0xb0: {  	[dreg:$0x4] =	wrdreg $0x29000  }
0xb1: {  	[dreg:$0x5] =	wrdreg $0x9  }
0xb2: {  	_ =	task.clear_ibuf [dreg:s7], $0x6FFFF;
	_ =	strace $0x90000058  }
0xb3: {  	s29 =	simm.s32 $0x9;
	_ =	strace $0x8000005A  }
0xb4: {  	_ =	swait.ge [sflag:s29], $0x1  }
0xb5: {  	[sflag:s29] =	ssyncadd.s32 $0xFFFFFFFF  }
0xb6: {  	_ =	strace $0x9000005A  }
0xb7: {  	_ =	sfence  }
0xb8: {  	s30 =	sld [smem:$0x0];
	_ =	sdelay $0x2  }
0xb9: {  	s31 =	sshll.u32 s1, $0xD;
	s1 =	sshrl.u32 s1, $0x2  }
0xba: {  	s3 =	sand.u32 $0x4000, s31;
	s1 =	sadd.s32 s1, s30  }
0xbb: {  	s0 =	sor.u32 s3, s0;
	s1 =	sshll.u32 s1, $0x11  }
0xbc: {  	s0 =	sor.u32 s1, s0  }
0xbd: {  	s0 =	sadd.s32 $0x8F2B, s0  }
0xbe: {  	[sflag:s0] =	ssyncadd.remote.s32 $0x1  }
0xbf: {  	_ =	sfence.sel $0xFFFF  }
0xc0: {  	[dreg:$0x0] =	wrdreg $0xFFFFFFFF;
	(pc) =	sbr.abs _section_cstart, $3  }
0xc1: {  	[dreg:$0x1] =	wrdreg $0xFFFFFFFF  }
0xc2: {  	_ =	task.clear_ibuf [dreg:s7], $0x2FFFF;
	_ =	strace $0x9FFFFFFF  }
0xc3: {  	(tm) =	ssettm $0x7FFFFFFF  }
tec
execute0_lowered:
.L_overlay_start_1:
0x0: {  	(tag) =	ssettag $0x1  }
0x1: {  	s6 =	rddreg [dreg:$0x0]  }
0x2: {  	s9 =	rddreg [dreg:$0x1]  }
0x3: {  	s2 =	rddreg [dreg:$0x2]  }
0x4: {  	s0 =	srdreg.scid;
	s1 =	rddreg [dreg:$0x3]  }
0x5: {  	s3 =	simm.s32 $0x0;
	s13 =	simm.s32 $0x80;
	s5 =	sand.u32 $0x1, s0  }
0x6: {  	s14 =	simm.s32 $0x50;
	s0 =	stileid.u32;
	s4 =	smul.u32 $0x4E200, s5  }
0x7: {  	s15 =	simm.s32 $0x100;
	s16 =	simm.s32 $0x1;
	s7 =	smul.u32 $0x4E20, s0  }
0x8: {  	s17 =	simm.s32 $0x0;
	[smem:$0x7FF] =	sst s3;
	s25 =	smul.u32 $0x2780, s0  }
0x9: {  	_ =	strace $0x80000059;
	s8 =	smul.u32 $0x27800, s5;
	s11 =	ssub.s32 $0x2, s5  }
0xa: {  	s12 =	smul.u32 $0x4F000, s0;
	s5 =	sadd.s32 $0x94400, s6;
	s30 =	sshll.u32 s0, $0x6  }
0xb: {  	s31 =	smul.u32 $0x9C4, s0;
	s26 =	sshrl.u32 s11, $0x1;
	s4 =	sadd.s32 s7, s4  }
0xc: {  	s7 =	sadd.s32 s25, s8;
	s8 =	ssub.s32 s11, s26;
	s28 =	sshrl.u32 s12, $0x2  }
0xd: {  	s9 =	sadd.s32 s31, s9;
	s12 =	simm.s32 $0x2;
	s4 =	sshrl.u32 s4, $0x3  }
0xe: {  	s7 =	sadd.s32 s7, s6;
	s29 =	sadd.s32 s28, s2;
	s8 =	smax.u32 s8, $0x1  }
0xf: {  	s10 =	sadd.s32 s4, s6;
	s4 =	sadd.s32 $0x1F000, s6;
	s6 =	sor.u32 $0x1C02, s30  }
0x10: {  	s7 =	sadd.s32 $0xEE000, s7;
	s11 =	sshrl.u32 s29, $0x3;
	s10 =	sadd.s32 $0xB600, s10  }
.LBB2_1:
0x11: {  	[spmem:s11], [sflag:s6] =	dma.local [hbm:s5], $0x2780  }
0x12: {  	_ =	swait.ge [sflag:s12], $0x2780  }
0x13: {  	[sflag:s12] =	ssyncset.done $0x0  }
0x14: {  	[sflag:s12] =	ssyncadd.s32 $0xFFFFD880  }
0x15: {  	s18 =	sadd.s32 $0x0, s10;
	[bflag:$0x0] =	sbarrier.arrive $0xFFFF  }
0x16: {  	[tilespmem:s3], [sflag:$0x2] =	stream.linear.gather [hbm4b:s18+s3], $0x50, $0x38;
	[tilespmem:$0x16500] =	vst v63  }
0x17: {  	_ =	swait.ge [sflag:s12], $0x50  }
0x18: {  	[sflag:s12] =	ssyncset.done $0x0  }
0x19: {  	s31 =	sadd.s32 $0x0, s9;
	[sflag:s12] =	ssyncadd.s32 $0xFFFFFFB0  }
0x1a: {  	[tilespmem:s13], [sflag:$0x2] =	stream.linear.gather [hbm4b:s31+s3], $0x50, $0x38;
	[tilespmem:$0x16500] =	vst v63  }
0x1b: {  	_ =	swait.ge [sflag:s12], $0x50  }
0x1c: {  	[sflag:s12] =	ssyncset.done $0x0  }
0x1d: {  	[sflag:s12] =	ssyncadd.s32 $0xFFFFFFB0  }
0x1e: {  	[tilespmem:s15], [sflag:$0x1] =	stream.indirect.gather [hbm4b:s4+s14], $0x80, s3, s14, $0xb8;
	[tilespmem:$0x16500] =	vst v63  }
0x1f: {  	_ =	swait.ge [sflag:s16], $0x2800  }
0x20: {  	[sflag:s16] =	ssyncset.done $0x0  }
0x21: {  	[sflag:s16] =	ssyncadd.s32 $0xFFFFD800  }
0x22: {  	[spmem:s2] =	stream.indirect.scatter.add.f32 [tilespmem:s15], [sflag:$0x2], $0x80, s13, s14, $0xb8;
	[tilespmem:$0x16500] =	vst v63  }
0x23: {  	_ =	swait.ge [sflag:s12], $0x2800  }
0x24: {  	s19 =	simm.s32 $0x14;
	s18 =	simm.s32 $0xA;
	[sflag:s12] =	ssyncset.done $0x0  }
.LBB2_2:
0x25: {  	s20 =	sadd.s32 s18, s10  }
0x26: {  	[sflag:s12] =	ssyncadd.s32 $0xFFFFD800;
	s21 =	smov.u32 s19;
	s22 =	sadd.s32 $0xA, s19  }
0x27: {  	[tilespmem:s3], [sflag:$0x2] =	stream.linear.gather [hbm4b:s20+s3], $0x50, $0x38;
	[tilespmem:$0x16500] =	vst v63  }
0x28: {  	p0 =	sne.s32 s19, $0x9BA;
	_ =	swait.ge [sflag:s12], $0x50  }
0x29: {  	[sflag:s12] =	ssyncset.done $0x0  }
0x2a: {  	s19 =	sadd.s32 s18, s9;
	s18 =	smov.u32 s21;
	[sflag:s12] =	ssyncadd.s32 $0xFFFFFFB0  }
0x2b: {  	[tilespmem:s13], [sflag:$0x2] =	stream.linear.gather [hbm4b:s19+s3], $0x50, $0x38;
	[tilespmem:$0x16500] =	vst v63  }
0x2c: {  	_ =	swait.ge [sflag:s12], $0x50  }
0x2d: {  	[sflag:s12] =	ssyncset.done $0x0  }
0x2e: {  	[sflag:s12] =	ssyncadd.s32 $0xFFFFFFB0  }
0x2f: {  	[tilespmem:s15], [sflag:$0x1] =	stream.indirect.gather [hbm4b:s4+s14], $0x80, s3, s14, $0xb8;
	[tilespmem:$0x16500] =	vst v63  }
0x30: {  	_ =	swait.ge [sflag:s16], $0x2800  }
.Ltmp0:
0x31: {  	[sflag:s16] =	ssyncset.done $0x0;
	(pc) =	sbr.rel @p0 .LBB2_2-.Ltmp0, $4  }
0x32: {  	[sflag:s16] =	ssyncadd.s32 $0xFFFFD800  }
0x33: {  	[spmem:s2] =	stream.indirect.scatter.add.f32 [tilespmem:s15], [sflag:$0x2], $0x80, s13, s14, $0xb8;
	[tilespmem:$0x16500] =	vst v63  }
0x34: {  	_ =	swait.ge [sflag:s12], $0x2800  }
0x35: {  	s19 =	smov.u32 s22;
	[sflag:s12] =	ssyncset.done $0x0  }
0x36: {  	s19 =	sadd.s32 s18, s10;
	[sflag:s12] =	ssyncadd.s32 $0xFFFFD800  }
0x37: {  	[tilespmem:s3], [sflag:$0x2] =	stream.linear.gather [hbm4b:s19+s3], $0x50, $0x38;
	[tilespmem:$0x16500] =	vst v63  }
0x38: {  	_ =	swait.ge [sflag:s12], $0x50  }
0x39: {  	[sflag:s12] =	ssyncset.done $0x0  }
0x3a: {  	s31 =	sadd.s32 s18, s9;
	[sflag:s12] =	ssyncadd.s32 $0xFFFFFFB0  }
0x3b: {  	[tilespmem:s13], [sflag:$0x2] =	stream.linear.gather [hbm4b:s31+s3], $0x50, $0x38;
	[tilespmem:$0x16500] =	vst v63  }
0x3c: {  	_ =	swait.ge [sflag:s12], $0x50  }
0x3d: {  	[sflag:s12] =	ssyncset.done $0x0  }
0x3e: {  	[sflag:s12] =	ssyncadd.s32 $0xFFFFFFB0  }
0x3f: {  	[tilespmem:s15], [sflag:$0x1] =	stream.indirect.gather [hbm4b:s4+s14], $0x80, s3, s14, $0xb8;
	[tilespmem:$0x16500] =	vst v63  }
0x40: {  	_ =	swait.ge [sflag:s16], $0x2800  }
0x41: {  	[sflag:s16] =	ssyncset.done $0x0  }
0x42: {  	[sflag:s16] =	ssyncadd.s32 $0xFFFFD800  }
0x43: {  	[spmem:s2] =	stream.indirect.scatter.add.f32 [tilespmem:s15], [sflag:$0x2], $0x80, s13, s14, $0xb8;
	[tilespmem:$0x16500] =	vst v63  }
0x44: {  	_ =	swait.ge [sflag:s12], $0x2800  }
0x45: {  	s17 =	sadd.s32 $0x1, s17;
	[sflag:s12] =	ssyncset.done $0x0  }
0x46: {  	p0 =	sne.s32 s17, s8;
	[sflag:s12] =	ssyncadd.s32 $0xFFFFD800  }
.Ltmp1:
0x47: {  	[bflag:$0x0] =	sbarrier.arrive $0xFFFF;
	(pc) =	sbr.rel @p0 .LBB2_1-.Ltmp1, $4  }
0x48: {  	[hbm:s7], [sflag:s6] =	dma.local [spmem:s11], $0x2780  }
0x49: {  	_ =	swait.ge [sflag:s12], $0x2780  }
0x4a: {  	[sflag:s12] =	ssyncset.done $0x0  }
0x4b: {  	[sflag:s12] =	ssyncadd.s32 $0xFFFFD880  }
0x4c: {  	_ =	sfence.sel $0x180000  }
0x4d: {  	[bflag:$0x0] =	sbarrier.arrive $0xFFFF  }
0x4e: {  	p0 =	sne.s32 s0, $0x0;
	_ =	strace $0x90000059  }
0x4f: {  	s0 =	sadd.s32 @!p0 $0x100000, s1;
	[bflag:$0x2] =	sbarrier.arrive $0xFFFF  }
0x50: {  	[sflag:s0] =	ssyncadd.tile.s32 @!p0 $0x1;
	_ =	shalt  }
.Lfunc_end2:
_tile_overlayer_lowered:
.L_overlay_start_2:
0x51: {  	(tag) =	ssettag $0x2  }
0x52: {  	s0 =	rddreg [dreg:$0x0];
	s2 =	stileid.u32  }
0x53: {  	s1 =	rddreg [dreg:$0x1];
	p0 =	sne.s32 s2, $0x0  }
0x54: {  	s3 =	rddreg [dreg:$0x2];
	[bflag:$0x3] =	sbarrier.arrive $0xFFFF;
	s2 =	simm.s32 @!p0 $0x1C02  }
0x55: {  	[timem:s3], [sflag:s2] =	dma.local @!p0 [hbm:s0], s1  }
0x56: {  	s0 =	simm.s32 @!p0 $0x2  }
0x57: {  	_ =	swait.ge @!p0 [sflag:s0], s1  }
0x58: {  	s1 =	ssub.s32 @!p0 $0x0, s1;
	[sflag:s0] =	ssyncset.done @!p0 $0x0  }
0x59: {  	[sflag:s0] =	ssyncadd.s32 @!p0 s1  }
0x5a: {  	[bflag:$0x3] =	sbarrier.arrive $0xFFFF  }
0x5b: {  	_ =	shalt  }

</sc_bundles>
